<compile_context>
chip_gen: v7x
topology: tpu7x:2x2x1
jax: 0.10.2.dev20260603
libtpu: 0.0.44.dev20260713+nightly
codegen_flags: <defaults>
</compile_context>

<pallas_src>
import functools

import jax
import jax.numpy as jnp
from jax import lax
from jax.experimental import pallas as pl
from jax.experimental.pallas import tpu as pltpu
from jax.experimental.pallas import tpu_sc as plsc

N = 10000
E = 320000
C = 128
D_FEAT = 128
EMB = 64
B = 256
NUM_RHS = 100000

NC = 2
NS = 16
NW = NC * NS
EPT = E // NW
K = 80
NCH = EPT // K
NPAD = 10240
RPT = NPAD // NS
CAP = EPT + K + 16
EPG = EPT // 16
GP = 640
A2 = 2 * B
RT = 2048

_SC_MESH = dict(core_axis_name="c", subcore_axis_name="s")


def _sc_agg_full(h, srcf, dstf):

    @functools.partial(
        pl.kernel,
        mesh=plsc.VectorSubcoreMesh(**_SC_MESH),
        out_type=jax.ShapeDtypeStruct((NC * NPAD, C), jnp.float32),
        scratch_types=[
            pltpu.VMEM((K,), jnp.int32),
            pltpu.VMEM((K,), jnp.int32),
            pltpu.VMEM((K,), jnp.int32),
            pltpu.VMEM((K,), jnp.int32),
            pltpu.VMEM((K,), jnp.int32),
            pltpu.VMEM((K,), jnp.int32),
            pltpu.VMEM((K, C), jnp.float32),
            pltpu.VMEM((K, C), jnp.float32),
            pltpu.VMEM((K, C), jnp.float32),
            pltpu.VMEM_SHARED((NPAD, C), jnp.float32),
            pltpu.SemaphoreType.DMA,
            pltpu.SemaphoreType.DMA,
            pltpu.SemaphoreType.DMA,
            pltpu.SemaphoreType.DMA,
            pltpu.SemaphoreType.DMA,
            pltpu.SemaphoreType.DMA,
            pltpu.SemaphoreType.DMA,
            pltpu.SemaphoreType.DMA,
            pltpu.SemaphoreType.DMA,
            pltpu.SemaphoreType.DMA,
            pltpu.SemaphoreType.DMA,
            pltpu.SemaphoreType.DMA,
        ],
    )
    def agg(h_hbm, src_hbm, dst_hbm, out_hbm, s0, s1, s2, d0, d1, d2,
            r0, r1, r2, acc_sh,
            si0, si1, si2, sd0, sd1, sd2, sg0, sg1, sg2, ss0, ss1, ss2):
        c = lax.axis_index("c")
        s = lax.axis_index("s")
        wid = c * NS + s
        row0 = s * RPT
        ebase = wid * EPT
        sbufs = (s0, s1, s2)
        dbufs = (d0, d1, d2)
        rbufs = (r0, r1, r2)
        sis = (si0, si1, si2)
        sds = (sd0, sd1, sd2)
        sgs = (sg0, sg1, sg2)
        sss = (ss0, ss1, ss2)

        def src_fetch(ch, b):
            return pltpu.make_async_copy(
                src_hbm.at[pl.ds(ebase + ch * K, K)], sbufs[b], sis[b])

        def dst_fetch(ch, b):
            return pltpu.make_async_copy(
                dst_hbm.at[pl.ds(ebase + ch * K, K)], dbufs[b], sds[b])

        def gather(b):
            return pltpu.make_async_copy(
                h_hbm.at[sbufs[b]], rbufs[b], sgs[b])

        def scatter_start(b):
            pltpu.async_copy(rbufs[b], acc_sh.at[dbufs[b]], sss[b],
                             add=True)

        def scatter_wait(b):
            pltpu.make_async_copy(rbufs[b], acc_sh.at[dbufs[b]],
                                  sss[b]).wait()

        for ch in range(3):
            src_fetch(ch, ch).start()
        for ch in range(2):
            dst_fetch(ch, ch).start()

        def zrow(r, carry):
            def zcol(j, carry2):
                r0[r, pl.ds(j * 16, 16)] = jnp.zeros((16,), jnp.float32)
                return carry2
            return lax.fori_loop(0, C // 16, zcol, carry)
        lax.fori_loop(0, K, zrow, 0)
        for t in range(RPT // K):
            pltpu.sync_copy(r0, acc_sh.at[pl.ds(row0 + t * K, K)])

        src_fetch(0, 0).wait()
        gather(0).start()
        src_fetch(1, 1).wait()
        gather(1).start()
        plsc.subcore_barrier()

        def body(io, carry):
            for b in range(3):
                ch = 3 * io + b
                b2 = (b + 2) % 3
                gather(b).wait()

                @pl.when(ch + 3 < NCH)
                def _():
                    src_fetch(ch + 3, b).start()

                dst_fetch(ch, b).wait()
                scatter_start(b)

                @pl.when(ch + 2 < NCH)
                def _():
                    @pl.when(ch >= 1)
                    def _():
                        scatter_wait(b2)
                    src_fetch(ch + 2, b2).wait()
                    gather(b2).start()
                    dst_fetch(ch + 2, b2).start()
            return carry

        lax.fori_loop(0, NCH // 3, body, 0)
        for ch in (NCH - 2, NCH - 1):
            b = ch % 3
            gather(b).wait()
            dst_fetch(ch, b).wait()
            scatter_start(b)
        for b in ((NCH - 3) % 3, (NCH - 2) % 3, (NCH - 1) % 3):
            scatter_wait(b)
        plsc.subcore_barrier()

        for t in range(RPT // K):
            pltpu.sync_copy(acc_sh.at[pl.ds(row0 + t * K, K)], r0)
            pltpu.sync_copy(
                r0, out_hbm.at[pl.ds(c * NPAD + row0 + t * K, K)])

    return agg(h, srcf, dstf)


def _edge_prep(dst2, dst3):

    def body(d2_ref, d3_ref, dred_ref, goff_ref):
        d2 = d2_ref[...]
        i_flat = lax.broadcasted_iota(jnp.int32, (NW, EPT), 1)
        dred_ref[...] = jnp.where(d2 < B, d2, B + (i_flat & (B - 1)))
        kg = jnp.min(d3_ref[...], axis=2) < B
        kf = jnp.where(kg, 16.0, 0.0).astype(jnp.float32)
        gi = lax.broadcasted_iota(jnp.int32, (EPG, GP), 0)
        gj = lax.broadcasted_iota(jnp.int32, (EPG, GP), 1)
        slt = jnp.where(gi < gj, 1.0, 0.0).astype(jnp.float32)
        goff_ref[...] = jnp.dot(
            kf, slt, preferred_element_type=jnp.float32).astype(jnp.int32)

    return pl.pallas_call(
        body,
        out_shape=[
            jax.ShapeDtypeStruct((NW, EPT), jnp.int32),
            jax.ShapeDtypeStruct((NW, GP), jnp.int32),
        ],
    )(dst2, dst3)


def _sc_agg_seed(h, srcf, dredf, goff):

    @functools.partial(
        pl.kernel,
        mesh=plsc.VectorSubcoreMesh(**_SC_MESH),
        out_type=jax.ShapeDtypeStruct((NC * B, C), jnp.float32),
        scratch_types=[
            pltpu.VMEM((EPT,), jnp.int32),
            pltpu.VMEM((EPT,), jnp.int32),
            pltpu.VMEM((GP,), jnp.int32),
            pltpu.VMEM((CAP,), jnp.int32),
            pltpu.VMEM((CAP,), jnp.int32),
            pltpu.VMEM((K,), jnp.int32),
            pltpu.VMEM((K,), jnp.int32),
            pltpu.VMEM((K, C), jnp.float32),
            pltpu.VMEM((K, C), jnp.float32),
            pltpu.VMEM((A2 // NS, C), jnp.float32),
            pltpu.VMEM_SHARED((A2, C), jnp.float32),
            pltpu.SemaphoreType.DMA,
            pltpu.SemaphoreType.DMA,
            pltpu.SemaphoreType.DMA,
        ],
    )
    def agg(h_hbm, src_hbm, dst_hbm, goff_hbm, out_hbm, src_v, dst_v,
            gof_v, csrc, cdst, dc0, dc1, r0, r1, zb_v, acc_sh, semi,
            sg0, sg1):
        c = lax.axis_index("c")
        s = lax.axis_index("s")
        wid = c * NS + s
        ebase = wid * EPT

        pltpu.async_copy(src_hbm.at[pl.ds(ebase, EPT)], src_v, semi)
        pltpu.async_copy(dst_hbm.at[pl.ds(ebase, EPT)], dst_v, semi)
        pltpu.async_copy(goff_hbm.at[wid], gof_v, semi)

        def zrow(r, carry):
            def zcol(j, carry2):
                zb_v[r, pl.ds(j * 16, 16)] = jnp.zeros((16,), jnp.float32)
                return carry2
            return lax.fori_loop(0, C // 16, zcol, carry)
        lax.fori_loop(0, A2 // NS, zrow, 0)
        pltpu.sync_copy(zb_v, acc_sh.at[pl.ds(s * (A2 // NS), A2 // NS)])

        pltpu.make_async_copy(src_hbm.at[pl.ds(ebase, EPT)], src_v,
                              semi).wait()
        pltpu.make_async_copy(dst_hbm.at[pl.ds(ebase, EPT)], dst_v,
                              semi).wait()
        pltpu.make_async_copy(goff_hbm.at[wid], gof_v, semi).wait()

        lane = lax.iota(jnp.int32, 16)

        def crow(blk, carry):
            goffs = gof_v[pl.ds(blk * 16, 16)]
            for j in range(16):
                g16 = blk * 256 + j * 16
                csrc[pl.ds(goffs[j], 16)] = src_v[pl.ds(g16, 16)]
                cdst[pl.ds(goffs[j], 16)] = dst_v[pl.ds(g16, 16)]
            return carry

        lax.fori_loop(0, EPG // 16, crow, 0)
        tail = gof_v[pl.ds(EPG - 1, 16)]
        csrc[pl.ds(tail[0], 16)] = src_v[pl.ds((EPG - 1) * 16, 16)]
        cdst[pl.ds(tail[0], 16)] = dst_v[pl.ds((EPG - 1) * 16, 16)]
        cnt = tail[1]

        for j in range(K // 16 - 1):
            csrc[pl.ds(cnt + j * 16, 16)] = jnp.zeros((16,), jnp.int32)
            cdst[pl.ds(cnt + j * 16, 16)] = B + ((lane + j * 16) & (B - 1))

        @pl.when(0 < cnt)
        def _():
            pltpu.async_copy(h_hbm.at[csrc.at[pl.ds(0, K)]], r0, sg0)

        @pl.when(K < cnt)
        def _():
            pltpu.async_copy(h_hbm.at[csrc.at[pl.ds(K, K)]], r1, sg1)

        plsc.subcore_barrier()

        def body(io, carry):
            ring = ((r0, sg0, dc0), (r1, sg1, dc1))
            for b, (rb, sgb, dcb) in enumerate(ring):
                ch = 2 * io + b

                @pl.when(ch * K < cnt)
                def _():
                    for j in range(K // 16):
                        dcb[pl.ds(j * 16, 16)] = (
                            cdst[pl.ds(ch * K + j * 16, 16)])
                    pltpu.make_async_copy(
                        h_hbm.at[csrc.at[pl.ds(ch * K, K)]], rb, sgb).wait()
                    pltpu.sync_copy(rb, acc_sh.at[dcb], add=True)
                    nxt = ch + 2

                    @pl.when(nxt * K < cnt)
                    def _():
                        pltpu.async_copy(
                            h_hbm.at[csrc.at[pl.ds(nxt * K, K)]], rb, sgb)
            return carry

        lax.fori_loop(0, NCH // 2, body, 0)

        @pl.when((NCH - 1) * K < cnt)
        def _():
            for j in range(K // 16):
                dc0[pl.ds(j * 16, 16)] = (
                    cdst[pl.ds((NCH - 1) * K + j * 16, 16)])
            pltpu.make_async_copy(
                h_hbm.at[csrc.at[pl.ds((NCH - 1) * K, K)]], r0, sg0).wait()
            pltpu.sync_copy(r0, acc_sh.at[dc0], add=True)

        plsc.subcore_barrier()

        pltpu.sync_copy(acc_sh.at[pl.ds(s * 16, 16)], zb_v.at[pl.ds(0, 16)])
        pltpu.sync_copy(zb_v.at[pl.ds(0, 16)],
                        out_hbm.at[pl.ds(c * B + s * 16, 16)])

    return agg(h, srcf, dredf, goff)


def _encoder(x, node_time, seed_time, batch_idx, W_enc, b_enc, id_aware,
             w_time, b_time):
    def body(x_ref, nt_ref, st_ref, bi_ref, W_ref, be_ref, ia_ref, wt_ref,
             bt_ref, o_ref):
        h = jnp.dot(x_ref[...], W_ref[...], preferred_element_type=jnp.float32)
        sel = bi_ref[...] == lax.broadcasted_iota(jnp.int32, (N, B), 1)
        st = jnp.sum(jnp.where(sel, st_ref[...], 0.0), axis=1, keepdims=True)
        rel = st - nt_ref[...]
        rowid = lax.broadcasted_iota(jnp.int32, (N, 1), 0)
        h = h + be_ref[...] + jnp.where(rowid < B, 1.0, 0.0) * ia_ref[...]
        o_ref[...] = h + rel * wt_ref[...] + bt_ref[...]

    return pl.pallas_call(
        body,
        out_shape=jax.ShapeDtypeStruct((N, C), jnp.float32),
    )(x, node_time.reshape(N, 1), seed_time.reshape(1, B),
      batch_idx.reshape(N, 1), W_enc, b_enc.reshape(1, C),
      id_aware.reshape(1, C), w_time.reshape(1, C), b_time.reshape(1, C))


def _sage1(h0, p, W_self1, W_neigh1, b1):
    def body(h_ref, p_ref, ws_ref, wn_ref, b_ref, o_ref):
        agg = p_ref[0:N, :] + p_ref[NPAD:NPAD + N, :]
        o_ref[...] = jax.nn.relu(
            jnp.dot(h_ref[...], ws_ref[...], preferred_element_type=jnp.float32)
            + jnp.dot(agg, wn_ref[...], preferred_element_type=jnp.float32)
            + b_ref[...])

    return pl.pallas_call(
        body,
        out_shape=jax.ShapeDtypeStruct((N, C), jnp.float32),
    )(h0, p, W_self1, W_neigh1, b1.reshape(1, C))


def _score(h1b, a0, a1, W_self2, W_neigh2, b2, lhs_W, lhs_b, rhs_emb):

    def body(h_ref, a0_ref, a1_ref, ws_ref, wn_ref, b_ref, lw_ref, lb_ref,
             r_ref, o_ref, lhs_scr):
        @pl.when(pl.program_id(0) == 0)
        def _():
            agg = a0_ref[...] + a1_ref[...]
            h2 = (jnp.dot(h_ref[...], ws_ref[...],
                          preferred_element_type=jnp.float32)
                  + jnp.dot(agg, wn_ref[...],
                            preferred_element_type=jnp.float32)
                  + b_ref[...])
            lhs_scr[...] = (jnp.dot(h2, lw_ref[...],
                                    preferred_element_type=jnp.float32)
                            + lb_ref[...])

        o_ref[...] = lax.dot_general(
            lhs_scr[...], r_ref[...], (((1,), (1,)), ((), ())),
            preferred_element_type=jnp.float32)

    z = lambda i: (0, 0)
    return pl.pallas_call(
        body,
        grid=(pl.cdiv(NUM_RHS, RT),),
        in_specs=[
            pl.BlockSpec((B, C), z),
            pl.BlockSpec((B, C), z),
            pl.BlockSpec((B, C), z),
            pl.BlockSpec((C, C), z),
            pl.BlockSpec((C, C), z),
            pl.BlockSpec((1, C), z),
            pl.BlockSpec((C, EMB), z),
            pl.BlockSpec((1, EMB), z),
            pl.BlockSpec((RT, EMB), lambda i: (i, 0)),
        ],
        out_specs=pl.BlockSpec((B, RT), lambda i: (0, i)),
        out_shape=jax.ShapeDtypeStruct((B, NUM_RHS), jnp.float32),
        scratch_shapes=[pltpu.VMEM((B, EMB), jnp.float32)],
    )(h1b, a0, a1, W_self2, W_neigh2, b2.reshape(1, C), lhs_W,
      lhs_b.reshape(1, EMB), rhs_emb)


def kernel(x, node_time, seed_time, batch_idx, edge_index, W_enc, b_enc,
           id_aware, w_time, b_time, W_self1, W_neigh1, b1, W_self2,
           W_neigh2, b2, lhs_W, lhs_b, rhs_emb):
    batch_idx = batch_idx.astype(jnp.int32)

    dred, goff = _edge_prep(edge_index[1].reshape(NW, EPT),
                            edge_index[1].reshape(NW, EPG, 16))
    h0 = _encoder(x, node_time, seed_time, batch_idx, W_enc, b_enc,
                  id_aware, w_time, b_time)
    p1 = _sc_agg_full(h0, edge_index[0], edge_index[1])
    h1 = _sage1(h0, p1, W_self1, W_neigh1, b1)
    p2 = _sc_agg_seed(h1, edge_index[0], dred.reshape(E), goff)
    return _score(h1[:B], p2[:B], p2[B:2 * B], W_self2, W_neigh2, b2,
                  lhs_W, lhs_b, rhs_emb)

# --- scband reference (transcript-rebuilt; emitter-appended) ---
"""Pipeline reference for scband-shallow-rhsgnn-50474455663049 (READ-ONLY COPY).

The authoritative reference and input builder live on the scoring server;
editing this copy changes nothing except your own understanding.
"""

import jax, jax.numpy as jnp
import numpy as np

N = 10000
E = 320000
C = 128
D_FEAT = 128
EMB = 64
B = 256
NUM_RHS = 100000


def setup_inputs(seed: int = 0) -> dict:
    key = jax.random.key(seed)
    ks = jax.random.split(key, 20)
    x = jax.random.normal(ks[0], (N, D_FEAT), dtype=jnp.float32)
    node_time = jax.random.uniform(ks[1], (N,), dtype=jnp.float32)
    seed_time = jax.random.uniform(ks[2], (B,), dtype=jnp.float32)
    batch_idx = jax.random.randint(ks[3], (N,), 0, B, dtype=jnp.int64) if jax.config.jax_enable_x64 else jax.random.randint(ks[3], (N,), 0, B).astype(jnp.int32)
    edge_index = jax.random.randint(ks[4], (2, E), 0, N).astype(jnp.int32)
    s = 0.05
    W_enc = jax.random.normal(ks[5], (D_FEAT, C), dtype=jnp.float32) * s
    b_enc = jnp.zeros((C,), dtype=jnp.float32)
    id_aware = jax.random.normal(ks[6], (C,), dtype=jnp.float32) * s
    w_time = jax.random.normal(ks[7], (C,), dtype=jnp.float32) * s
    b_time = jnp.zeros((C,), dtype=jnp.float32)
    W_self1 = jax.random.normal(ks[8], (C, C), dtype=jnp.float32) * s
    W_neigh1 = jax.random.normal(ks[9], (C, C), dtype=jnp.float32) * s
    b1 = jnp.zeros((C,), dtype=jnp.float32)
    W_self2 = jax.random.normal(ks[10], (C, C), dtype=jnp.float32) * s
    W_neigh2 = jax.random.normal(ks[11], (C, C), dtype=jnp.float32) * s
    b2 = jnp.zeros((C,), dtype=jnp.float32)
    lhs_W = jax.random.normal(ks[12], (C, EMB), dtype=jnp.float32) * s
    lhs_b = jnp.zeros((EMB,), dtype=jnp.float32)
    rhs_emb = jax.random.normal(ks[13], (NUM_RHS, EMB), dtype=jnp.float32) * s
    return {
        "x": x, "node_time": node_time, "seed_time": seed_time,
        "batch_idx": batch_idx, "edge_index": edge_index,
        "W_enc": W_enc, "b_enc": b_enc, "id_aware": id_aware,
        "w_time": w_time, "b_time": b_time,
        "W_self1": W_self1, "W_neigh1": W_neigh1, "b1": b1,
        "W_self2": W_self2, "W_neigh2": W_neigh2, "b2": b2,
        "lhs_W": lhs_W, "lhs_b": lhs_b, "rhs_emb": rhs_emb,
    }


def reference(x, node_time, seed_time, batch_idx, edge_index,
              W_enc, b_enc, id_aware, w_time, b_time,
              W_self1, W_neigh1, b1, W_self2, W_neigh2, b2,
              lhs_W, lhs_b, rhs_emb):
    # encoder: tabular features -> channels (stand-in for HeteroEncoder)
    h = x @ W_enc + b_enc
    # id-awareness embedding added to the seed (first batch_size) rows
    h = h.at[:B].add(id_aware)
    # temporal encoder: relative time of each node w.r.t. its seed time
    rel_time = seed_time[batch_idx] - node_time
    h = h + rel_time[:, None] * w_time[None, :] + b_time[None, :]
    # HeteroGraphSAGE with sum aggregation, 2 layers
    src = edge_index[0]
    dst = edge_index[1]
    agg1 = jnp.zeros_like(h).at[dst].add(h[src])
    h = jax.nn.relu(h @ W_self1 + agg1 @ W_neigh1 + b1)
    agg2 = jnp.zeros_like(h).at[dst].add(h[src])
    h = h @ W_self2 + agg2 @ W_neigh2 + b2
    # lhs projection on seed nodes, then score against shallow rhs table
    lhs = h[:B] @ lhs_W + lhs_b
    return lhs @ rhs_emb.T

if __name__ == "__main__":
    import jax
    _d = setup_inputs()
    print(jax.jit(kernel)(*tuple(_d.values())))

</pallas_src>

<mosaic_0001>
#map = affine_map<(d0, d1) -> (0, 0)>
#map1 = affine_map<(d0, d1) -> (0)>
module attributes {stable_mosaic.version = 14 : i64} {
  func.func @agg(%arg0: i32, %arg1: i32, %arg2: memref<10000x128xf32, #tpu.memory_space<hbm>>, %arg3: memref<320000xi32, #tpu.memory_space<hbm>>, %arg4: memref<320000xi32, #tpu.memory_space<hbm>>, %arg5: memref<32x640xi32, #tpu.memory_space<hbm>>, %arg6: memref<512x128xf32, #tpu.memory_space<hbm>>, %arg7: memref<10000xi32, #tpu.memory_space<vmem>>, %arg8: memref<10000xi32, #tpu.memory_space<vmem>>, %arg9: memref<640xi32, #tpu.memory_space<vmem>>, %arg10: memref<10096xi32, #tpu.memory_space<vmem>>, %arg11: memref<10096xi32, #tpu.memory_space<vmem>>, %arg12: memref<80xi32, #tpu.memory_space<vmem>>, %arg13: memref<80xi32, #tpu.memory_space<vmem>>, %arg14: memref<80x128xf32, #tpu.memory_space<vmem>>, %arg15: memref<80x128xf32, #tpu.memory_space<vmem>>, %arg16: memref<32x128xf32, #tpu.memory_space<vmem>>, %arg17: memref<512x128xf32, #tpu.memory_space<vmem_shared>>, %arg18: memref<!tpu.dma_semaphore, #tpu.memory_space<semaphore_mem>>, %arg19: memref<!tpu.dma_semaphore, #tpu.memory_space<semaphore_mem>>, %arg20: memref<!tpu.dma_semaphore, #tpu.memory_space<semaphore_mem>>) attributes {dimension_semantics = [#tpu.dimension_semantics<core_parallel>, #tpu.dimension_semantics<subcore_parallel>], iteration_bounds = array<i64: 2, 16>, scalar_prefetch = 0 : i64, scratch_operands = 14 : i64, tpu.core_type = #tpu.core_type<sc_vector_subcore>, window_params = [{transform_indices = #map}, {transform_indices = #map1}, {transform_indices = #map1}, {transform_indices = #map}, {transform_indices = #map}]} {
    %mul3A = arith.constant 16 : i32
    %mul3A_0 = arith.muli %arg0, %mul3A : i32
    %add3A = arith.addi %mul3A_0, %arg1 : i32
    %mul3A_1 = arith.constant 10000 : i32
    %mul3A_2 = arith.muli %add3A, %mul3A_1 : i32
    %dma_start3A = tpu.memref_slice %arg3[%mul3A_2] : memref<320000xi32, #tpu.memory_space<hbm>> -> memref<10000xi32, #tpu.memory_space<hbm>>
    %dma_start3A_3 = tpu.memref_slice %arg3[%mul3A_2] : memref<320000xi32, #tpu.memory_space<hbm>> -> memref<10000xi32, #tpu.memory_space<hbm>>
    tpu.enqueue_dma source(%dma_start3A_3 : memref<10000xi32, #tpu.memory_space<hbm>>) target(%arg7 : memref<10000xi32, #tpu.memory_space<vmem>>) target_semaphore(%arg18 : memref<!tpu.dma_semaphore, #tpu.memory_space<semaphore_mem>>)
    %dma_start3A_4 = tpu.memref_slice %arg4[%mul3A_2] : memref<320000xi32, #tpu.memory_space<hbm>> -> memref<10000xi32, #tpu.memory_space<hbm>>
    %dma_start3A_5 = tpu.memref_slice %arg4[%mul3A_2] : memref<320000xi32, #tpu.memory_space<hbm>> -> memref<10000xi32, #tpu.memory_space<hbm>>
    tpu.enqueue_dma source(%dma_start3A_5 : memref<10000xi32, #tpu.memory_space<hbm>>) target(%arg8 : memref<10000xi32, #tpu.memory_space<vmem>>) target_semaphore(%arg18 : memref<!tpu.dma_semaphore, #tpu.memory_space<semaphore_mem>>)
    %dma_start3A_6 = arith.constant 0 : i32
    %dma_start3A_7 = tpu.memref_slice %arg5[%add3A, %dma_start3A_6] : memref<32x640xi32, #tpu.memory_space<hbm>> -> memref<1x640xi32, #tpu.memory_space<hbm>>
    %dma_start3A_8 = tpu.memref_squeeze %dma_start3A_7 : memref<1x640xi32, #tpu.memory_space<hbm>> -> memref<640xi32, #tpu.memory_space<hbm>>
    %dma_start3A_9 = arith.constant 0 : i32
    %dma_start3A_10 = tpu.memref_slice %arg5[%add3A, %dma_start3A_9] : memref<32x640xi32, #tpu.memory_space<hbm>> -> memref<1x640xi32, #tpu.memory_space<hbm>>
    %dma_start3A_11 = tpu.memref_squeeze %dma_start3A_10 : memref<1x640xi32, #tpu.memory_space<hbm>> -> memref<640xi32, #tpu.memory_space<hbm>>
    tpu.enqueue_dma source(%dma_start3A_11 : memref<640xi32, #tpu.memory_space<hbm>>) target(%arg9 : memref<640xi32, #tpu.memory_space<vmem>>) target_semaphore(%arg18 : memref<!tpu.dma_semaphore, #tpu.memory_space<semaphore_mem>>)
    %scan3A = arith.constant 0 : i32
    %scan3A_12 = arith.constant 0 : i32
    %scan3A_13 = arith.constant 32 : i32
    %scan3A_14 = arith.addi %scan3A_12, %scan3A_13 : i32
    %scan3A_15 = arith.constant 1 : i32
    scf.for %scan3A_169 = %scan3A_12 to %scan3A_14 step %scan3A_15  : i32 {
      %scan3A_170 = arith.constant 0 : i32
      %scan3A_171 = arith.constant 8 : i32
      %scan3A_172 = arith.addi %scan3A_170, %scan3A_171 : i32
      %scan3A_173 = arith.constant 1 : i32
      scf.for %scan3A_175 = %scan3A_170 to %scan3A_172 step %scan3A_173  : i32 {
        %broadcast_in_dim3A_176 = arith.constant 0.000000e+00 : f32
        %broadcast_in_dim3A_177 = vector.broadcast %broadcast_in_dim3A_176 : f32 to vector<16xf32>
        %mul3A_178 = arith.constant 16 : i32
        %mul3A_179 = arith.muli %scan3A_175, %mul3A_178 : i32
        %swap3A_180 = arith.index_cast %scan3A_169 : i32 to index
        %swap3A_181 = arith.index_cast %mul3A_179 : i32 to index
        %swap3A_182 = tpu.vector_load %arg16[%swap3A_180, %swap3A_181] {strides = array<i32>} : memref<32x128xf32, #tpu.memory_space<vmem>>, vector<1x16xf32>,
        %swap3A_183 = vector.shape_cast %swap3A_182 : vector<1x16xf32> to vector<16xf32>
        %swap3A_184 = vector.shape_cast %broadcast_in_dim3A_177 : vector<16xf32> to vector<1x16xf32>
        tpu.vector_store %arg16[%swap3A_180, %swap3A_181], %swap3A_184 {strides = array<i32>} : memref<32x128xf32, #tpu.memory_space<vmem>>, vector<1x16xf32>,
      }
      %scan3A_174 = arith.constant 8 : i32
    }
    %scan3A_16 = arith.constant 32 : i32
    %mul3A_17 = arith.constant 32 : i32
    %mul3A_18 = arith.muli %arg1, %mul3A_17 : i32
    "tpu.region"() ({
      %run_scoped3A = tpu.sem_alloc : memref<!tpu.dma_semaphore, #tpu.memory_space<semaphore_mem>>
      %dma_start3A_169 = arith.constant 0 : i32
      %dma_start3A_170 = tpu.memref_slice %arg17[%mul3A_18, %dma_start3A_169] : memref<512x128xf32, #tpu.memory_space<vmem_shared>> -> memref<32x128xf32, #tpu.memory_space<vmem_shared>>
      %dma_start3A_171 = arith.constant 0 : i32
      %dma_start3A_172 = tpu.memref_slice %arg17[%mul3A_18, %dma_start3A_171] : memref<512x128xf32, #tpu.memory_space<vmem_shared>> -> memref<32x128xf32, #tpu.memory_space<vmem_shared>>
      tpu.enqueue_dma source(%arg16 : memref<32x128xf32, #tpu.memory_space<vmem>>) target(%dma_start3A_172 : memref<32x128xf32, #tpu.memory_space<vmem_shared>>) target_semaphore(%run_scoped3A : memref<!tpu.dma_semaphore, #tpu.memory_space<semaphore_mem>>)
      %dma_wait3A_173 = arith.constant 0 : i32
      %dma_wait3A_174 = tpu.memref_slice %arg17[%mul3A_18, %dma_wait3A_173] : memref<512x128xf32, #tpu.memory_space<vmem_shared>> -> memref<32x128xf32, #tpu.memory_space<vmem_shared>>
      %dma_wait3A_175 = arith.constant 0 : i32
      %dma_wait3A_176 = tpu.memref_slice %arg17[%mul3A_18, %dma_wait3A_175] : memref<512x128xf32, #tpu.memory_space<vmem_shared>> -> memref<32x128xf32, #tpu.memory_space<vmem_shared>>
      tpu.wait_dma2 semaphore(%run_scoped3A : memref<!tpu.dma_semaphore, #tpu.memory_space<semaphore_mem>>) src(%arg16 : memref<32x128xf32, #tpu.memory_space<vmem>>) dst(%dma_wait3A_176 : memref<32x128xf32, #tpu.memory_space<vmem_shared>>)
      tpu.yield
    }) : () -> ()
    %dma_wait3A = tpu.memref_slice %arg3[%mul3A_2] : memref<320000xi32, #tpu.memory_space<hbm>> -> memref<10000xi32, #tpu.memory_space<hbm>>
    %dma_wait3A_19 = tpu.memref_slice %arg3[%mul3A_2] : memref<320000xi32, #tpu.memory_space<hbm>> -> memref<10000xi32, #tpu.memory_space<hbm>>
    tpu.wait_dma2 semaphore(%arg18 : memref<!tpu.dma_semaphore, #tpu.memory_space<semaphore_mem>>) src(%dma_wait3A_19 : memref<10000xi32, #tpu.memory_space<hbm>>) dst(%arg7 : memref<10000xi32, #tpu.memory_space<vmem>>)
    %dma_wait3A_20 = tpu.memref_slice %arg4[%mul3A_2] : memref<320000xi32, #tpu.memory_space<hbm>> -> memref<10000xi32, #tpu.memory_space<hbm>>
    %dma_wait3A_21 = tpu.memref_slice %arg4[%mul3A_2] : memref<320000xi32, #tpu.memory_space<hbm>> -> memref<10000xi32, #tpu.memory_space<hbm>>
    tpu.wait_dma2 semaphore(%arg18 : memref<!tpu.dma_semaphore, #tpu.memory_space<semaphore_mem>>) src(%dma_wait3A_21 : memref<10000xi32, #tpu.memory_space<hbm>>) dst(%arg8 : memref<10000xi32, #tpu.memory_space<vmem>>)
    %dma_wait3A_22 = arith.constant 0 : i32
    %dma_wait3A_23 = tpu.memref_slice %arg5[%add3A, %dma_wait3A_22] : memref<32x640xi32, #tpu.memory_space<hbm>> -> memref<1x640xi32, #tpu.memory_space<hbm>>
    %dma_wait3A_24 = tpu.memref_squeeze %dma_wait3A_23 : memref<1x640xi32, #tpu.memory_space<hbm>> -> memref<640xi32, #tpu.memory_space<hbm>>
    %dma_wait3A_25 = arith.constant 0 : i32
    %dma_wait3A_26 = tpu.memref_slice %arg5[%add3A, %dma_wait3A_25] : memref<32x640xi32, #tpu.memory_space<hbm>> -> memref<1x640xi32, #tpu.memory_space<hbm>>
    %dma_wait3A_27 = tpu.memref_squeeze %dma_wait3A_26 : memref<1x640xi32, #tpu.memory_space<hbm>> -> memref<640xi32, #tpu.memory_space<hbm>>
    tpu.wait_dma2 semaphore(%arg18 : memref<!tpu.dma_semaphore, #tpu.memory_space<semaphore_mem>>) src(%dma_wait3A_27 : memref<640xi32, #tpu.memory_space<hbm>>) dst(%arg9 : memref<640xi32, #tpu.memory_space<vmem>>)
    %iota3A = tpu.iota {dimensions = array<i32: 0>} : vector<16xi32>
    %scan3A_28 = arith.constant 0 : i32
    %scan3A_29 = arith.constant 0 : i32
    %scan3A_30 = arith.constant 39 : i32
    %scan3A_31 = arith.addi %scan3A_29, %scan3A_30 : i32
    %scan3A_32 = arith.constant 1 : i32
    scf.for %scan3A_169 = %scan3A_29 to %scan3A_31 step %scan3A_32  : i32 {
      %mul3A_170 = arith.constant 16 : i32
      %mul3A_171 = arith.muli %scan3A_169, %mul3A_170 : i32
      %get3A_172 = arith.index_cast %mul3A_171 : i32 to index
      %get3A_173 = tpu.vector_load %arg9[%get3A_172] {strides = array<i32>} : memref<640xi32, #tpu.memory_space<vmem>>, vector<16xi32>,
      %get3A_174 = vector.shape_cast %get3A_173 : vector<16xi32> to vector<16xi32>
      %mul3A_175 = arith.constant 256 : i32
      %mul3A_176 = arith.muli %scan3A_169, %mul3A_175 : i32
      %add3A_177 = arith.constant 0 : i32
      %add3A_178 = arith.addi %mul3A_176, %add3A_177 : i32
      %get3A_179 = arith.index_cast %add3A_178 : i32 to index
      %get3A_180 = tpu.vector_load %arg7[%get3A_179] {strides = array<i32>} : memref<10000xi32, #tpu.memory_space<vmem>>, vector<16xi32>,
      %get3A_181 = vector.shape_cast %get3A_180 : vector<16xi32> to vector<16xi32>
      %slice3A_182 = vector.extract_strided_slice %get3A_174 {offsets = [0], sizes = [1], strides = [1]} : vector<16xi32> to vector<1xi32>
      %squeeze3A_183 = vector.extract %slice3A_182[0] : i32 from vector<1xi32>
      %swap3A_184 = arith.index_cast %squeeze3A_183 : i32 to index
      %swap3A_185 = tpu.vector_load %arg10[%swap3A_184] {strides = array<i32>} : memref<10096xi32, #tpu.memory_space<vmem>>, vector<16xi32>,
      %swap3A_186 = vector.shape_cast %swap3A_185 : vector<16xi32> to vector<16xi32>
      %swap3A_187 = vector.shape_cast %get3A_181 : vector<16xi32> to vector<16xi32>
      tpu.vector_store %arg10[%swap3A_184], %swap3A_187 {strides = array<i32>} : memref<10096xi32, #tpu.memory_space<vmem>>, vector<16xi32>,
      %get3A_188 = arith.index_cast %add3A_178 : i32 to index
      %get3A_189 = tpu.vector_load %arg8[%get3A_188] {strides = array<i32>} : memref<10000xi32, #tpu.memory_space<vmem>>, vector<16xi32>,
      %get3A_190 = vector.shape_cast %get3A_189 : vector<16xi32> to vector<16xi32>
      %slice3A_191 = vector.extract_strided_slice %get3A_174 {offsets = [0], sizes = [1], strides = [1]} : vector<16xi32> to vector<1xi32>
      %squeeze3A_192 = vector.extract %slice3A_191[0] : i32 from vector<1xi32>
      %swap3A_193 = arith.index_cast %squeeze3A_192 : i32 to index
      %swap3A_194 = tpu.vector_load %arg11[%swap3A_193] {strides = array<i32>} : memref<10096xi32, #tpu.memory_space<vmem>>, vector<16xi32>,
      %swap3A_195 = vector.shape_cast %swap3A_194 : vector<16xi32> to vector<16xi32>
      %swap3A_196 = vector.shape_cast %get3A_190 : vector<16xi32> to vector<16xi32>
      tpu.vector_store %arg11[%swap3A_193], %swap3A_196 {strides = array<i32>} : memref<10096xi32, #tpu.memory_space<vmem>>, vector<16xi32>,
      %mul3A_197 = arith.constant 256 : i32
      %mul3A_198 = arith.muli %scan3A_169, %mul3A_197 : i32
      %add3A_199 = arith.constant 16 : i32
      %add3A_200 = arith.addi %mul3A_198, %add3A_199 : i32
      %get3A_201 = arith.index_cast %add3A_200 : i32 to index
      %get3A_202 = tpu.vector_load %arg7[%get3A_201] {strides = array<i32>} : memref<10000xi32, #tpu.memory_space<vmem>>, vector<16xi32>,
      %get3A_203 = vector.shape_cast %get3A_202 : vector<16xi32> to vector<16xi32>
      %slice3A_204 = vector.extract_strided_slice %get3A_174 {offsets = [1], sizes = [1], strides = [1]} : vector<16xi32> to vector<1xi32>
      %squeeze3A_205 = vector.extract %slice3A_204[0] : i32 from vector<1xi32>
      %swap3A_206 = arith.index_cast %squeeze3A_205 : i32 to index
      %swap3A_207 = tpu.vector_load %arg10[%swap3A_206] {strides = array<i32>} : memref<10096xi32, #tpu.memory_space<vmem>>, vector<16xi32>,
      %swap3A_208 = vector.shape_cast %swap3A_207 : vector<16xi32> to vector<16xi32>
      %swap3A_209 = vector.shape_cast %get3A_203 : vector<16xi32> to vector<16xi32>
      tpu.vector_store %arg10[%swap3A_206], %swap3A_209 {strides = array<i32>} : memref<10096xi32, #tpu.memory_space<vmem>>, vector<16xi32>,
      %get3A_210 = arith.index_cast %add3A_200 : i32 to index
      %get3A_211 = tpu.vector_load %arg8[%get3A_210] {strides = array<i32>} : memref<10000xi32, #tpu.memory_space<vmem>>, vector<16xi32>,
      %get3A_212 = vector.shape_cast %get3A_211 : vector<16xi32> to vector<16xi32>
      %slice3A_213 = vector.extract_strided_slice %get3A_174 {offsets = [1], sizes = [1], strides = [1]} : vector<16xi32> to vector<1xi32>
      %squeeze3A_214 = vector.extract %slice3A_213[0] : i32 from vector<1xi32>
      %swap3A_215 = arith.index_cast %squeeze3A_214 : i32 to index
      %swap3A_216 = tpu.vector_load %arg11[%swap3A_215] {strides = array<i32>} : memref<10096xi32, #tpu.memory_space<vmem>>, vector<16xi32>,
      %swap3A_217 = vector.shape_cast %swap3A_216 : vector<16xi32> to vector<16xi32>
      %swap3A_218 = vector.shape_cast %get3A_212 : vector<16xi32> to vector<16xi32>
      tpu.vector_store %arg11[%swap3A_215], %swap3A_218 {strides = array<i32>} : memref<10096xi32, #tpu.memory_space<vmem>>, vector<16xi32>,
      %mul3A_219 = arith.constant 256 : i32
      %mul3A_220 = arith.muli %scan3A_169, %mul3A_219 : i32
      %add3A_221 = arith.constant 32 : i32
      %add3A_222 = arith.addi %mul3A_220, %add3A_221 : i32
      %get3A_223 = arith.index_cast %add3A_222 : i32 to index
      %get3A_224 = tpu.vector_load %arg7[%get3A_223] {strides = array<i32>} : memref<10000xi32, #tpu.memory_space<vmem>>, vector<16xi32>,
      %get3A_225 = vector.shape_cast %get3A_224 : vector<16xi32> to vector<16xi32>
      %slice3A_226 = vector.extract_strided_slice %get3A_174 {offsets = [2], sizes = [1], strides = [1]} : vector<16xi32> to vector<1xi32>
      %squeeze3A_227 = vector.extract %slice3A_226[0] : i32 from vector<1xi32>
      %swap3A_228 = arith.index_cast %squeeze3A_227 : i32 to index
      %swap3A_229 = tpu.vector_load %arg10[%swap3A_228] {strides = array<i32>} : memref<10096xi32, #tpu.memory_space<vmem>>, vector<16xi32>,
      %swap3A_230 = vector.shape_cast %swap3A_229 : vector<16xi32> to vector<16xi32>
      %swap3A_231 = vector.shape_cast %get3A_225 : vector<16xi32> to vector<16xi32>
      tpu.vector_store %arg10[%swap3A_228], %swap3A_231 {strides = array<i32>} : memref<10096xi32, #tpu.memory_space<vmem>>, vector<16xi32>,
      %get3A_232 = arith.index_cast %add3A_222 : i32 to index
      %get3A_233 = tpu.vector_load %arg8[%get3A_232] {strides = array<i32>} : memref<10000xi32, #tpu.memory_space<vmem>>, vector<16xi32>,
      %get3A_234 = vector.shape_cast %get3A_233 : vector<16xi32> to vector<16xi32>
      %slice3A_235 = vector.extract_strided_slice %get3A_174 {offsets = [2], sizes = [1], strides = [1]} : vector<16xi32> to vector<1xi32>
      %squeeze3A_236 = vector.extract %slice3A_235[0] : i32 from vector<1xi32>
      %swap3A_237 = arith.index_cast %squeeze3A_236 : i32 to index
      %swap3A_238 = tpu.vector_load %arg11[%swap3A_237] {strides = array<i32>} : memref<10096xi32, #tpu.memory_space<vmem>>, vector<16xi32>,
      %swap3A_239 = vector.shape_cast %swap3A_238 : vector<16xi32> to vector<16xi32>
      %swap3A_240 = vector.shape_cast %get3A_234 : vector<16xi32> to vector<16xi32>
      tpu.vector_store %arg11[%swap3A_237], %swap3A_240 {strides = array<i32>} : memref<10096xi32, #tpu.memory_space<vmem>>, vector<16xi32>,
      %mul3A_241 = arith.constant 256 : i32
      %mul3A_242 = arith.muli %scan3A_169, %mul3A_241 : i32
      %add3A_243 = arith.constant 48 : i32
      %add3A_244 = arith.addi %mul3A_242, %add3A_243 : i32
      %get3A_245 = arith.index_cast %add3A_244 : i32 to index
      %get3A_246 = tpu.vector_load %arg7[%get3A_245] {strides = array<i32>} : memref<10000xi32, #tpu.memory_space<vmem>>, vector<16xi32>,
      %get3A_247 = vector.shape_cast %get3A_246 : vector<16xi32> to vector<16xi32>
      %slice3A_248 = vector.extract_strided_slice %get3A_174 {offsets = [3], sizes = [1], strides = [1]} : vector<16xi32> to vector<1xi32>
      %squeeze3A_249 = vector.extract %slice3A_248[0] : i32 from vector<1xi32>
      %swap3A_250 = arith.index_cast %squeeze3A_249 : i32 to index
      %swap3A_251 = tpu.vector_load %arg10[%swap3A_250] {strides = array<i32>} : memref<10096xi32, #tpu.memory_space<vmem>>, vector<16xi32>,
      %swap3A_252 = vector.shape_cast %swap3A_251 : vector<16xi32> to vector<16xi32>
      %swap3A_253 = vector.shape_cast %get3A_247 : vector<16xi32> to vector<16xi32>
      tpu.vector_store %arg10[%swap3A_250], %swap3A_253 {strides = array<i32>} : memref<10096xi32, #tpu.memory_space<vmem>>, vector<16xi32>,
      %get3A_254 = arith.index_cast %add3A_244 : i32 to index
      %get3A_255 = tpu.vector_load %arg8[%get3A_254] {strides = array<i32>} : memref<10000xi32, #tpu.memory_space<vmem>>, vector<16xi32>,
      %get3A_256 = vector.shape_cast %get3A_255 : vector<16xi32> to vector<16xi32>
      %slice3A_257 = vector.extract_strided_slice %get3A_174 {offsets = [3], sizes = [1], strides = [1]} : vector<16xi32> to vector<1xi32>
      %squeeze3A_258 = vector.extract %slice3A_257[0] : i32 from vector<1xi32>
      %swap3A_259 = arith.index_cast %squeeze3A_258 : i32 to index
      %swap3A_260 = tpu.vector_load %arg11[%swap3A_259] {strides = array<i32>} : memref<10096xi32, #tpu.memory_space<vmem>>, vector<16xi32>,
      %swap3A_261 = vector.shape_cast %swap3A_260 : vector<16xi32> to vector<16xi32>
      %swap3A_262 = vector.shape_cast %get3A_256 : vector<16xi32> to vector<16xi32>
      tpu.vector_store %arg11[%swap3A_259], %swap3A_262 {strides = array<i32>} : memref<10096xi32, #tpu.memory_space<vmem>>, vector<16xi32>,
      %mul3A_263 = arith.constant 256 : i32
      %mul3A_264 = arith.muli %scan3A_169, %mul3A_263 : i32
      %add3A_265 = arith.constant 64 : i32
      %add3A_266 = arith.addi %mul3A_264, %add3A_265 : i32
      %get3A_267 = arith.index_cast %add3A_266 : i32 to index
      %get3A_268 = tpu.vector_load %arg7[%get3A_267] {strides = array<i32>} : memref<10000xi32, #tpu.memory_space<vmem>>, vector<16xi32>,
      %get3A_269 = vector.shape_cast %get3A_268 : vector<16xi32> to vector<16xi32>
      %slice3A_270 = vector.extract_strided_slice %get3A_174 {offsets = [4], sizes = [1], strides = [1]} : vector<16xi32> to vector<1xi32>
      %squeeze3A_271 = vector.extract %slice3A_270[0] : i32 from vector<1xi32>
      %swap3A_272 = arith.index_cast %squeeze3A_271 : i32 to index
      %swap3A_273 = tpu.vector_load %arg10[%swap3A_272] {strides = array<i32>} : memref<10096xi32, #tpu.memory_space<vmem>>, vector<16xi32>,
      %swap3A_274 = vector.shape_cast %swap3A_273 : vector<16xi32> to vector<16xi32>
      %swap3A_275 = vector.shape_cast %get3A_269 : vector<16xi32> to vector<16xi32>
      tpu.vector_store %arg10[%swap3A_272], %swap3A_275 {strides = array<i32>} : memref<10096xi32, #tpu.memory_space<vmem>>, vector<16xi32>,
      %get3A_276 = arith.index_cast %add3A_266 : i32 to index
      %get3A_277 = tpu.vector_load %arg8[%get3A_276] {strides = array<i32>} : memref<10000xi32, #tpu.memory_space<vmem>>, vector<16xi32>,
      %get3A_278 = vector.shape_cast %get3A_277 : vector<16xi32> to vector<16xi32>
      %slice3A_279 = vector.extract_strided_slice %get3A_174 {offsets = [4], sizes = [1], strides = [1]} : vector<16xi32> to vector<1xi32>
      %squeeze3A_280 = vector.extract %slice3A_279[0] : i32 from vector<1xi32>
      %swap3A_281 = arith.index_cast %squeeze3A_280 : i32 to index
      %swap3A_282 = tpu.vector_load %arg11[%swap3A_281] {strides = array<i32>} : memref<10096xi32, #tpu.memory_space<vmem>>, vector<16xi32>,
      %swap3A_283 = vector.shape_cast %swap3A_282 : vector<16xi32> to vector<16xi32>
      %swap3A_284 = vector.shape_cast %get3A_278 : vector<16xi32> to vector<16xi32>
      tpu.vector_store %arg11[%swap3A_281], %swap3A_284 {strides = array<i32>} : memref<10096xi32, #tpu.memory_space<vmem>>, vector<16xi32>,
      %mul3A_285 = arith.constant 256 : i32
      %mul3A_286 = arith.muli %scan3A_169, %mul3A_285 : i32
      %add3A_287 = arith.constant 80 : i32
      %add3A_288 = arith.addi %mul3A_286, %add3A_287 : i32
      %get3A_289 = arith.index_cast %add3A_288 : i32 to index
      %get3A_290 = tpu.vector_load %arg7[%get3A_289] {strides = array<i32>} : memref<10000xi32, #tpu.memory_space<vmem>>, vector<16xi32>,
      %get3A_291 = vector.shape_cast %get3A_290 : vector<16xi32> to vector<16xi32>
      %slice3A_292 = vector.extract_strided_slice %get3A_174 {offsets = [5], sizes = [1], strides = [1]} : vector<16xi32> to vector<1xi32>
      %squeeze3A_293 = vector.extract %slice3A_292[0] : i32 from vector<1xi32>
      %swap3A_294 = arith.index_cast %squeeze3A_293 : i32 to index
      %swap3A_295 = tpu.vector_load %arg10[%swap3A_294] {strides = array<i32>} : memref<10096xi32, #tpu.memory_space<vmem>>, vector<16xi32>,
      %swap3A_296 = vector.shape_cast %swap3A_295 : vector<16xi32> to vector<16xi32>
      %swap3A_297 = vector.shape_cast %get3A_291 : vector<16xi32> to vector<16xi32>
      tpu.vector_store %arg10[%swap3A_294], %swap3A_297 {strides = array<i32>} : memref<10096xi32, #tpu.memory_space<vmem>>, vector<16xi32>,
      %get3A_298 = arith.index_cast %add3A_288 : i32 to index
      %get3A_299 = tpu.vector_load %arg8[%get3A_298] {strides = array<i32>} : memref<10000xi32, #tpu.memory_space<vmem>>, vector<16xi32>,
      %get3A_300 = vector.shape_cast %get3A_299 : vector<16xi32> to vector<16xi32>
      %slice3A_301 = vector.extract_strided_slice %get3A_174 {offsets = [5], sizes = [1], strides = [1]} : vector<16xi32> to vector<1xi32>
      %squeeze3A_302 = vector.extract %slice3A_301[0] : i32 from vector<1xi32>
      %swap3A_303 = arith.index_cast %squeeze3A_302 : i32 to index
      %swap3A_304 = tpu.vector_load %arg11[%swap3A_303] {strides = array<i32>} : memref<10096xi32, #tpu.memory_space<vmem>>, vector<16xi32>,
      %swap3A_305 = vector.shape_cast %swap3A_304 : vector<16xi32> to vector<16xi32>
      %swap3A_306 = vector.shape_cast %get3A_300 : vector<16xi32> to vector<16xi32>
      tpu.vector_store %arg11[%swap3A_303], %swap3A_306 {strides = array<i32>} : memref<10096xi32, #tpu.memory_space<vmem>>, vector<16xi32>,
      %mul3A_307 = arith.constant 256 : i32
      %mul3A_308 = arith.muli %scan3A_169, %mul3A_307 : i32
      %add3A_309 = arith.constant 96 : i32
      %add3A_310 = arith.addi %mul3A_308, %add3A_309 : i32
      %get3A_311 = arith.index_cast %add3A_310 : i32 to index
      %get3A_312 = tpu.vector_load %arg7[%get3A_311] {strides = array<i32>} : memref<10000xi32, #tpu.memory_space<vmem>>, vector<16xi32>,
      %get3A_313 = vector.shape_cast %get3A_312 : vector<16xi32> to vector<16xi32>
      %slice3A_314 = vector.extract_strided_slice %get3A_174 {offsets = [6], sizes = [1], strides = [1]} : vector<16xi32> to vector<1xi32>
      %squeeze3A_315 = vector.extract %slice3A_314[0] : i32 from vector<1xi32>
      %swap3A_316 = arith.index_cast %squeeze3A_315 : i32 to index
      %swap3A_317 = tpu.vector_load %arg10[%swap3A_316] {strides = array<i32>} : memref<10096xi32, #tpu.memory_space<vmem>>, vector<16xi32>,
      %swap3A_318 = vector.shape_cast %swap3A_317 : vector<16xi32> to vector<16xi32>
      %swap3A_319 = vector.shape_cast %get3A_313 : vector<16xi32> to vector<16xi32>
      tpu.vector_store %arg10[%swap3A_316], %swap3A_319 {strides = array<i32>} : memref<10096xi32, #tpu.memory_space<vmem>>, vector<16xi32>,
      %get3A_320 = arith.index_cast %add3A_310 : i32 to index
      %get3A_321 = tpu.vector_load %arg8[%get3A_320] {strides = array<i32>} : memref<10000xi32, #tpu.memory_space<vmem>>, vector<16xi32>,
      %get3A_322 = vector.shape_cast %get3A_321 : vector<16xi32> to vector<16xi32>
      %slice3A_323 = vector.extract_strided_slice %get3A_174 {offsets = [6], sizes = [1], strides = [1]} : vector<16xi32> to vector<1xi32>
      %squeeze3A_324 = vector.extract %slice3A_323[0] : i32 from vector<1xi32>
      %swap3A_325 = arith.index_cast %squeeze3A_324 : i32 to index
      %swap3A_326 = tpu.vector_load %arg11[%swap3A_325] {strides = array<i32>} : memref<10096xi32, #tpu.memory_space<vmem>>, vector<16xi32>,
      %swap3A_327 = vector.shape_cast %swap3A_326 : vector<16xi32> to vector<16xi32>
      %swap3A_328 = vector.shape_cast %get3A_322 : vector<16xi32> to vector<16xi32>
      tpu.vector_store %arg11[%swap3A_325], %swap3A_328 {strides = array<i32>} : memref<10096xi32, #tpu.memory_space<vmem>>, vector<16xi32>,
      %mul3A_329 = arith.constant 256 : i32
      %mul3A_330 = arith.muli %scan3A_169, %mul3A_329 : i32
      %add3A_331 = arith.constant 112 : i32
      %add3A_332 = arith.addi %mul3A_330, %add3A_331 : i32
      %get3A_333 = arith.index_cast %add3A_332 : i32 to index
      %get3A_334 = tpu.vector_load %arg7[%get3A_333] {strides = array<i32>} : memref<10000xi32, #tpu.memory_space<vmem>>, vector<16xi32>,
      %get3A_335 = vector.shape_cast %get3A_334 : vector<16xi32> to vector<16xi32>
      %slice3A_336 = vector.extract_strided_slice %get3A_174 {offsets = [7], sizes = [1], strides = [1]} : vector<16xi32> to vector<1xi32>
      %squeeze3A_337 = vector.extract %slice3A_336[0] : i32 from vector<1xi32>
      %swap3A_338 = arith.index_cast %squeeze3A_337 : i32 to index
      %swap3A_339 = tpu.vector_load %arg10[%swap3A_338] {strides = array<i32>} : memref<10096xi32, #tpu.memory_space<vmem>>, vector<16xi32>,
      %swap3A_340 = vector.shape_cast %swap3A_339 : vector<16xi32> to vector<16xi32>
      %swap3A_341 = vector.shape_cast %get3A_335 : vector<16xi32> to vector<16xi32>
      tpu.vector_store %arg10[%swap3A_338], %swap3A_341 {strides = array<i32>} : memref<10096xi32, #tpu.memory_space<vmem>>, vector<16xi32>,
      %get3A_342 = arith.index_cast %add3A_332 : i32 to index
      %get3A_343 = tpu.vector_load %arg8[%get3A_342] {strides = array<i32>} : memref<10000xi32, #tpu.memory_space<vmem>>, vector<16xi32>,
      %get3A_344 = vector.shape_cast %get3A_343 : vector<16xi32> to vector<16xi32>
      %slice3A_345 = vector.extract_strided_slice %get3A_174 {offsets = [7], sizes = [1], strides = [1]} : vector<16xi32> to vector<1xi32>
      %squeeze3A_346 = vector.extract %slice3A_345[0] : i32 from vector<1xi32>
      %swap3A_347 = arith.index_cast %squeeze3A_346 : i32 to index
      %swap3A_348 = tpu.vector_load %arg11[%swap3A_347] {strides = array<i32>} : memref<10096xi32, #tpu.memory_space<vmem>>, vector<16xi32>,
      %swap3A_349 = vector.shape_cast %swap3A_348 : vector<16xi32> to vector<16xi32>
      %swap3A_350 = vector.shape_cast %get3A_344 : vector<16xi32> to vector<16xi32>
      tpu.vector_store %arg11[%swap3A_347], %swap3A_350 {strides = array<i32>} : memref<10096xi32, #tpu.memory_space<vmem>>, vector<16xi32>,
      %mul3A_351 = arith.constant 256 : i32
      %mul3A_352 = arith.muli %scan3A_169, %mul3A_351 : i32
      %add3A_353 = arith.constant 128 : i32
      %add3A_354 = arith.addi %mul3A_352, %add3A_353 : i32
      %get3A_355 = arith.index_cast %add3A_354 : i32 to index
      %get3A_356 = tpu.vector_load %arg7[%get3A_355] {strides = array<i32>} : memref<10000xi32, #tpu.memory_space<vmem>>, vector<16xi32>,
      %get3A_357 = vector.shape_cast %get3A_356 : vector<16xi32> to vector<16xi32>
      %slice3A_358 = vector.extract_strided_slice %get3A_174 {offsets = [8], sizes = [1], strides = [1]} : vector<16xi32> to vector<1xi32>
      %squeeze3A_359 = vector.extract %slice3A_358[0] : i32 from vector<1xi32>
      %swap3A_360 = arith.index_cast %squeeze3A_359 : i32 to index
      %swap3A_361 = tpu.vector_load %arg10[%swap3A_360] {strides = array<i32>} : memref<10096xi32, #tpu.memory_space<vmem>>, vector<16xi32>,
      %swap3A_362 = vector.shape_cast %swap3A_361 : vector<16xi32> to vector<16xi32>
      %swap3A_363 = vector.shape_cast %get3A_357 : vector<16xi32> to vector<16xi32>
      tpu.vector_store %arg10[%swap3A_360], %swap3A_363 {strides = array<i32>} : memref<10096xi32, #tpu.memory_space<vmem>>, vector<16xi32>,
      %get3A_364 = arith.index_cast %add3A_354 : i32 to index
      %get3A_365 = tpu.vector_load %arg8[%get3A_364] {strides = array<i32>} : memref<10000xi32, #tpu.memory_space<vmem>>, vector<16xi32>,
      %get3A_366 = vector.shape_cast %get3A_365 : vector<16xi32> to vector<16xi32>
      %slice3A_367 = vector.extract_strided_slice %get3A_174 {offsets = [8], sizes = [1], strides = [1]} : vector<16xi32> to vector<1xi32>
      %squeeze3A_368 = vector.extract %slice3A_367[0] : i32 from vector<1xi32>
      %swap3A_369 = arith.index_cast %squeeze3A_368 : i32 to index
      %swap3A_370 = tpu.vector_load %arg11[%swap3A_369] {strides = array<i32>} : memref<10096xi32, #tpu.memory_space<vmem>>, vector<16xi32>,
      %swap3A_371 = vector.shape_cast %swap3A_370 : vector<16xi32> to vector<16xi32>
      %swap3A_372 = vector.shape_cast %get3A_366 : vector<16xi32> to vector<16xi32>
      tpu.vector_store %arg11[%swap3A_369], %swap3A_372 {strides = array<i32>} : memref<10096xi32, #tpu.memory_space<vmem>>, vector<16xi32>,
      %mul3A_373 = arith.constant 256 : i32
      %mul3A_374 = arith.muli %scan3A_169, %mul3A_373 : i32
      %add3A_375 = arith.constant 144 : i32
      %add3A_376 = arith.addi %mul3A_374, %add3A_375 : i32
      %get3A_377 = arith.index_cast %add3A_376 : i32 to index
      %get3A_378 = tpu.vector_load %arg7[%get3A_377] {strides = array<i32>} : memref<10000xi32, #tpu.memory_space<vmem>>, vector<16xi32>,
      %get3A_379 = vector.shape_cast %get3A_378 : vector<16xi32> to vector<16xi32>
      %slice3A_380 = vector.extract_strided_slice %get3A_174 {offsets = [9], sizes = [1], strides = [1]} : vector<16xi32> to vector<1xi32>
      %squeeze3A_381 = vector.extract %slice3A_380[0] : i32 from vector<1xi32>
      %swap3A_382 = arith.index_cast %squeeze3A_381 : i32 to index
      %swap3A_383 = tpu.vector_load %arg10[%swap3A_382] {strides = array<i32>} : memref<10096xi32, #tpu.memory_space<vmem>>, vector<16xi32>,
      %swap3A_384 = vector.shape_cast %swap3A_383 : vector<16xi32> to vector<16xi32>
      %swap3A_385 = vector.shape_cast %get3A_379 : vector<16xi32> to vector<16xi32>
      tpu.vector_store %arg10[%swap3A_382], %swap3A_385 {strides = array<i32>} : memref<10096xi32, #tpu.memory_space<vmem>>, vector<16xi32>,
      %get3A_386 = arith.index_cast %add3A_376 : i32 to index
      %get3A_387 = tpu.vector_load %arg8[%get3A_386] {strides = array<i32>} : memref<10000xi32, #tpu.memory_space<vmem>>, vector<16xi32>,
      %get3A_388 = vector.shape_cast %get3A_387 : vector<16xi32> to vector<16xi32>
      %slice3A_389 = vector.extract_strided_slice %get3A_174 {offsets = [9], sizes = [1], strides = [1]} : vector<16xi32> to vector<1xi32>
      %squeeze3A_390 = vector.extract %slice3A_389[0] : i32 from vector<1xi32>
      %swap3A_391 = arith.index_cast %squeeze3A_390 : i32 to index
      %swap3A_392 = tpu.vector_load %arg11[%swap3A_391] {strides = array<i32>} : memref<10096xi32, #tpu.memory_space<vmem>>, vector<16xi32>,
      %swap3A_393 = vector.shape_cast %swap3A_392 : vector<16xi32> to vector<16xi32>
      %swap3A_394 = vector.shape_cast %get3A_388 : vector<16xi32> to vector<16xi32>
      tpu.vector_store %arg11[%swap3A_391], %swap3A_394 {strides = array<i32>} : memref<10096xi32, #tpu.memory_space<vmem>>, vector<16xi32>,
      %mul3A_395 = arith.constant 256 : i32
      %mul3A_396 = arith.muli %scan3A_169, %mul3A_395 : i32
      %add3A_397 = arith.constant 160 : i32
      %add3A_398 = arith.addi %mul3A_396, %add3A_397 : i32
      %get3A_399 = arith.index_cast %add3A_398 : i32 to index
      %get3A_400 = tpu.vector_load %arg7[%get3A_399] {strides = array<i32>} : memref<10000xi32, #tpu.memory_space<vmem>>, vector<16xi32>,
      %get3A_401 = vector.shape_cast %get3A_400 : vector<16xi32> to vector<16xi32>
      %slice3A_402 = vector.extract_strided_slice %get3A_174 {offsets = [10], sizes = [1], strides = [1]} : vector<16xi32> to vector<1xi32>
      %squeeze3A_403 = vector.extract %slice3A_402[0] : i32 from vector<1xi32>
      %swap3A_404 = arith.index_cast %squeeze3A_403 : i32 to index
      %swap3A_405 = tpu.vector_load %arg10[%swap3A_404] {strides = array<i32>} : memref<10096xi32, #tpu.memory_space<vmem>>, vector<16xi32>,
      %swap3A_406 = vector.shape_cast %swap3A_405 : vector<16xi32> to vector<16xi32>
      %swap3A_407 = vector.shape_cast %get3A_401 : vector<16xi32> to vector<16xi32>
      tpu.vector_store %arg10[%swap3A_404], %swap3A_407 {strides = array<i32>} : memref<10096xi32, #tpu.memory_space<vmem>>, vector<16xi32>,
      %get3A_408 = arith.index_cast %add3A_398 : i32 to index
      %get3A_409 = tpu.vector_load %arg8[%get3A_408] {strides = array<i32>} : memref<10000xi32, #tpu.memory_space<vmem>>, vector<16xi32>,
      %get3A_410 = vector.shape_cast %get3A_409 : vector<16xi32> to vector<16xi32>
      %slice3A_411 = vector.extract_strided_slice %get3A_174 {offsets = [10], sizes = [1], strides = [1]} : vector<16xi32> to vector<1xi32>
      %squeeze3A_412 = vector.extract %slice3A_411[0] : i32 from vector<1xi32>
      %swap3A_413 = arith.index_cast %squeeze3A_412 : i32 to index
      %swap3A_414 = tpu.vector_load %arg11[%swap3A_413] {strides = array<i32>} : memref<10096xi32, #tpu.memory_space<vmem>>, vector<16xi32>,
      %swap3A_415 = vector.shape_cast %swap3A_414 : vector<16xi32> to vector<16xi32>
      %swap3A_416 = vector.shape_cast %get3A_410 : vector<16xi32> to vector<16xi32>
      tpu.vector_store %arg11[%swap3A_413], %swap3A_416 {strides = array<i32>} : memref<10096xi32, #tpu.memory_space<vmem>>, vector<16xi32>,
      %mul3A_417 = arith.constant 256 : i32
      %mul3A_418 = arith.muli %scan3A_169, %mul3A_417 : i32
      %add3A_419 = arith.constant 176 : i32
      %add3A_420 = arith.addi %mul3A_418, %add3A_419 : i32
      %get3A_421 = arith.index_cast %add3A_420 : i32 to index
      %get3A_422 = tpu.vector_load %arg7[%get3A_421] {strides = array<i32>} : memref<10000xi32, #tpu.memory_space<vmem>>, vector<16xi32>,
      %get3A_423 = vector.shape_cast %get3A_422 : vector<16xi32> to vector<16xi32>
      %slice3A_424 = vector.extract_strided_slice %get3A_174 {offsets = [11], sizes = [1], strides = [1]} : vector<16xi32> to vector<1xi32>
      %squeeze3A_425 = vector.extract %slice3A_424[0] : i32 from vector<1xi32>
      %swap3A_426 = arith.index_cast %squeeze3A_425 : i32 to index
      %swap3A_427 = tpu.vector_load %arg10[%swap3A_426] {strides = array<i32>} : memref<10096xi32, #tpu.memory_space<vmem>>, vector<16xi32>,
      %swap3A_428 = vector.shape_cast %swap3A_427 : vector<16xi32> to vector<16xi32>
      %swap3A_429 = vector.shape_cast %get3A_423 : vector<16xi32> to vector<16xi32>
      tpu.vector_store %arg10[%swap3A_426], %swap3A_429 {strides = array<i32>} : memref<10096xi32, #tpu.memory_space<vmem>>, vector<16xi32>,
      %get3A_430 = arith.index_cast %add3A_420 : i32 to index
      %get3A_431 = tpu.vector_load %arg8[%get3A_430] {strides = array<i32>} : memref<10000xi32, #tpu.memory_space<vmem>>, vector<16xi32>,
      %get3A_432 = vector.shape_cast %get3A_431 : vector<16xi32> to vector<16xi32>
      %slice3A_433 = vector.extract_strided_slice %get3A_174 {offsets = [11], sizes = [1], strides = [1]} : vector<16xi32> to vector<1xi32>
      %squeeze3A_434 = vector.extract %slice3A_433[0] : i32 from vector<1xi32>
      %swap3A_435 = arith.index_cast %squeeze3A_434 : i32 to index
      %swap3A_436 = tpu.vector_load %arg11[%swap3A_435] {strides = array<i32>} : memref<10096xi32, #tpu.memory_space<vmem>>, vector<16xi32>,
      %swap3A_437 = vector.shape_cast %swap3A_436 : vector<16xi32> to vector<16xi32>
      %swap3A_438 = vector.shape_cast %get3A_432 : vector<16xi32> to vector<16xi32>
      tpu.vector_store %arg11[%swap3A_435], %swap3A_438 {strides = array<i32>} : memref<10096xi32, #tpu.memory_space<vmem>>, vector<16xi32>,
      %mul3A_439 = arith.constant 256 : i32
      %mul3A_440 = arith.muli %scan3A_169, %mul3A_439 : i32
      %add3A_441 = arith.constant 192 : i32
      %add3A_442 = arith.addi %mul3A_440, %add3A_441 : i32
      %get3A_443 = arith.index_cast %add3A_442 : i32 to index
      %get3A_444 = tpu.vector_load %arg7[%get3A_443] {strides = array<i32>} : memref<10000xi32, #tpu.memory_space<vmem>>, vector<16xi32>,
      %get3A_445 = vector.shape_cast %get3A_444 : vector<16xi32> to vector<16xi32>
      %slice3A_446 = vector.extract_strided_slice %get3A_174 {offsets = [12], sizes = [1], strides = [1]} : vector<16xi32> to vector<1xi32>
      %squeeze3A_447 = vector.extract %slice3A_446[0] : i32 from vector<1xi32>
      %swap3A_448 = arith.index_cast %squeeze3A_447 : i32 to index
      %swap3A_449 = tpu.vector_load %arg10[%swap3A_448] {strides = array<i32>} : memref<10096xi32, #tpu.memory_space<vmem>>, vector<16xi32>,
      %swap3A_450 = vector.shape_cast %swap3A_449 : vector<16xi32> to vector<16xi32>
      %swap3A_451 = vector.shape_cast %get3A_445 : vector<16xi32> to vector<16xi32>
      tpu.vector_store %arg10[%swap3A_448], %swap3A_451 {strides = array<i32>} : memref<10096xi32, #tpu.memory_space<vmem>>, vector<16xi32>,
      %get3A_452 = arith.index_cast %add3A_442 : i32 to index
      %get3A_453 = tpu.vector_load %arg8[%get3A_452] {strides = array<i32>} : memref<10000xi32, #tpu.memory_space<vmem>>, vector<16xi32>,
      %get3A_454 = vector.shape_cast %get3A_453 : vector<16xi32> to vector<16xi32>
      %slice3A_455 = vector.extract_strided_slice %get3A_174 {offsets = [12], sizes = [1], strides = [1]} : vector<16xi32> to vector<1xi32>
      %squeeze3A_456 = vector.extract %slice3A_455[0] : i32 from vector<1xi32>
      %swap3A_457 = arith.index_cast %squeeze3A_456 : i32 to index
      %swap3A_458 = tpu.vector_load %arg11[%swap3A_457] {strides = array<i32>} : memref<10096xi32, #tpu.memory_space<vmem>>, vector<16xi32>,
      %swap3A_459 = vector.shape_cast %swap3A_458 : vector<16xi32> to vector<16xi32>
      %swap3A_460 = vector.shape_cast %get3A_454 : vector<16xi32> to vector<16xi32>
      tpu.vector_store %arg11[%swap3A_457], %swap3A_460 {strides = array<i32>} : memref<10096xi32, #tpu.memory_space<vmem>>, vector<16xi32>,
      %mul3A_461 = arith.constant 256 : i32
      %mul3A_462 = arith.muli %scan3A_169, %mul3A_461 : i32
      %add3A_463 = arith.constant 208 : i32
      %add3A_464 = arith.addi %mul3A_462, %add3A_463 : i32
      %get3A_465 = arith.index_cast %add3A_464 : i32 to index
      %get3A_466 = tpu.vector_load %arg7[%get3A_465] {strides = array<i32>} : memref<10000xi32, #tpu.memory_space<vmem>>, vector<16xi32>,
      %get3A_467 = vector.shape_cast %get3A_466 : vector<16xi32> to vector<16xi32>
      %slice3A_468 = vector.extract_strided_slice %get3A_174 {offsets = [13], sizes = [1], strides = [1]} : vector<16xi32> to vector<1xi32>
      %squeeze3A_469 = vector.extract %slice3A_468[0] : i32 from vector<1xi32>
      %swap3A_470 = arith.index_cast %squeeze3A_469 : i32 to index
      %swap3A_471 = tpu.vector_load %arg10[%swap3A_470] {strides = array<i32>} : memref<10096xi32, #tpu.memory_space<vmem>>, vector<16xi32>,
      %swap3A_472 = vector.shape_cast %swap3A_471 : vector<16xi32> to vector<16xi32>
      %swap3A_473 = vector.shape_cast %get3A_467 : vector<16xi32> to vector<16xi32>
      tpu.vector_store %arg10[%swap3A_470], %swap3A_473 {strides = array<i32>} : memref<10096xi32, #tpu.memory_space<vmem>>, vector<16xi32>,
      %get3A_474 = arith.index_cast %add3A_464 : i32 to index
      %get3A_475 = tpu.vector_load %arg8[%get3A_474] {strides = array<i32>} : memref<10000xi32, #tpu.memory_space<vmem>>, vector<16xi32>,
      %get3A_476 = vector.shape_cast %get3A_475 : vector<16xi32> to vector<16xi32>
      %slice3A_477 = vector.extract_strided_slice %get3A_174 {offsets = [13], sizes = [1], strides = [1]} : vector<16xi32> to vector<1xi32>
      %squeeze3A_478 = vector.extract %slice3A_477[0] : i32 from vector<1xi32>
      %swap3A_479 = arith.index_cast %squeeze3A_478 : i32 to index
      %swap3A_480 = tpu.vector_load %arg11[%swap3A_479] {strides = array<i32>} : memref<10096xi32, #tpu.memory_space<vmem>>, vector<16xi32>,
      %swap3A_481 = vector.shape_cast %swap3A_480 : vector<16xi32> to vector<16xi32>
      %swap3A_482 = vector.shape_cast %get3A_476 : vector<16xi32> to vector<16xi32>
      tpu.vector_store %arg11[%swap3A_479], %swap3A_482 {strides = array<i32>} : memref<10096xi32, #tpu.memory_space<vmem>>, vector<16xi32>,
      %mul3A_483 = arith.constant 256 : i32
      %mul3A_484 = arith.muli %scan3A_169, %mul3A_483 : i32
      %add3A_485 = arith.constant 224 : i32
      %add3A_486 = arith.addi %mul3A_484, %add3A_485 : i32
      %get3A_487 = arith.index_cast %add3A_486 : i32 to index
      %get3A_488 = tpu.vector_load %arg7[%get3A_487] {strides = array<i32>} : memref<10000xi32, #tpu.memory_space<vmem>>, vector<16xi32>,
      %get3A_489 = vector.shape_cast %get3A_488 : vector<16xi32> to vector<16xi32>
      %slice3A_490 = vector.extract_strided_slice %get3A_174 {offsets = [14], sizes = [1], strides = [1]} : vector<16xi32> to vector<1xi32>
      %squeeze3A_491 = vector.extract %slice3A_490[0] : i32 from vector<1xi32>
      %swap3A_492 = arith.index_cast %squeeze3A_491 : i32 to index
      %swap3A_493 = tpu.vector_load %arg10[%swap3A_492] {strides = array<i32>} : memref<10096xi32, #tpu.memory_space<vmem>>, vector<16xi32>,
      %swap3A_494 = vector.shape_cast %swap3A_493 : vector<16xi32> to vector<16xi32>
      %swap3A_495 = vector.shape_cast %get3A_489 : vector<16xi32> to vector<16xi32>
      tpu.vector_store %arg10[%swap3A_492], %swap3A_495 {strides = array<i32>} : memref<10096xi32, #tpu.memory_space<vmem>>, vector<16xi32>,
      %get3A_496 = arith.index_cast %add3A_486 : i32 to index
      %get3A_497 = tpu.vector_load %arg8[%get3A_496] {strides = array<i32>} : memref<10000xi32, #tpu.memory_space<vmem>>, vector<16xi32>,
      %get3A_498 = vector.shape_cast %get3A_497 : vector<16xi32> to vector<16xi32>
      %slice3A_499 = vector.extract_strided_slice %get3A_174 {offsets = [14], sizes = [1], strides = [1]} : vector<16xi32> to vector<1xi32>
      %squeeze3A_500 = vector.extract %slice3A_499[0] : i32 from vector<1xi32>
      %swap3A_501 = arith.index_cast %squeeze3A_500 : i32 to index
      %swap3A_502 = tpu.vector_load %arg11[%swap3A_501] {strides = array<i32>} : memref<10096xi32, #tpu.memory_space<vmem>>, vector<16xi32>,
      %swap3A_503 = vector.shape_cast %swap3A_502 : vector<16xi32> to vector<16xi32>
      %swap3A_504 = vector.shape_cast %get3A_498 : vector<16xi32> to vector<16xi32>
      tpu.vector_store %arg11[%swap3A_501], %swap3A_504 {strides = array<i32>} : memref<10096xi32, #tpu.memory_space<vmem>>, vector<16xi32>,
      %mul3A_505 = arith.constant 256 : i32
      %mul3A_506 = arith.muli %scan3A_169, %mul3A_505 : i32
      %add3A_507 = arith.constant 240 : i32
      %add3A_508 = arith.addi %mul3A_506, %add3A_507 : i32
      %get3A_509 = arith.index_cast %add3A_508 : i32 to index
      %get3A_510 = tpu.vector_load %arg7[%get3A_509] {strides = array<i32>} : memref<10000xi32, #tpu.memory_space<vmem>>, vector<16xi32>,
      %get3A_511 = vector.shape_cast %get3A_510 : vector<16xi32> to vector<16xi32>
      %slice3A_512 = vector.extract_strided_slice %get3A_174 {offsets = [15], sizes = [1], strides = [1]} : vector<16xi32> to vector<1xi32>
      %squeeze3A_513 = vector.extract %slice3A_512[0] : i32 from vector<1xi32>
      %swap3A_514 = arith.index_cast %squeeze3A_513 : i32 to index
      %swap3A_515 = tpu.vector_load %arg10[%swap3A_514] {strides = array<i32>} : memref<10096xi32, #tpu.memory_space<vmem>>, vector<16xi32>,
      %swap3A_516 = vector.shape_cast %swap3A_515 : vector<16xi32> to vector<16xi32>
      %swap3A_517 = vector.shape_cast %get3A_511 : vector<16xi32> to vector<16xi32>
      tpu.vector_store %arg10[%swap3A_514], %swap3A_517 {strides = array<i32>} : memref<10096xi32, #tpu.memory_space<vmem>>, vector<16xi32>,
      %get3A_518 = arith.index_cast %add3A_508 : i32 to index
      %get3A_519 = tpu.vector_load %arg8[%get3A_518] {strides = array<i32>} : memref<10000xi32, #tpu.memory_space<vmem>>, vector<16xi32>,
      %get3A_520 = vector.shape_cast %get3A_519 : vector<16xi32> to vector<16xi32>
      %slice3A_521 = vector.extract_strided_slice %get3A_174 {offsets = [15], sizes = [1], strides = [1]} : vector<16xi32> to vector<1xi32>
      %squeeze3A_522 = vector.extract %slice3A_521[0] : i32 from vector<1xi32>
      %swap3A_523 = arith.index_cast %squeeze3A_522 : i32 to index
      %swap3A_524 = tpu.vector_load %arg11[%swap3A_523] {strides = array<i32>} : memref<10096xi32, #tpu.memory_space<vmem>>, vector<16xi32>,
      %swap3A_525 = vector.shape_cast %swap3A_524 : vector<16xi32> to vector<16xi32>
      %swap3A_526 = vector.shape_cast %get3A_520 : vector<16xi32> to vector<16xi32>
      tpu.vector_store %arg11[%swap3A_523], %swap3A_526 {strides = array<i32>} : memref<10096xi32, #tpu.memory_space<vmem>>, vector<16xi32>,
    }
    %scan3A_33 = arith.constant 39 : i32
    %get3A = arith.constant 624 : index
    %get3A_34 = tpu.vector_load %arg9[%get3A] {strides = array<i32>} : memref<640xi32, #tpu.memory_space<vmem>>, vector<16xi32>,
    %get3A_35 = vector.shape_cast %get3A_34 : vector<16xi32> to vector<16xi32>
    %get3A_36 = arith.constant 9984 : index
    %get3A_37 = tpu.vector_load %arg7[%get3A_36] {strides = array<i32>} : memref<10000xi32, #tpu.memory_space<vmem>>, vector<16xi32>,
    %get3A_38 = vector.shape_cast %get3A_37 : vector<16xi32> to vector<16xi32>
    %slice3A = vector.extract_strided_slice %get3A_35 {offsets = [0], sizes = [1], strides = [1]} : vector<16xi32> to vector<1xi32>
    %squeeze3A = vector.extract %slice3A[0] : i32 from vector<1xi32>
    %swap3A = arith.index_cast %squeeze3A : i32 to index
    %swap3A_39 = tpu.vector_load %arg10[%swap3A] {strides = array<i32>} : memref<10096xi32, #tpu.memory_space<vmem>>, vector<16xi32>,
    %swap3A_40 = vector.shape_cast %swap3A_39 : vector<16xi32> to vector<16xi32>
    %swap3A_41 = vector.shape_cast %get3A_38 : vector<16xi32> to vector<16xi32>
    tpu.vector_store %arg10[%swap3A], %swap3A_41 {strides = array<i32>} : memref<10096xi32, #tpu.memory_space<vmem>>, vector<16xi32>,
    %get3A_42 = arith.constant 9984 : index
    %get3A_43 = tpu.vector_load %arg8[%get3A_42] {strides = array<i32>} : memref<10000xi32, #tpu.memory_space<vmem>>, vector<16xi32>,
    %get3A_44 = vector.shape_cast %get3A_43 : vector<16xi32> to vector<16xi32>
    %slice3A_45 = vector.extract_strided_slice %get3A_35 {offsets = [0], sizes = [1], strides = [1]} : vector<16xi32> to vector<1xi32>
    %squeeze3A_46 = vector.extract %slice3A_45[0] : i32 from vector<1xi32>
    %swap3A_47 = arith.index_cast %squeeze3A_46 : i32 to index
    %swap3A_48 = tpu.vector_load %arg11[%swap3A_47] {strides = array<i32>} : memref<10096xi32, #tpu.memory_space<vmem>>, vector<16xi32>,
    %swap3A_49 = vector.shape_cast %swap3A_48 : vector<16xi32> to vector<16xi32>
    %swap3A_50 = vector.shape_cast %get3A_44 : vector<16xi32> to vector<16xi32>
    tpu.vector_store %arg11[%swap3A_47], %swap3A_50 {strides = array<i32>} : memref<10096xi32, #tpu.memory_space<vmem>>, vector<16xi32>,
    %slice3A_51 = vector.extract_strided_slice %get3A_35 {offsets = [1], sizes = [1], strides = [1]} : vector<16xi32> to vector<1xi32>
    %squeeze3A_52 = vector.extract %slice3A_51[0] : i32 from vector<1xi32>
    %broadcast_in_dim3A = arith.constant 0 : i32
    %broadcast_in_dim3A_53 = vector.broadcast %broadcast_in_dim3A : i32 to vector<16xi32>
    %add3A_54 = arith.constant 0 : i32
    %add3A_55 = arith.addi %squeeze3A_52, %add3A_54 : i32
    %swap3A_56 = arith.index_cast %add3A_55 : i32 to index
    %swap3A_57 = tpu.vector_load %arg10[%swap3A_56] {strides = array<i32>} : memref<10096xi32, #tpu.memory_space<vmem>>, vector<16xi32>,
    %swap3A_58 = vector.shape_cast %swap3A_57 : vector<16xi32> to vector<16xi32>
    %swap3A_59 = vector.shape_cast %broadcast_in_dim3A_53 : vector<16xi32> to vector<16xi32>
    tpu.vector_store %arg10[%swap3A_56], %swap3A_59 {strides = array<i32>} : memref<10096xi32, #tpu.memory_space<vmem>>, vector<16xi32>,
    %add3A_60 = arith.constant 0 : i32
    %add3A_61 = vector.broadcast %add3A_60 : i32 to vector<16xi32>
    %add3A_62 = arith.addi %iota3A, %add3A_61 : vector<16xi32>
    %and3A = arith.constant 255 : i32
    %and3A_63 = vector.broadcast %and3A : i32 to vector<16xi32>
    %and3A_64 = arith.andi %add3A_62, %and3A_63 : vector<16xi32>
    %add3A_65 = arith.constant 256 : i32
    %add3A_66 = vector.broadcast %add3A_65 : i32 to vector<16xi32>
    %add3A_67 = arith.addi %add3A_66, %and3A_64 : vector<16xi32>
    %add3A_68 = arith.constant 0 : i32
    %add3A_69 = arith.addi %squeeze3A_52, %add3A_68 : i32
    %swap3A_70 = arith.index_cast %add3A_69 : i32 to index
    %swap3A_71 = tpu.vector_load %arg11[%swap3A_70] {strides = array<i32>} : memref<10096xi32, #tpu.memory_space<vmem>>, vector<16xi32>,
    %swap3A_72 = vector.shape_cast %swap3A_71 : vector<16xi32> to vector<16xi32>
    %swap3A_73 = vector.shape_cast %add3A_67 : vector<16xi32> to vector<16xi32>
    tpu.vector_store %arg11[%swap3A_70], %swap3A_73 {strides = array<i32>} : memref<10096xi32, #tpu.memory_space<vmem>>, vector<16xi32>,
    %broadcast_in_dim3A_74 = arith.constant 0 : i32
    %broadcast_in_dim3A_75 = vector.broadcast %broadcast_in_dim3A_74 : i32 to vector<16xi32>
    %add3A_76 = arith.constant 16 : i32
    %add3A_77 = arith.addi %squeeze3A_52, %add3A_76 : i32
    %swap3A_78 = arith.index_cast %add3A_77 : i32 to index
    %swap3A_79 = tpu.vector_load %arg10[%swap3A_78] {strides = array<i32>} : memref<10096xi32, #tpu.memory_space<vmem>>, vector<16xi32>,
    %swap3A_80 = vector.shape_cast %swap3A_79 : vector<16xi32> to vector<16xi32>
    %swap3A_81 = vector.shape_cast %broadcast_in_dim3A_75 : vector<16xi32> to vector<16xi32>
    tpu.vector_store %arg10[%swap3A_78], %swap3A_81 {strides = array<i32>} : memref<10096xi32, #tpu.memory_space<vmem>>, vector<16xi32>,
    %add3A_82 = arith.constant 16 : i32
    %add3A_83 = vector.broadcast %add3A_82 : i32 to vector<16xi32>
    %add3A_84 = arith.addi %iota3A, %add3A_83 : vector<16xi32>
    %and3A_85 = arith.constant 255 : i32
    %and3A_86 = vector.broadcast %and3A_85 : i32 to vector<16xi32>
    %and3A_87 = arith.andi %add3A_84, %and3A_86 : vector<16xi32>
    %add3A_88 = arith.constant 256 : i32
    %add3A_89 = vector.broadcast %add3A_88 : i32 to vector<16xi32>
    %add3A_90 = arith.addi %add3A_89, %and3A_87 : vector<16xi32>
    %add3A_91 = arith.constant 16 : i32
    %add3A_92 = arith.addi %squeeze3A_52, %add3A_91 : i32
    %swap3A_93 = arith.index_cast %add3A_92 : i32 to index
    %swap3A_94 = tpu.vector_load %arg11[%swap3A_93] {strides = array<i32>} : memref<10096xi32, #tpu.memory_space<vmem>>, vector<16xi32>,
    %swap3A_95 = vector.shape_cast %swap3A_94 : vector<16xi32> to vector<16xi32>
    %swap3A_96 = vector.shape_cast %add3A_90 : vector<16xi32> to vector<16xi32>
    tpu.vector_store %arg11[%swap3A_93], %swap3A_96 {strides = array<i32>} : memref<10096xi32, #tpu.memory_space<vmem>>, vector<16xi32>,
    %broadcast_in_dim3A_97 = arith.constant 0 : i32
    %broadcast_in_dim3A_98 = vector.broadcast %broadcast_in_dim3A_97 : i32 to vector<16xi32>
    %add3A_99 = arith.constant 32 : i32
    %add3A_100 = arith.addi %squeeze3A_52, %add3A_99 : i32
    %swap3A_101 = arith.index_cast %add3A_100 : i32 to index
    %swap3A_102 = tpu.vector_load %arg10[%swap3A_101] {strides = array<i32>} : memref<10096xi32, #tpu.memory_space<vmem>>, vector<16xi32>,
    %swap3A_103 = vector.shape_cast %swap3A_102 : vector<16xi32> to vector<16xi32>
    %swap3A_104 = vector.shape_cast %broadcast_in_dim3A_98 : vector<16xi32> to vector<16xi32>
    tpu.vector_store %arg10[%swap3A_101], %swap3A_104 {strides = array<i32>} : memref<10096xi32, #tpu.memory_space<vmem>>, vector<16xi32>,
    %add3A_105 = arith.constant 32 : i32
    %add3A_106 = vector.broadcast %add3A_105 : i32 to vector<16xi32>
    %add3A_107 = arith.addi %iota3A, %add3A_106 : vector<16xi32>
    %and3A_108 = arith.constant 255 : i32
    %and3A_109 = vector.broadcast %and3A_108 : i32 to vector<16xi32>
    %and3A_110 = arith.andi %add3A_107, %and3A_109 : vector<16xi32>
    %add3A_111 = arith.constant 256 : i32
    %add3A_112 = vector.broadcast %add3A_111 : i32 to vector<16xi32>
    %add3A_113 = arith.addi %add3A_112, %and3A_110 : vector<16xi32>
    %add3A_114 = arith.constant 32 : i32
    %add3A_115 = arith.addi %squeeze3A_52, %add3A_114 : i32
    %swap3A_116 = arith.index_cast %add3A_115 : i32 to index
    %swap3A_117 = tpu.vector_load %arg11[%swap3A_116] {strides = array<i32>} : memref<10096xi32, #tpu.memory_space<vmem>>, vector<16xi32>,
    %swap3A_118 = vector.shape_cast %swap3A_117 : vector<16xi32> to vector<16xi32>
    %swap3A_119 = vector.shape_cast %add3A_113 : vector<16xi32> to vector<16xi32>
    tpu.vector_store %arg11[%swap3A_116], %swap3A_119 {strides = array<i32>} : memref<10096xi32, #tpu.memory_space<vmem>>, vector<16xi32>,
    %broadcast_in_dim3A_120 = arith.constant 0 : i32
    %broadcast_in_dim3A_121 = vector.broadcast %broadcast_in_dim3A_120 : i32 to vector<16xi32>
    %add3A_122 = arith.constant 48 : i32
    %add3A_123 = arith.addi %squeeze3A_52, %add3A_122 : i32
    %swap3A_124 = arith.index_cast %add3A_123 : i32 to index
    %swap3A_125 = tpu.vector_load %arg10[%swap3A_124] {strides = array<i32>} : memref<10096xi32, #tpu.memory_space<vmem>>, vector<16xi32>,
    %swap3A_126 = vector.shape_cast %swap3A_125 : vector<16xi32> to vector<16xi32>
    %swap3A_127 = vector.shape_cast %broadcast_in_dim3A_121 : vector<16xi32> to vector<16xi32>
    tpu.vector_store %arg10[%swap3A_124], %swap3A_127 {strides = array<i32>} : memref<10096xi32, #tpu.memory_space<vmem>>, vector<16xi32>,
    %add3A_128 = arith.constant 48 : i32
    %add3A_129 = vector.broadcast %add3A_128 : i32 to vector<16xi32>
    %add3A_130 = arith.addi %iota3A, %add3A_129 : vector<16xi32>
    %and3A_131 = arith.constant 255 : i32
    %and3A_132 = vector.broadcast %and3A_131 : i32 to vector<16xi32>
    %and3A_133 = arith.andi %add3A_130, %and3A_132 : vector<16xi32>
    %add3A_134 = arith.constant 256 : i32
    %add3A_135 = vector.broadcast %add3A_134 : i32 to vector<16xi32>
    %add3A_136 = arith.addi %add3A_135, %and3A_133 : vector<16xi32>
    %add3A_137 = arith.constant 48 : i32
    %add3A_138 = arith.addi %squeeze3A_52, %add3A_137 : i32
    %swap3A_139 = arith.index_cast %add3A_138 : i32 to index
    %swap3A_140 = tpu.vector_load %arg11[%swap3A_139] {strides = array<i32>} : memref<10096xi32, #tpu.memory_space<vmem>>, vector<16xi32>,
    %swap3A_141 = vector.shape_cast %swap3A_140 : vector<16xi32> to vector<16xi32>
    %swap3A_142 = vector.shape_cast %add3A_136 : vector<16xi32> to vector<16xi32>
    tpu.vector_store %arg11[%swap3A_139], %swap3A_142 {strides = array<i32>} : memref<10096xi32, #tpu.memory_space<vmem>>, vector<16xi32>,
    %gt3A = arith.constant 0 : i32
    %gt3A_143 = arith.cmpi sgt, %squeeze3A_52, %gt3A : i32
    %convert_element_type3A = arith.extui %gt3A_143 : i1 to i32
    %cond3A = arith.constant 0 : i32
    %cond3A_144 = arith.cmpi ne, %convert_element_type3A, %cond3A : i32
    scf.if %cond3A_144 {
      %dma_start3A_169 = arith.constant 0 : i32
      %dma_start3A_170 = tpu.memref_slice %arg10[%dma_start3A_169] : memref<10096xi32, #tpu.memory_space<vmem>> -> memref<80xi32, #tpu.memory_space<vmem>>
      %dma_start3A_171 = arith.constant 0 : i32
      %dma_start3A_172 = arith.constant 0 : i32
      %dma_start3A_173 = tpu.memref_slice %arg2[%dma_start3A_171, %dma_start3A_172] : memref<10000x128xf32, #tpu.memory_space<hbm>> -> memref<10000x128xf32, #tpu.memory_space<hbm>>
      tpu.enqueue_indirect_dma source(%dma_start3A_173 : memref<10000x128xf32, #tpu.memory_space<hbm>>) target(%arg14 : memref<80x128xf32, #tpu.memory_space<vmem>>) offsets(%dma_start3A_170 : memref<80xi32, #tpu.memory_space<vmem>>) semaphore(%arg19 : memref<!tpu.dma_semaphore, #tpu.memory_space<semaphore_mem>>)
    } else {
    }
    %gt3A_145 = arith.constant 80 : i32
    %gt3A_146 = arith.cmpi sgt, %squeeze3A_52, %gt3A_145 : i32
    %convert_element_type3A_147 = arith.extui %gt3A_146 : i1 to i32
    %cond3A_148 = arith.constant 0 : i32
    %cond3A_149 = arith.cmpi ne, %convert_element_type3A_147, %cond3A_148 : i32
    scf.if %cond3A_149 {
      %dma_start3A_169 = arith.constant 80 : i32
      %dma_start3A_170 = tpu.memref_slice %arg10[%dma_start3A_169] : memref<10096xi32, #tpu.memory_space<vmem>> -> memref<80xi32, #tpu.memory_space<vmem>>
      %dma_start3A_171 = arith.constant 0 : i32
      %dma_start3A_172 = arith.constant 0 : i32
      %dma_start3A_173 = tpu.memref_slice %arg2[%dma_start3A_171, %dma_start3A_172] : memref<10000x128xf32, #tpu.memory_space<hbm>> -> memref<10000x128xf32, #tpu.memory_space<hbm>>
      tpu.enqueue_indirect_dma source(%dma_start3A_173 : memref<10000x128xf32, #tpu.memory_space<hbm>>) target(%arg15 : memref<80x128xf32, #tpu.memory_space<vmem>>) offsets(%dma_start3A_170 : memref<80xi32, #tpu.memory_space<vmem>>) semaphore(%arg20 : memref<!tpu.dma_semaphore, #tpu.memory_space<semaphore_mem>>)
    } else {
    }
    %barrier3A = arith.constant 0 : index
    tpu.barrier barrier_id(%barrier3A)
    %scan3A_150 = arith.constant 0 : i32
    %scan3A_151 = arith.constant 0 : i32
    %scan3A_152 = arith.constant 62 : i32
    %scan3A_153 = arith.addi %scan3A_151, %scan3A_152 : i32
    %scan3A_154 = arith.constant 1 : i32
    scf.for %scan3A_169 = %scan3A_151 to %scan3A_153 step %scan3A_154  : i32 {
      %mul3A_170 = arith.constant 2 : i32
      %mul3A_171 = arith.muli %mul3A_170, %scan3A_169 : i32
      %add3A_172 = arith.constant 0 : i32
      %add3A_173 = arith.addi %mul3A_171, %add3A_172 : i32
      %mul3A_174 = arith.constant 80 : i32
      %mul3A_175 = arith.muli %add3A_173, %mul3A_174 : i32
      %lt3A = arith.cmpi slt, %mul3A_175, %squeeze3A_52 : i32
      %convert_element_type3A_176 = arith.extui %lt3A : i1 to i32
      %cond3A_177 = arith.constant 0 : i32
      %cond3A_178 = arith.cmpi ne, %convert_element_type3A_176, %cond3A_177 : i32
      scf.if %cond3A_178 {
        %mul3A_189 = arith.constant 80 : i32
        %mul3A_190 = arith.muli %add3A_173, %mul3A_189 : i32
        %add3A_191 = arith.constant 0 : i32
        %add3A_192 = arith.addi %mul3A_190, %add3A_191 : i32
        %get3A_193 = arith.index_cast %add3A_192 : i32 to index
        %get3A_194 = tpu.vector_load %arg11[%get3A_193] {strides = array<i32>} : memref<10096xi32, #tpu.memory_space<vmem>>, vector<16xi32>,
        %get3A_195 = vector.shape_cast %get3A_194 : vector<16xi32> to vector<16xi32>
        %swap3A_196 = arith.constant 0 : index
        %swap3A_197 = tpu.vector_load %arg12[%swap3A_196] {strides = array<i32>} : memref<80xi32, #tpu.memory_space<vmem>>, vector<16xi32>,
        %swap3A_198 = vector.shape_cast %swap3A_197 : vector<16xi32> to vector<16xi32>
        %swap3A_199 = vector.shape_cast %get3A_195 : vector<16xi32> to vector<16xi32>
        tpu.vector_store %arg12[%swap3A_196], %swap3A_199 {strides = array<i32>} : memref<80xi32, #tpu.memory_space<vmem>>, vector<16xi32>,
        %mul3A_200 = arith.constant 80 : i32
        %mul3A_201 = arith.muli %add3A_173, %mul3A_200 : i32
        %add3A_202 = arith.constant 16 : i32
        %add3A_203 = arith.addi %mul3A_201, %add3A_202 : i32
        %get3A_204 = arith.index_cast %add3A_203 : i32 to index
        %get3A_205 = tpu.vector_load %arg11[%get3A_204] {strides = array<i32>} : memref<10096xi32, #tpu.memory_space<vmem>>, vector<16xi32>,
        %get3A_206 = vector.shape_cast %get3A_205 : vector<16xi32> to vector<16xi32>
        %swap3A_207 = arith.constant 16 : index
        %swap3A_208 = tpu.vector_load %arg12[%swap3A_207] {strides = array<i32>} : memref<80xi32, #tpu.memory_space<vmem>>, vector<16xi32>,
        %swap3A_209 = vector.shape_cast %swap3A_208 : vector<16xi32> to vector<16xi32>
        %swap3A_210 = vector.shape_cast %get3A_206 : vector<16xi32> to vector<16xi32>
        tpu.vector_store %arg12[%swap3A_207], %swap3A_210 {strides = array<i32>} : memref<80xi32, #tpu.memory_space<vmem>>, vector<16xi32>,
        %mul3A_211 = arith.constant 80 : i32
        %mul3A_212 = arith.muli %add3A_173, %mul3A_211 : i32
        %add3A_213 = arith.constant 32 : i32
        %add3A_214 = arith.addi %mul3A_212, %add3A_213 : i32
        %get3A_215 = arith.index_cast %add3A_214 : i32 to index
        %get3A_216 = tpu.vector_load %arg11[%get3A_215] {strides = array<i32>} : memref<10096xi32, #tpu.memory_space<vmem>>, vector<16xi32>,
        %get3A_217 = vector.shape_cast %get3A_216 : vector<16xi32> to vector<16xi32>
        %swap3A_218 = arith.constant 32 : index
        %swap3A_219 = tpu.vector_load %arg12[%swap3A_218] {strides = array<i32>} : memref<80xi32, #tpu.memory_space<vmem>>, vector<16xi32>,
        %swap3A_220 = vector.shape_cast %swap3A_219 : vector<16xi32> to vector<16xi32>
        %swap3A_221 = vector.shape_cast %get3A_217 : vector<16xi32> to vector<16xi32>
        tpu.vector_store %arg12[%swap3A_218], %swap3A_221 {strides = array<i32>} : memref<80xi32, #tpu.memory_space<vmem>>, vector<16xi32>,
        %mul3A_222 = arith.constant 80 : i32
        %mul3A_223 = arith.muli %add3A_173, %mul3A_222 : i32
        %add3A_224 = arith.constant 48 : i32
        %add3A_225 = arith.addi %mul3A_223, %add3A_224 : i32
        %get3A_226 = arith.index_cast %add3A_225 : i32 to index
        %get3A_227 = tpu.vector_load %arg11[%get3A_226] {strides = array<i32>} : memref<10096xi32, #tpu.memory_space<vmem>>, vector<16xi32>,
        %get3A_228 = vector.shape_cast %get3A_227 : vector<16xi32> to vector<16xi32>
        %swap3A_229 = arith.constant 48 : index
        %swap3A_230 = tpu.vector_load %arg12[%swap3A_229] {strides = array<i32>} : memref<80xi32, #tpu.memory_space<vmem>>, vector<16xi32>,
        %swap3A_231 = vector.shape_cast %swap3A_230 : vector<16xi32> to vector<16xi32>
        %swap3A_232 = vector.shape_cast %get3A_228 : vector<16xi32> to vector<16xi32>
        tpu.vector_store %arg12[%swap3A_229], %swap3A_232 {strides = array<i32>} : memref<80xi32, #tpu.memory_space<vmem>>, vector<16xi32>,
        %mul3A_233 = arith.constant 80 : i32
        %mul3A_234 = arith.muli %add3A_173, %mul3A_233 : i32
        %add3A_235 = arith.constant 64 : i32
        %add3A_236 = arith.addi %mul3A_234, %add3A_235 : i32
        %get3A_237 = arith.index_cast %add3A_236 : i32 to index
        %get3A_238 = tpu.vector_load %arg11[%get3A_237] {strides = array<i32>} : memref<10096xi32, #tpu.memory_space<vmem>>, vector<16xi32>,
        %get3A_239 = vector.shape_cast %get3A_238 : vector<16xi32> to vector<16xi32>
        %swap3A_240 = arith.constant 64 : index
        %swap3A_241 = tpu.vector_load %arg12[%swap3A_240] {strides = array<i32>} : memref<80xi32, #tpu.memory_space<vmem>>, vector<16xi32>,
        %swap3A_242 = vector.shape_cast %swap3A_241 : vector<16xi32> to vector<16xi32>
        %swap3A_243 = vector.shape_cast %get3A_239 : vector<16xi32> to vector<16xi32>
        tpu.vector_store %arg12[%swap3A_240], %swap3A_243 {strides = array<i32>} : memref<80xi32, #tpu.memory_space<vmem>>, vector<16xi32>,
        %mul3A_244 = arith.constant 80 : i32
        %mul3A_245 = arith.muli %add3A_173, %mul3A_244 : i32
        %dma_wait3A_246 = tpu.memref_slice %arg10[%mul3A_245] : memref<10096xi32, #tpu.memory_space<vmem>> -> memref<80xi32, #tpu.memory_space<vmem>>
        %dma_wait3A_247 = arith.constant 0 : i32
        %dma_wait3A_248 = arith.constant 0 : i32
        %dma_wait3A_249 = tpu.memref_slice %arg2[%dma_wait3A_247, %dma_wait3A_248] : memref<10000x128xf32, #tpu.memory_space<hbm>> -> memref<10000x128xf32, #tpu.memory_space<hbm>>
        tpu.wait_indirect_dma semaphore(%arg19 : memref<!tpu.dma_semaphore, #tpu.memory_space<semaphore_mem>>) src(%dma_wait3A_249 : memref<10000x128xf32, #tpu.memory_space<hbm>>) dst(%arg14 : memref<80x128xf32, #tpu.memory_space<vmem>>)
        "tpu.region"() ({
          %run_scoped3A = tpu.sem_alloc : memref<!tpu.dma_semaphore, #tpu.memory_space<semaphore_mem>>
          %dma_start3A_258 = arith.constant 0 : i32
          %dma_start3A_259 = arith.constant 0 : i32
          %dma_start3A_260 = tpu.memref_slice %arg17[%dma_start3A_258, %dma_start3A_259] : memref<512x128xf32, #tpu.memory_space<vmem_shared>> -> memref<512x128xf32, #tpu.memory_space<vmem_shared>>
          tpu.enqueue_indirect_dma source(%arg14 : memref<80x128xf32, #tpu.memory_space<vmem>>) target(%dma_start3A_260 : memref<512x128xf32, #tpu.memory_space<vmem_shared>>) offsets(%arg12 : memref<80xi32, #tpu.memory_space<vmem>>) semaphore(%run_scoped3A : memref<!tpu.dma_semaphore, #tpu.memory_space<semaphore_mem>>) {add = true}
          %dma_wait3A_261 = arith.constant 0 : i32
          %dma_wait3A_262 = arith.constant 0 : i32
          %dma_wait3A_263 = tpu.memref_slice %arg17[%dma_wait3A_261, %dma_wait3A_262] : memref<512x128xf32, #tpu.memory_space<vmem_shared>> -> memref<512x128xf32, #tpu.memory_space<vmem_shared>>
          tpu.wait_indirect_dma semaphore(%run_scoped3A : memref<!tpu.dma_semaphore, #tpu.memory_space<semaphore_mem>>) src(%arg14 : memref<80x128xf32, #tpu.memory_space<vmem>>) dst(%dma_wait3A_263 : memref<512x128xf32, #tpu.memory_space<vmem_shared>>)
          tpu.yield
        }) : () -> ()
        %add3A_250 = arith.constant 2 : i32
        %add3A_251 = arith.addi %add3A_173, %add3A_250 : i32
        %mul3A_252 = arith.constant 80 : i32
        %mul3A_253 = arith.muli %add3A_251, %mul3A_252 : i32
        %lt3A_254 = arith.cmpi slt, %mul3A_253, %squeeze3A_52 : i32
        %convert_element_type3A_255 = arith.extui %lt3A_254 : i1 to i32
        %cond3A_256 = arith.constant 0 : i32
        %cond3A_257 = arith.cmpi ne, %convert_element_type3A_255, %cond3A_256 : i32
        scf.if %cond3A_257 {
          %mul3A_258 = arith.constant 80 : i32
          %mul3A_259 = arith.muli %add3A_251, %mul3A_258 : i32
          %dma_start3A_260 = tpu.memref_slice %arg10[%mul3A_259] : memref<10096xi32, #tpu.memory_space<vmem>> -> memref<80xi32, #tpu.memory_space<vmem>>
          %dma_start3A_261 = arith.constant 0 : i32
          %dma_start3A_262 = arith.constant 0 : i32
          %dma_start3A_263 = tpu.memref_slice %arg2[%dma_start3A_261, %dma_start3A_262] : memref<10000x128xf32, #tpu.memory_space<hbm>> -> memref<10000x128xf32, #tpu.memory_space<hbm>>
          tpu.enqueue_indirect_dma source(%dma_start3A_263 : memref<10000x128xf32, #tpu.memory_space<hbm>>) target(%arg14 : memref<80x128xf32, #tpu.memory_space<vmem>>) offsets(%dma_start3A_260 : memref<80xi32, #tpu.memory_space<vmem>>) semaphore(%arg19 : memref<!tpu.dma_semaphore, #tpu.memory_space<semaphore_mem>>)
        } else {
        }
      } else {
      }
      %mul3A_179 = arith.constant 2 : i32
      %mul3A_180 = arith.muli %mul3A_179, %scan3A_169 : i32
      %add3A_181 = arith.constant 1 : i32
      %add3A_182 = arith.addi %mul3A_180, %add3A_181 : i32
      %mul3A_183 = arith.constant 80 : i32
      %mul3A_184 = arith.muli %add3A_182, %mul3A_183 : i32
      %lt3A_185 = arith.cmpi slt, %mul3A_184, %squeeze3A_52 : i32
      %convert_element_type3A_186 = arith.extui %lt3A_185 : i1 to i32
      %cond3A_187 = arith.constant 0 : i32
      %cond3A_188 = arith.cmpi ne, %convert_element_type3A_186, %cond3A_187 : i32
      scf.if %cond3A_188 {
        %mul3A_189 = arith.constant 80 : i32
        %mul3A_190 = arith.muli %add3A_182, %mul3A_189 : i32
        %add3A_191 = arith.constant 0 : i32
        %add3A_192 = arith.addi %mul3A_190, %add3A_191 : i32
        %get3A_193 = arith.index_cast %add3A_192 : i32 to index
        %get3A_194 = tpu.vector_load %arg11[%get3A_193] {strides = array<i32>} : memref<10096xi32, #tpu.memory_space<vmem>>, vector<16xi32>,
        %get3A_195 = vector.shape_cast %get3A_194 : vector<16xi32> to vector<16xi32>
        %swap3A_196 = arith.constant 0 : index
        %swap3A_197 = tpu.vector_load %arg13[%swap3A_196] {strides = array<i32>} : memref<80xi32, #tpu.memory_space<vmem>>, vector<16xi32>,
        %swap3A_198 = vector.shape_cast %swap3A_197 : vector<16xi32> to vector<16xi32>
        %swap3A_199 = vector.shape_cast %get3A_195 : vector<16xi32> to vector<16xi32>
        tpu.vector_store %arg13[%swap3A_196], %swap3A_199 {strides = array<i32>} : memref<80xi32, #tpu.memory_space<vmem>>, vector<16xi32>,
        %mul3A_200 = arith.constant 80 : i32
        %mul3A_201 = arith.muli %add3A_182, %mul3A_200 : i32
        %add3A_202 = arith.constant 16 : i32
        %add3A_203 = arith.addi %mul3A_201, %add3A_202 : i32
        %get3A_204 = arith.index_cast %add3A_203 : i32 to index
        %get3A_205 = tpu.vector_load %arg11[%get3A_204] {strides = array<i32>} : memref<10096xi32, #tpu.memory_space<vmem>>, vector<16xi32>,
        %get3A_206 = vector.shape_cast %get3A_205 : vector<16xi32> to vector<16xi32>
        %swap3A_207 = arith.constant 16 : index
        %swap3A_208 = tpu.vector_load %arg13[%swap3A_207] {strides = array<i32>} : memref<80xi32, #tpu.memory_space<vmem>>, vector<16xi32>,
        %swap3A_209 = vector.shape_cast %swap3A_208 : vector<16xi32> to vector<16xi32>
        %swap3A_210 = vector.shape_cast %get3A_206 : vector<16xi32> to vector<16xi32>
        tpu.vector_store %arg13[%swap3A_207], %swap3A_210 {strides = array<i32>} : memref<80xi32, #tpu.memory_space<vmem>>, vector<16xi32>,
        %mul3A_211 = arith.constant 80 : i32
        %mul3A_212 = arith.muli %add3A_182, %mul3A_211 : i32
        %add3A_213 = arith.constant 32 : i32
        %add3A_214 = arith.addi %mul3A_212, %add3A_213 : i32
        %get3A_215 = arith.index_cast %add3A_214 : i32 to index
        %get3A_216 = tpu.vector_load %arg11[%get3A_215] {strides = array<i32>} : memref<10096xi32, #tpu.memory_space<vmem>>, vector<16xi32>,
        %get3A_217 = vector.shape_cast %get3A_216 : vector<16xi32> to vector<16xi32>
        %swap3A_218 = arith.constant 32 : index
        %swap3A_219 = tpu.vector_load %arg13[%swap3A_218] {strides = array<i32>} : memref<80xi32, #tpu.memory_space<vmem>>, vector<16xi32>,
        %swap3A_220 = vector.shape_cast %swap3A_219 : vector<16xi32> to vector<16xi32>
        %swap3A_221 = vector.shape_cast %get3A_217 : vector<16xi32> to vector<16xi32>
        tpu.vector_store %arg13[%swap3A_218], %swap3A_221 {strides = array<i32>} : memref<80xi32, #tpu.memory_space<vmem>>, vector<16xi32>,
        %mul3A_222 = arith.constant 80 : i32
        %mul3A_223 = arith.muli %add3A_182, %mul3A_222 : i32
        %add3A_224 = arith.constant 48 : i32
        %add3A_225 = arith.addi %mul3A_223, %add3A_224 : i32
        %get3A_226 = arith.index_cast %add3A_225 : i32 to index
        %get3A_227 = tpu.vector_load %arg11[%get3A_226] {strides = array<i32>} : memref<10096xi32, #tpu.memory_space<vmem>>, vector<16xi32>,
        %get3A_228 = vector.shape_cast %get3A_227 : vector<16xi32> to vector<16xi32>
        %swap3A_229 = arith.constant 48 : index
        %swap3A_230 = tpu.vector_load %arg13[%swap3A_229] {strides = array<i32>} : memref<80xi32, #tpu.memory_space<vmem>>, vector<16xi32>,
        %swap3A_231 = vector.shape_cast %swap3A_230 : vector<16xi32> to vector<16xi32>
        %swap3A_232 = vector.shape_cast %get3A_228 : vector<16xi32> to vector<16xi32>
        tpu.vector_store %arg13[%swap3A_229], %swap3A_232 {strides = array<i32>} : memref<80xi32, #tpu.memory_space<vmem>>, vector<16xi32>,
        %mul3A_233 = arith.constant 80 : i32
        %mul3A_234 = arith.muli %add3A_182, %mul3A_233 : i32
        %add3A_235 = arith.constant 64 : i32
        %add3A_236 = arith.addi %mul3A_234, %add3A_235 : i32
        %get3A_237 = arith.index_cast %add3A_236 : i32 to index
        %get3A_238 = tpu.vector_load %arg11[%get3A_237] {strides = array<i32>} : memref<10096xi32, #tpu.memory_space<vmem>>, vector<16xi32>,
        %get3A_239 = vector.shape_cast %get3A_238 : vector<16xi32> to vector<16xi32>
        %swap3A_240 = arith.constant 64 : index
        %swap3A_241 = tpu.vector_load %arg13[%swap3A_240] {strides = array<i32>} : memref<80xi32, #tpu.memory_space<vmem>>, vector<16xi32>,
        %swap3A_242 = vector.shape_cast %swap3A_241 : vector<16xi32> to vector<16xi32>
        %swap3A_243 = vector.shape_cast %get3A_239 : vector<16xi32> to vector<16xi32>
        tpu.vector_store %arg13[%swap3A_240], %swap3A_243 {strides = array<i32>} : memref<80xi32, #tpu.memory_space<vmem>>, vector<16xi32>,
        %mul3A_244 = arith.constant 80 : i32
        %mul3A_245 = arith.muli %add3A_182, %mul3A_244 : i32
        %dma_wait3A_246 = tpu.memref_slice %arg10[%mul3A_245] : memref<10096xi32, #tpu.memory_space<vmem>> -> memref<80xi32, #tpu.memory_space<vmem>>
        %dma_wait3A_247 = arith.constant 0 : i32
        %dma_wait3A_248 = arith.constant 0 : i32
        %dma_wait3A_249 = tpu.memref_slice %arg2[%dma_wait3A_247, %dma_wait3A_248] : memref<10000x128xf32, #tpu.memory_space<hbm>> -> memref<10000x128xf32, #tpu.memory_space<hbm>>
        tpu.wait_indirect_dma semaphore(%arg20 : memref<!tpu.dma_semaphore, #tpu.memory_space<semaphore_mem>>) src(%dma_wait3A_249 : memref<10000x128xf32, #tpu.memory_space<hbm>>) dst(%arg15 : memref<80x128xf32, #tpu.memory_space<vmem>>)
        "tpu.region"() ({
          %run_scoped3A = tpu.sem_alloc : memref<!tpu.dma_semaphore, #tpu.memory_space<semaphore_mem>>
          %dma_start3A_258 = arith.constant 0 : i32
          %dma_start3A_259 = arith.constant 0 : i32
          %dma_start3A_260 = tpu.memref_slice %arg17[%dma_start3A_258, %dma_start3A_259] : memref<512x128xf32, #tpu.memory_space<vmem_shared>> -> memref<512x128xf32, #tpu.memory_space<vmem_shared>>
          tpu.enqueue_indirect_dma source(%arg15 : memref<80x128xf32, #tpu.memory_space<vmem>>) target(%dma_start3A_260 : memref<512x128xf32, #tpu.memory_space<vmem_shared>>) offsets(%arg13 : memref<80xi32, #tpu.memory_space<vmem>>) semaphore(%run_scoped3A : memref<!tpu.dma_semaphore, #tpu.memory_space<semaphore_mem>>) {add = true}
          %dma_wait3A_261 = arith.constant 0 : i32
          %dma_wait3A_262 = arith.constant 0 : i32
          %dma_wait3A_263 = tpu.memref_slice %arg17[%dma_wait3A_261, %dma_wait3A_262] : memref<512x128xf32, #tpu.memory_space<vmem_shared>> -> memref<512x128xf32, #tpu.memory_space<vmem_shared>>
          tpu.wait_indirect_dma semaphore(%run_scoped3A : memref<!tpu.dma_semaphore, #tpu.memory_space<semaphore_mem>>) src(%arg15 : memref<80x128xf32, #tpu.memory_space<vmem>>) dst(%dma_wait3A_263 : memref<512x128xf32, #tpu.memory_space<vmem_shared>>)
          tpu.yield
        }) : () -> ()
        %add3A_250 = arith.constant 2 : i32
        %add3A_251 = arith.addi %add3A_182, %add3A_250 : i32
        %mul3A_252 = arith.constant 80 : i32
        %mul3A_253 = arith.muli %add3A_251, %mul3A_252 : i32
        %lt3A_254 = arith.cmpi slt, %mul3A_253, %squeeze3A_52 : i32
        %convert_element_type3A_255 = arith.extui %lt3A_254 : i1 to i32
        %cond3A_256 = arith.constant 0 : i32
        %cond3A_257 = arith.cmpi ne, %convert_element_type3A_255, %cond3A_256 : i32
        scf.if %cond3A_257 {
          %mul3A_258 = arith.constant 80 : i32
          %mul3A_259 = arith.muli %add3A_251, %mul3A_258 : i32
          %dma_start3A_260 = tpu.memref_slice %arg10[%mul3A_259] : memref<10096xi32, #tpu.memory_space<vmem>> -> memref<80xi32, #tpu.memory_space<vmem>>
          %dma_start3A_261 = arith.constant 0 : i32
          %dma_start3A_262 = arith.constant 0 : i32
          %dma_start3A_263 = tpu.memref_slice %arg2[%dma_start3A_261, %dma_start3A_262] : memref<10000x128xf32, #tpu.memory_space<hbm>> -> memref<10000x128xf32, #tpu.memory_space<hbm>>
          tpu.enqueue_indirect_dma source(%dma_start3A_263 : memref<10000x128xf32, #tpu.memory_space<hbm>>) target(%arg15 : memref<80x128xf32, #tpu.memory_space<vmem>>) offsets(%dma_start3A_260 : memref<80xi32, #tpu.memory_space<vmem>>) semaphore(%arg20 : memref<!tpu.dma_semaphore, #tpu.memory_space<semaphore_mem>>)
        } else {
        }
      } else {
      }
    }
    %scan3A_155 = arith.constant 62 : i32
    %gt3A_156 = arith.constant 9920 : i32
    %gt3A_157 = arith.cmpi sgt, %squeeze3A_52, %gt3A_156 : i32
    %convert_element_type3A_158 = arith.extui %gt3A_157 : i1 to i32
    %cond3A_159 = arith.constant 0 : i32
    %cond3A_160 = arith.cmpi ne, %convert_element_type3A_158, %cond3A_159 : i32
    scf.if %cond3A_160 {
      %get3A_169 = arith.constant 9920 : index
      %get3A_170 = tpu.vector_load %arg11[%get3A_169] {strides = array<i32>} : memref<10096xi32, #tpu.memory_space<vmem>>, vector<16xi32>,
      %get3A_171 = vector.shape_cast %get3A_170 : vector<16xi32> to vector<16xi32>
      %swap3A_172 = arith.constant 0 : index
      %swap3A_173 = tpu.vector_load %arg12[%swap3A_172] {strides = array<i32>} : memref<80xi32, #tpu.memory_space<vmem>>, vector<16xi32>,
      %swap3A_174 = vector.shape_cast %swap3A_173 : vector<16xi32> to vector<16xi32>
      %swap3A_175 = vector.shape_cast %get3A_171 : vector<16xi32> to vector<16xi32>
      tpu.vector_store %arg12[%swap3A_172], %swap3A_175 {strides = array<i32>} : memref<80xi32, #tpu.memory_space<vmem>>, vector<16xi32>,
      %get3A_176 = arith.constant 9936 : index
      %get3A_177 = tpu.vector_load %arg11[%get3A_176] {strides = array<i32>} : memref<10096xi32, #tpu.memory_space<vmem>>, vector<16xi32>,
      %get3A_178 = vector.shape_cast %get3A_177 : vector<16xi32> to vector<16xi32>
      %swap3A_179 = arith.constant 16 : index
      %swap3A_180 = tpu.vector_load %arg12[%swap3A_179] {strides = array<i32>} : memref<80xi32, #tpu.memory_space<vmem>>, vector<16xi32>,
      %swap3A_181 = vector.shape_cast %swap3A_180 : vector<16xi32> to vector<16xi32>
      %swap3A_182 = vector.shape_cast %get3A_178 : vector<16xi32> to vector<16xi32>
      tpu.vector_store %arg12[%swap3A_179], %swap3A_182 {strides = array<i32>} : memref<80xi32, #tpu.memory_space<vmem>>, vector<16xi32>,
      %get3A_183 = arith.constant 9952 : index
      %get3A_184 = tpu.vector_load %arg11[%get3A_183] {strides = array<i32>} : memref<10096xi32, #tpu.memory_space<vmem>>, vector<16xi32>,
      %get3A_185 = vector.shape_cast %get3A_184 : vector<16xi32> to vector<16xi32>
      %swap3A_186 = arith.constant 32 : index
      %swap3A_187 = tpu.vector_load %arg12[%swap3A_186] {strides = array<i32>} : memref<80xi32, #tpu.memory_space<vmem>>, vector<16xi32>,
      %swap3A_188 = vector.shape_cast %swap3A_187 : vector<16xi32> to vector<16xi32>
      %swap3A_189 = vector.shape_cast %get3A_185 : vector<16xi32> to vector<16xi32>
      tpu.vector_store %arg12[%swap3A_186], %swap3A_189 {strides = array<i32>} : memref<80xi32, #tpu.memory_space<vmem>>, vector<16xi32>,
      %get3A_190 = arith.constant 9968 : index
      %get3A_191 = tpu.vector_load %arg11[%get3A_190] {strides = array<i32>} : memref<10096xi32, #tpu.memory_space<vmem>>, vector<16xi32>,
      %get3A_192 = vector.shape_cast %get3A_191 : vector<16xi32> to vector<16xi32>
      %swap3A_193 = arith.constant 48 : index
      %swap3A_194 = tpu.vector_load %arg12[%swap3A_193] {strides = array<i32>} : memref<80xi32, #tpu.memory_space<vmem>>, vector<16xi32>,
      %swap3A_195 = vector.shape_cast %swap3A_194 : vector<16xi32> to vector<16xi32>
      %swap3A_196 = vector.shape_cast %get3A_192 : vector<16xi32> to vector<16xi32>
      tpu.vector_store %arg12[%swap3A_193], %swap3A_196 {strides = array<i32>} : memref<80xi32, #tpu.memory_space<vmem>>, vector<16xi32>,
      %get3A_197 = arith.constant 9984 : index
      %get3A_198 = tpu.vector_load %arg11[%get3A_197] {strides = array<i32>} : memref<10096xi32, #tpu.memory_space<vmem>>, vector<16xi32>,
      %get3A_199 = vector.shape_cast %get3A_198 : vector<16xi32> to vector<16xi32>
      %swap3A_200 = arith.constant 64 : index
      %swap3A_201 = tpu.vector_load %arg12[%swap3A_200] {strides = array<i32>} : memref<80xi32, #tpu.memory_space<vmem>>, vector<16xi32>,
      %swap3A_202 = vector.shape_cast %swap3A_201 : vector<16xi32> to vector<16xi32>
      %swap3A_203 = vector.shape_cast %get3A_199 : vector<16xi32> to vector<16xi32>
      tpu.vector_store %arg12[%swap3A_200], %swap3A_203 {strides = array<i32>} : memref<80xi32, #tpu.memory_space<vmem>>, vector<16xi32>,
      %dma_wait3A_204 = arith.constant 9920 : i32
      %dma_wait3A_205 = tpu.memref_slice %arg10[%dma_wait3A_204] : memref<10096xi32, #tpu.memory_space<vmem>> -> memref<80xi32, #tpu.memory_space<vmem>>
      %dma_wait3A_206 = arith.constant 0 : i32
      %dma_wait3A_207 = arith.constant 0 : i32
      %dma_wait3A_208 = tpu.memref_slice %arg2[%dma_wait3A_206, %dma_wait3A_207] : memref<10000x128xf32, #tpu.memory_space<hbm>> -> memref<10000x128xf32, #tpu.memory_space<hbm>>
      tpu.wait_indirect_dma semaphore(%arg19 : memref<!tpu.dma_semaphore, #tpu.memory_space<semaphore_mem>>) src(%dma_wait3A_208 : memref<10000x128xf32, #tpu.memory_space<hbm>>) dst(%arg14 : memref<80x128xf32, #tpu.memory_space<vmem>>)
      "tpu.region"() ({
        %run_scoped3A = tpu.sem_alloc : memref<!tpu.dma_semaphore, #tpu.memory_space<semaphore_mem>>
        %dma_start3A_209 = arith.constant 0 : i32
        %dma_start3A_210 = arith.constant 0 : i32
        %dma_start3A_211 = tpu.memref_slice %arg17[%dma_start3A_209, %dma_start3A_210] : memref<512x128xf32, #tpu.memory_space<vmem_shared>> -> memref<512x128xf32, #tpu.memory_space<vmem_shared>>
        tpu.enqueue_indirect_dma source(%arg14 : memref<80x128xf32, #tpu.memory_space<vmem>>) target(%dma_start3A_211 : memref<512x128xf32, #tpu.memory_space<vmem_shared>>) offsets(%arg12 : memref<80xi32, #tpu.memory_space<vmem>>) semaphore(%run_scoped3A : memref<!tpu.dma_semaphore, #tpu.memory_space<semaphore_mem>>) {add = true}
        %dma_wait3A_212 = arith.constant 0 : i32
        %dma_wait3A_213 = arith.constant 0 : i32
        %dma_wait3A_214 = tpu.memref_slice %arg17[%dma_wait3A_212, %dma_wait3A_213] : memref<512x128xf32, #tpu.memory_space<vmem_shared>> -> memref<512x128xf32, #tpu.memory_space<vmem_shared>>
        tpu.wait_indirect_dma semaphore(%run_scoped3A : memref<!tpu.dma_semaphore, #tpu.memory_space<semaphore_mem>>) src(%arg14 : memref<80x128xf32, #tpu.memory_space<vmem>>) dst(%dma_wait3A_214 : memref<512x128xf32, #tpu.memory_space<vmem_shared>>)
        tpu.yield
      }) : () -> ()
    } else {
    }
    %barrier3A_161 = arith.constant 0 : index
    tpu.barrier barrier_id(%barrier3A_161)
    %mul3A_162 = arith.constant 16 : i32
    %mul3A_163 = arith.muli %arg1, %mul3A_162 : i32
    "tpu.region"() ({
      %run_scoped3A = tpu.sem_alloc : memref<!tpu.dma_semaphore, #tpu.memory_space<semaphore_mem>>
      %dma_start3A_169 = arith.constant 0 : i32
      %dma_start3A_170 = arith.constant 0 : i32
      %dma_start3A_171 = tpu.memref_slice %arg16[%dma_start3A_169, %dma_start3A_170] : memref<32x128xf32, #tpu.memory_space<vmem>> -> memref<16x128xf32, #tpu.memory_space<vmem>>
      %dma_start3A_172 = arith.constant 0 : i32
      %dma_start3A_173 = tpu.memref_slice %arg17[%mul3A_163, %dma_start3A_172] : memref<512x128xf32, #tpu.memory_space<vmem_shared>> -> memref<16x128xf32, #tpu.memory_space<vmem_shared>>
      %dma_start3A_174 = arith.constant 0 : i32
      %dma_start3A_175 = arith.constant 0 : i32
      %dma_start3A_176 = tpu.memref_slice %arg16[%dma_start3A_174, %dma_start3A_175] : memref<32x128xf32, #tpu.memory_space<vmem>> -> memref<16x128xf32, #tpu.memory_space<vmem>>
      %dma_start3A_177 = arith.constant 0 : i32
      %dma_start3A_178 = tpu.memref_slice %arg17[%mul3A_163, %dma_start3A_177] : memref<512x128xf32, #tpu.memory_space<vmem_shared>> -> memref<16x128xf32, #tpu.memory_space<vmem_shared>>
      tpu.enqueue_dma source(%dma_start3A_178 : memref<16x128xf32, #tpu.memory_space<vmem_shared>>) target(%dma_start3A_176 : memref<16x128xf32, #tpu.memory_space<vmem>>) target_semaphore(%run_scoped3A : memref<!tpu.dma_semaphore, #tpu.memory_space<semaphore_mem>>)
      %dma_wait3A_179 = arith.constant 0 : i32
      %dma_wait3A_180 = arith.constant 0 : i32
      %dma_wait3A_181 = tpu.memref_slice %arg16[%dma_wait3A_179, %dma_wait3A_180] : memref<32x128xf32, #tpu.memory_space<vmem>> -> memref<16x128xf32, #tpu.memory_space<vmem>>
      %dma_wait3A_182 = arith.constant 0 : i32
      %dma_wait3A_183 = tpu.memref_slice %arg17[%mul3A_163, %dma_wait3A_182] : memref<512x128xf32, #tpu.memory_space<vmem_shared>> -> memref<16x128xf32, #tpu.memory_space<vmem_shared>>
      %dma_wait3A_184 = arith.constant 0 : i32
      %dma_wait3A_185 = arith.constant 0 : i32
      %dma_wait3A_186 = tpu.memref_slice %arg16[%dma_wait3A_184, %dma_wait3A_185] : memref<32x128xf32, #tpu.memory_space<vmem>> -> memref<16x128xf32, #tpu.memory_space<vmem>>
      %dma_wait3A_187 = arith.constant 0 : i32
      %dma_wait3A_188 = tpu.memref_slice %arg17[%mul3A_163, %dma_wait3A_187] : memref<512x128xf32, #tpu.memory_space<vmem_shared>> -> memref<16x128xf32, #tpu.memory_space<vmem_shared>>
      tpu.wait_dma2 semaphore(%run_scoped3A : memref<!tpu.dma_semaphore, #tpu.memory_space<semaphore_mem>>) src(%dma_wait3A_188 : memref<16x128xf32, #tpu.memory_space<vmem_shared>>) dst(%dma_wait3A_186 : memref<16x128xf32, #tpu.memory_space<vmem>>)
      tpu.yield
    }) : () -> ()
    %mul3A_164 = arith.constant 256 : i32
    %mul3A_165 = arith.muli %arg0, %mul3A_164 : i32
    %mul3A_166 = arith.constant 16 : i32
    %mul3A_167 = arith.muli %arg1, %mul3A_166 : i32
    %add3A_168 = arith.addi %mul3A_165, %mul3A_167 : i32
    "tpu.region"() ({
      %run_scoped3A = tpu.sem_alloc : memref<!tpu.dma_semaphore, #tpu.memory_space<semaphore_mem>>
      %dma_start3A_169 = arith.constant 0 : i32
      %dma_start3A_170 = arith.constant 0 : i32
      %dma_start3A_171 = tpu.memref_slice %arg16[%dma_start3A_169, %dma_start3A_170] : memref<32x128xf32, #tpu.memory_space<vmem>> -> memref<16x128xf32, #tpu.memory_space<vmem>>
      %dma_start3A_172 = arith.constant 0 : i32
      %dma_start3A_173 = tpu.memref_slice %arg6[%add3A_168, %dma_start3A_172] : memref<512x128xf32, #tpu.memory_space<hbm>> -> memref<16x128xf32, #tpu.memory_space<hbm>>
      %dma_start3A_174 = arith.constant 0 : i32
      %dma_start3A_175 = tpu.memref_slice %arg6[%add3A_168, %dma_start3A_174] : memref<512x128xf32, #tpu.memory_space<hbm>> -> memref<16x128xf32, #tpu.memory_space<hbm>>
      %dma_start3A_176 = arith.constant 0 : i32
      %dma_start3A_177 = arith.constant 0 : i32
      %dma_start3A_178 = tpu.memref_slice %arg16[%dma_start3A_176, %dma_start3A_177] : memref<32x128xf32, #tpu.memory_space<vmem>> -> memref<16x128xf32, #tpu.memory_space<vmem>>
      tpu.enqueue_dma source(%dma_start3A_178 : memref<16x128xf32, #tpu.memory_space<vmem>>) target(%dma_start3A_175 : memref<16x128xf32, #tpu.memory_space<hbm>>) target_semaphore(%run_scoped3A : memref<!tpu.dma_semaphore, #tpu.memory_space<semaphore_mem>>)
      %dma_wait3A_179 = arith.constant 0 : i32
      %dma_wait3A_180 = arith.constant 0 : i32
      %dma_wait3A_181 = tpu.memref_slice %arg16[%dma_wait3A_179, %dma_wait3A_180] : memref<32x128xf32, #tpu.memory_space<vmem>> -> memref<16x128xf32, #tpu.memory_space<vmem>>
      %dma_wait3A_182 = arith.constant 0 : i32
      %dma_wait3A_183 = tpu.memref_slice %arg6[%add3A_168, %dma_wait3A_182] : memref<512x128xf32, #tpu.memory_space<hbm>> -> memref<16x128xf32, #tpu.memory_space<hbm>>
      %dma_wait3A_184 = arith.constant 0 : i32
      %dma_wait3A_185 = tpu.memref_slice %arg6[%add3A_168, %dma_wait3A_184] : memref<512x128xf32, #tpu.memory_space<hbm>> -> memref<16x128xf32, #tpu.memory_space<hbm>>
      %dma_wait3A_186 = arith.constant 0 : i32
      %dma_wait3A_187 = arith.constant 0 : i32
      %dma_wait3A_188 = tpu.memref_slice %arg16[%dma_wait3A_186, %dma_wait3A_187] : memref<32x128xf32, #tpu.memory_space<vmem>> -> memref<16x128xf32, #tpu.memory_space<vmem>>
      tpu.wait_dma2 semaphore(%run_scoped3A : memref<!tpu.dma_semaphore, #tpu.memory_space<semaphore_mem>>) src(%dma_wait3A_188 : memref<16x128xf32, #tpu.memory_space<vmem>>) dst(%dma_wait3A_185 : memref<16x128xf32, #tpu.memory_space<hbm>>)
      tpu.yield
    }) : () -> ()
    return
  }
}

#map = affine_map<(d0, d1) -> (0, 0)>
#map1 = affine_map<(d0, d1) -> (0)>
module attributes {stable_mosaic.version = 14 : i64} {
  func.func @agg(%arg0: i32, %arg1: i32, %arg2: memref<10000x128xf32, #tpu.memory_space<hbm>>, %arg3: memref<320000xi32, #tpu.memory_space<hbm>>, %arg4: memref<320000xi32, #tpu.memory_space<hbm>>, %arg5: memref<20480x128xf32, #tpu.memory_space<hbm>>, %arg6: memref<80xi32, #tpu.memory_space<vmem>>, %arg7: memref<80xi32, #tpu.memory_space<vmem>>, %arg8: memref<80xi32, #tpu.memory_space<vmem>>, %arg9: memref<80xi32, #tpu.memory_space<vmem>>, %arg10: memref<80xi32, #tpu.memory_space<vmem>>, %arg11: memref<80xi32, #tpu.memory_space<vmem>>, %arg12: memref<80x128xf32, #tpu.memory_space<vmem>>, %arg13: memref<80x128xf32, #tpu.memory_space<vmem>>, %arg14: memref<80x128xf32, #tpu.memory_space<vmem>>, %arg15: memref<10240x128xf32, #tpu.memory_space<vmem_shared>>, %arg16: memref<!tpu.dma_semaphore, #tpu.memory_space<semaphore_mem>>, %arg17: memref<!tpu.dma_semaphore, #tpu.memory_space<semaphore_mem>>, %arg18: memref<!tpu.dma_semaphore, #tpu.memory_space<semaphore_mem>>, %arg19: memref<!tpu.dma_semaphore, #tpu.memory_space<semaphore_mem>>, %arg20: memref<!tpu.dma_semaphore, #tpu.memory_space<semaphore_mem>>, %arg21: memref<!tpu.dma_semaphore, #tpu.memory_space<semaphore_mem>>, %arg22: memref<!tpu.dma_semaphore, #tpu.memory_space<semaphore_mem>>, %arg23: memref<!tpu.dma_semaphore, #tpu.memory_space<semaphore_mem>>, %arg24: memref<!tpu.dma_semaphore, #tpu.memory_space<semaphore_mem>>, %arg25: memref<!tpu.dma_semaphore, #tpu.memory_space<semaphore_mem>>, %arg26: memref<!tpu.dma_semaphore, #tpu.memory_space<semaphore_mem>>, %arg27: memref<!tpu.dma_semaphore, #tpu.memory_space<semaphore_mem>>) attributes {dimension_semantics = [#tpu.dimension_semantics<core_parallel>, #tpu.dimension_semantics<subcore_parallel>], iteration_bounds = array<i64: 2, 16>, scalar_prefetch = 0 : i64, scratch_operands = 22 : i64, tpu.core_type = #tpu.core_type<sc_vector_subcore>, window_params = [{transform_indices = #map}, {transform_indices = #map1}, {transform_indices = #map1}, {transform_indices = #map}]} {
    %mul3A = arith.constant 16 : i32
    %mul3A_0 = arith.muli %arg0, %mul3A : i32
    %add3A = arith.addi %mul3A_0, %arg1 : i32
    %mul3A_1 = arith.constant 640 : i32
    %mul3A_2 = arith.muli %arg1, %mul3A_1 : i32
    %mul3A_3 = arith.constant 10000 : i32
    %mul3A_4 = arith.muli %add3A, %mul3A_3 : i32
    %add3A_5 = arith.constant 0 : i32
    %add3A_6 = arith.addi %mul3A_4, %add3A_5 : i32
    %dma_start3A = tpu.memref_slice %arg3[%add3A_6] : memref<320000xi32, #tpu.memory_space<hbm>> -> memref<80xi32, #tpu.memory_space<hbm>>
    %dma_start3A_7 = tpu.memref_slice %arg3[%add3A_6] : memref<320000xi32, #tpu.memory_space<hbm>> -> memref<80xi32, #tpu.memory_space<hbm>>
    tpu.enqueue_dma source(%dma_start3A_7 : memref<80xi32, #tpu.memory_space<hbm>>) target(%arg6 : memref<80xi32, #tpu.memory_space<vmem>>) target_semaphore(%arg16 : memref<!tpu.dma_semaphore, #tpu.memory_space<semaphore_mem>>)
    %add3A_8 = arith.constant 80 : i32
    %add3A_9 = arith.addi %mul3A_4, %add3A_8 : i32
    %dma_start3A_10 = tpu.memref_slice %arg3[%add3A_9] : memref<320000xi32, #tpu.memory_space<hbm>> -> memref<80xi32, #tpu.memory_space<hbm>>
    %dma_start3A_11 = tpu.memref_slice %arg3[%add3A_9] : memref<320000xi32, #tpu.memory_space<hbm>> -> memref<80xi32, #tpu.memory_space<hbm>>
    tpu.enqueue_dma source(%dma_start3A_11 : memref<80xi32, #tpu.memory_space<hbm>>) target(%arg7 : memref<80xi32, #tpu.memory_space<vmem>>) target_semaphore(%arg17 : memref<!tpu.dma_semaphore, #tpu.memory_space<semaphore_mem>>)
    %add3A_12 = arith.constant 160 : i32
    %add3A_13 = arith.addi %mul3A_4, %add3A_12 : i32
    %dma_start3A_14 = tpu.memref_slice %arg3[%add3A_13] : memref<320000xi32, #tpu.memory_space<hbm>> -> memref<80xi32, #tpu.memory_space<hbm>>
    %dma_start3A_15 = tpu.memref_slice %arg3[%add3A_13] : memref<320000xi32, #tpu.memory_space<hbm>> -> memref<80xi32, #tpu.memory_space<hbm>>
    tpu.enqueue_dma source(%dma_start3A_15 : memref<80xi32, #tpu.memory_space<hbm>>) target(%arg8 : memref<80xi32, #tpu.memory_space<vmem>>) target_semaphore(%arg18 : memref<!tpu.dma_semaphore, #tpu.memory_space<semaphore_mem>>)
    %add3A_16 = arith.constant 0 : i32
    %add3A_17 = arith.addi %mul3A_4, %add3A_16 : i32
    %dma_start3A_18 = tpu.memref_slice %arg4[%add3A_17] : memref<320000xi32, #tpu.memory_space<hbm>> -> memref<80xi32, #tpu.memory_space<hbm>>
    %dma_start3A_19 = tpu.memref_slice %arg4[%add3A_17] : memref<320000xi32, #tpu.memory_space<hbm>> -> memref<80xi32, #tpu.memory_space<hbm>>
    tpu.enqueue_dma source(%dma_start3A_19 : memref<80xi32, #tpu.memory_space<hbm>>) target(%arg9 : memref<80xi32, #tpu.memory_space<vmem>>) target_semaphore(%arg19 : memref<!tpu.dma_semaphore, #tpu.memory_space<semaphore_mem>>)
    %add3A_20 = arith.constant 80 : i32
    %add3A_21 = arith.addi %mul3A_4, %add3A_20 : i32
    %dma_start3A_22 = tpu.memref_slice %arg4[%add3A_21] : memref<320000xi32, #tpu.memory_space<hbm>> -> memref<80xi32, #tpu.memory_space<hbm>>
    %dma_start3A_23 = tpu.memref_slice %arg4[%add3A_21] : memref<320000xi32, #tpu.memory_space<hbm>> -> memref<80xi32, #tpu.memory_space<hbm>>
    tpu.enqueue_dma source(%dma_start3A_23 : memref<80xi32, #tpu.memory_space<hbm>>) target(%arg10 : memref<80xi32, #tpu.memory_space<vmem>>) target_semaphore(%arg20 : memref<!tpu.dma_semaphore, #tpu.memory_space<semaphore_mem>>)
    %scan3A = arith.constant 0 : i32
    %scan3A_24 = arith.constant 0 : i32
    %scan3A_25 = arith.constant 80 : i32
    %scan3A_26 = arith.addi %scan3A_24, %scan3A_25 : i32
    %scan3A_27 = arith.constant 1 : i32
    scf.for %scan3A_150 = %scan3A_24 to %scan3A_26 step %scan3A_27  : i32 {
      %scan3A_151 = arith.constant 0 : i32
      %scan3A_152 = arith.constant 8 : i32
      %scan3A_153 = arith.addi %scan3A_151, %scan3A_152 : i32
      %scan3A_154 = arith.constant 1 : i32
      scf.for %scan3A_156 = %scan3A_151 to %scan3A_153 step %scan3A_154  : i32 {
        %broadcast_in_dim3A = arith.constant 0.000000e+00 : f32
        %broadcast_in_dim3A_157 = vector.broadcast %broadcast_in_dim3A : f32 to vector<16xf32>
        %mul3A_158 = arith.constant 16 : i32
        %mul3A_159 = arith.muli %scan3A_156, %mul3A_158 : i32
        %swap3A = arith.index_cast %scan3A_150 : i32 to index
        %swap3A_160 = arith.index_cast %mul3A_159 : i32 to index
        %swap3A_161 = tpu.vector_load %arg12[%swap3A, %swap3A_160] {strides = array<i32>} : memref<80x128xf32, #tpu.memory_space<vmem>>, vector<1x16xf32>,
        %swap3A_162 = vector.shape_cast %swap3A_161 : vector<1x16xf32> to vector<16xf32>
        %swap3A_163 = vector.shape_cast %broadcast_in_dim3A_157 : vector<16xf32> to vector<1x16xf32>
        tpu.vector_store %arg12[%swap3A, %swap3A_160], %swap3A_163 {strides = array<i32>} : memref<80x128xf32, #tpu.memory_space<vmem>>, vector<1x16xf32>,
      }
      %scan3A_155 = arith.constant 8 : i32
    }
    %scan3A_28 = arith.constant 80 : i32
    %add3A_29 = arith.constant 0 : i32
    %add3A_30 = arith.addi %mul3A_2, %add3A_29 : i32
    "tpu.region"() ({
      %run_scoped3A = tpu.sem_alloc : memref<!tpu.dma_semaphore, #tpu.memory_space<semaphore_mem>>
      %dma_start3A_150 = arith.constant 0 : i32
      %dma_start3A_151 = tpu.memref_slice %arg15[%add3A_30, %dma_start3A_150] : memref<10240x128xf32, #tpu.memory_space<vmem_shared>> -> memref<80x128xf32, #tpu.memory_space<vmem_shared>>
      %dma_start3A_152 = arith.constant 0 : i32
      %dma_start3A_153 = tpu.memref_slice %arg15[%add3A_30, %dma_start3A_152] : memref<10240x128xf32, #tpu.memory_space<vmem_shared>> -> memref<80x128xf32, #tpu.memory_space<vmem_shared>>
      tpu.enqueue_dma source(%arg12 : memref<80x128xf32, #tpu.memory_space<vmem>>) target(%dma_start3A_153 : memref<80x128xf32, #tpu.memory_space<vmem_shared>>) target_semaphore(%run_scoped3A : memref<!tpu.dma_semaphore, #tpu.memory_space<semaphore_mem>>)
      %dma_wait3A_154 = arith.constant 0 : i32
      %dma_wait3A_155 = tpu.memref_slice %arg15[%add3A_30, %dma_wait3A_154] : memref<10240x128xf32, #tpu.memory_space<vmem_shared>> -> memref<80x128xf32, #tpu.memory_space<vmem_shared>>
      %dma_wait3A_156 = arith.constant 0 : i32
      %dma_wait3A_157 = tpu.memref_slice %arg15[%add3A_30, %dma_wait3A_156] : memref<10240x128xf32, #tpu.memory_space<vmem_shared>> -> memref<80x128xf32, #tpu.memory_space<vmem_shared>>
      tpu.wait_dma2 semaphore(%run_scoped3A : memref<!tpu.dma_semaphore, #tpu.memory_space<semaphore_mem>>) src(%arg12 : memref<80x128xf32, #tpu.memory_space<vmem>>) dst(%dma_wait3A_157 : memref<80x128xf32, #tpu.memory_space<vmem_shared>>)
      tpu.yield
    }) : () -> ()
    %add3A_31 = arith.constant 80 : i32
    %add3A_32 = arith.addi %mul3A_2, %add3A_31 : i32
    "tpu.region"() ({
      %run_scoped3A = tpu.sem_alloc : memref<!tpu.dma_semaphore, #tpu.memory_space<semaphore_mem>>
      %dma_start3A_150 = arith.constant 0 : i32
      %dma_start3A_151 = tpu.memref_slice %arg15[%add3A_32, %dma_start3A_150] : memref<10240x128xf32, #tpu.memory_space<vmem_shared>> -> memref<80x128xf32, #tpu.memory_space<vmem_shared>>
      %dma_start3A_152 = arith.constant 0 : i32
      %dma_start3A_153 = tpu.memref_slice %arg15[%add3A_32, %dma_start3A_152] : memref<10240x128xf32, #tpu.memory_space<vmem_shared>> -> memref<80x128xf32, #tpu.memory_space<vmem_shared>>
      tpu.enqueue_dma source(%arg12 : memref<80x128xf32, #tpu.memory_space<vmem>>) target(%dma_start3A_153 : memref<80x128xf32, #tpu.memory_space<vmem_shared>>) target_semaphore(%run_scoped3A : memref<!tpu.dma_semaphore, #tpu.memory_space<semaphore_mem>>)
      %dma_wait3A_154 = arith.constant 0 : i32
      %dma_wait3A_155 = tpu.memref_slice %arg15[%add3A_32, %dma_wait3A_154] : memref<10240x128xf32, #tpu.memory_space<vmem_shared>> -> memref<80x128xf32, #tpu.memory_space<vmem_shared>>
      %dma_wait3A_156 = arith.constant 0 : i32
      %dma_wait3A_157 = tpu.memref_slice %arg15[%add3A_32, %dma_wait3A_156] : memref<10240x128xf32, #tpu.memory_space<vmem_shared>> -> memref<80x128xf32, #tpu.memory_space<vmem_shared>>
      tpu.wait_dma2 semaphore(%run_scoped3A : memref<!tpu.dma_semaphore, #tpu.memory_space<semaphore_mem>>) src(%arg12 : memref<80x128xf32, #tpu.memory_space<vmem>>) dst(%dma_wait3A_157 : memref<80x128xf32, #tpu.memory_space<vmem_shared>>)
      tpu.yield
    }) : () -> ()
    %add3A_33 = arith.constant 160 : i32
    %add3A_34 = arith.addi %mul3A_2, %add3A_33 : i32
    "tpu.region"() ({
      %run_scoped3A = tpu.sem_alloc : memref<!tpu.dma_semaphore, #tpu.memory_space<semaphore_mem>>
      %dma_start3A_150 = arith.constant 0 : i32
      %dma_start3A_151 = tpu.memref_slice %arg15[%add3A_34, %dma_start3A_150] : memref<10240x128xf32, #tpu.memory_space<vmem_shared>> -> memref<80x128xf32, #tpu.memory_space<vmem_shared>>
      %dma_start3A_152 = arith.constant 0 : i32
      %dma_start3A_153 = tpu.memref_slice %arg15[%add3A_34, %dma_start3A_152] : memref<10240x128xf32, #tpu.memory_space<vmem_shared>> -> memref<80x128xf32, #tpu.memory_space<vmem_shared>>
      tpu.enqueue_dma source(%arg12 : memref<80x128xf32, #tpu.memory_space<vmem>>) target(%dma_start3A_153 : memref<80x128xf32, #tpu.memory_space<vmem_shared>>) target_semaphore(%run_scoped3A : memref<!tpu.dma_semaphore, #tpu.memory_space<semaphore_mem>>)
      %dma_wait3A_154 = arith.constant 0 : i32
      %dma_wait3A_155 = tpu.memref_slice %arg15[%add3A_34, %dma_wait3A_154] : memref<10240x128xf32, #tpu.memory_space<vmem_shared>> -> memref<80x128xf32, #tpu.memory_space<vmem_shared>>
      %dma_wait3A_156 = arith.constant 0 : i32
      %dma_wait3A_157 = tpu.memref_slice %arg15[%add3A_34, %dma_wait3A_156] : memref<10240x128xf32, #tpu.memory_space<vmem_shared>> -> memref<80x128xf32, #tpu.memory_space<vmem_shared>>
      tpu.wait_dma2 semaphore(%run_scoped3A : memref<!tpu.dma_semaphore, #tpu.memory_space<semaphore_mem>>) src(%arg12 : memref<80x128xf32, #tpu.memory_space<vmem>>) dst(%dma_wait3A_157 : memref<80x128xf32, #tpu.memory_space<vmem_shared>>)
      tpu.yield
    }) : () -> ()
    %add3A_35 = arith.constant 240 : i32
    %add3A_36 = arith.addi %mul3A_2, %add3A_35 : i32
    "tpu.region"() ({
      %run_scoped3A = tpu.sem_alloc : memref<!tpu.dma_semaphore, #tpu.memory_space<semaphore_mem>>
      %dma_start3A_150 = arith.constant 0 : i32
      %dma_start3A_151 = tpu.memref_slice %arg15[%add3A_36, %dma_start3A_150] : memref<10240x128xf32, #tpu.memory_space<vmem_shared>> -> memref<80x128xf32, #tpu.memory_space<vmem_shared>>
      %dma_start3A_152 = arith.constant 0 : i32
      %dma_start3A_153 = tpu.memref_slice %arg15[%add3A_36, %dma_start3A_152] : memref<10240x128xf32, #tpu.memory_space<vmem_shared>> -> memref<80x128xf32, #tpu.memory_space<vmem_shared>>
      tpu.enqueue_dma source(%arg12 : memref<80x128xf32, #tpu.memory_space<vmem>>) target(%dma_start3A_153 : memref<80x128xf32, #tpu.memory_space<vmem_shared>>) target_semaphore(%run_scoped3A : memref<!tpu.dma_semaphore, #tpu.memory_space<semaphore_mem>>)
      %dma_wait3A_154 = arith.constant 0 : i32
      %dma_wait3A_155 = tpu.memref_slice %arg15[%add3A_36, %dma_wait3A_154] : memref<10240x128xf32, #tpu.memory_space<vmem_shared>> -> memref<80x128xf32, #tpu.memory_space<vmem_shared>>
      %dma_wait3A_156 = arith.constant 0 : i32
      %dma_wait3A_157 = tpu.memref_slice %arg15[%add3A_36, %dma_wait3A_156] : memref<10240x128xf32, #tpu.memory_space<vmem_shared>> -> memref<80x128xf32, #tpu.memory_space<vmem_shared>>
      tpu.wait_dma2 semaphore(%run_scoped3A : memref<!tpu.dma_semaphore, #tpu.memory_space<semaphore_mem>>) src(%arg12 : memref<80x128xf32, #tpu.memory_space<vmem>>) dst(%dma_wait3A_157 : memref<80x128xf32, #tpu.memory_space<vmem_shared>>)
      tpu.yield
    }) : () -> ()
    %add3A_37 = arith.constant 320 : i32
    %add3A_38 = arith.addi %mul3A_2, %add3A_37 : i32
    "tpu.region"() ({
      %run_scoped3A = tpu.sem_alloc : memref<!tpu.dma_semaphore, #tpu.memory_space<semaphore_mem>>
      %dma_start3A_150 = arith.constant 0 : i32
      %dma_start3A_151 = tpu.memref_slice %arg15[%add3A_38, %dma_start3A_150] : memref<10240x128xf32, #tpu.memory_space<vmem_shared>> -> memref<80x128xf32, #tpu.memory_space<vmem_shared>>
      %dma_start3A_152 = arith.constant 0 : i32
      %dma_start3A_153 = tpu.memref_slice %arg15[%add3A_38, %dma_start3A_152] : memref<10240x128xf32, #tpu.memory_space<vmem_shared>> -> memref<80x128xf32, #tpu.memory_space<vmem_shared>>
      tpu.enqueue_dma source(%arg12 : memref<80x128xf32, #tpu.memory_space<vmem>>) target(%dma_start3A_153 : memref<80x128xf32, #tpu.memory_space<vmem_shared>>) target_semaphore(%run_scoped3A : memref<!tpu.dma_semaphore, #tpu.memory_space<semaphore_mem>>)
      %dma_wait3A_154 = arith.constant 0 : i32
      %dma_wait3A_155 = tpu.memref_slice %arg15[%add3A_38, %dma_wait3A_154] : memref<10240x128xf32, #tpu.memory_space<vmem_shared>> -> memref<80x128xf32, #tpu.memory_space<vmem_shared>>
      %dma_wait3A_156 = arith.constant 0 : i32
      %dma_wait3A_157 = tpu.memref_slice %arg15[%add3A_38, %dma_wait3A_156] : memref<10240x128xf32, #tpu.memory_space<vmem_shared>> -> memref<80x128xf32, #tpu.memory_space<vmem_shared>>
      tpu.wait_dma2 semaphore(%run_scoped3A : memref<!tpu.dma_semaphore, #tpu.memory_space<semaphore_mem>>) src(%arg12 : memref<80x128xf32, #tpu.memory_space<vmem>>) dst(%dma_wait3A_157 : memref<80x128xf32, #tpu.memory_space<vmem_shared>>)
      tpu.yield
    }) : () -> ()
    %add3A_39 = arith.constant 400 : i32
    %add3A_40 = arith.addi %mul3A_2, %add3A_39 : i32
    "tpu.region"() ({
      %run_scoped3A = tpu.sem_alloc : memref<!tpu.dma_semaphore, #tpu.memory_space<semaphore_mem>>
      %dma_start3A_150 = arith.constant 0 : i32
      %dma_start3A_151 = tpu.memref_slice %arg15[%add3A_40, %dma_start3A_150] : memref<10240x128xf32, #tpu.memory_space<vmem_shared>> -> memref<80x128xf32, #tpu.memory_space<vmem_shared>>
      %dma_start3A_152 = arith.constant 0 : i32
      %dma_start3A_153 = tpu.memref_slice %arg15[%add3A_40, %dma_start3A_152] : memref<10240x128xf32, #tpu.memory_space<vmem_shared>> -> memref<80x128xf32, #tpu.memory_space<vmem_shared>>
      tpu.enqueue_dma source(%arg12 : memref<80x128xf32, #tpu.memory_space<vmem>>) target(%dma_start3A_153 : memref<80x128xf32, #tpu.memory_space<vmem_shared>>) target_semaphore(%run_scoped3A : memref<!tpu.dma_semaphore, #tpu.memory_space<semaphore_mem>>)
      %dma_wait3A_154 = arith.constant 0 : i32
      %dma_wait3A_155 = tpu.memref_slice %arg15[%add3A_40, %dma_wait3A_154] : memref<10240x128xf32, #tpu.memory_space<vmem_shared>> -> memref<80x128xf32, #tpu.memory_space<vmem_shared>>
      %dma_wait3A_156 = arith.constant 0 : i32
      %dma_wait3A_157 = tpu.memref_slice %arg15[%add3A_40, %dma_wait3A_156] : memref<10240x128xf32, #tpu.memory_space<vmem_shared>> -> memref<80x128xf32, #tpu.memory_space<vmem_shared>>
      tpu.wait_dma2 semaphore(%run_scoped3A : memref<!tpu.dma_semaphore, #tpu.memory_space<semaphore_mem>>) src(%arg12 : memref<80x128xf32, #tpu.memory_space<vmem>>) dst(%dma_wait3A_157 : memref<80x128xf32, #tpu.memory_space<vmem_shared>>)
      tpu.yield
    }) : () -> ()
    %add3A_41 = arith.constant 480 : i32
    %add3A_42 = arith.addi %mul3A_2, %add3A_41 : i32
    "tpu.region"() ({
      %run_scoped3A = tpu.sem_alloc : memref<!tpu.dma_semaphore, #tpu.memory_space<semaphore_mem>>
      %dma_start3A_150 = arith.constant 0 : i32
      %dma_start3A_151 = tpu.memref_slice %arg15[%add3A_42, %dma_start3A_150] : memref<10240x128xf32, #tpu.memory_space<vmem_shared>> -> memref<80x128xf32, #tpu.memory_space<vmem_shared>>
      %dma_start3A_152 = arith.constant 0 : i32
      %dma_start3A_153 = tpu.memref_slice %arg15[%add3A_42, %dma_start3A_152] : memref<10240x128xf32, #tpu.memory_space<vmem_shared>> -> memref<80x128xf32, #tpu.memory_space<vmem_shared>>
      tpu.enqueue_dma source(%arg12 : memref<80x128xf32, #tpu.memory_space<vmem>>) target(%dma_start3A_153 : memref<80x128xf32, #tpu.memory_space<vmem_shared>>) target_semaphore(%run_scoped3A : memref<!tpu.dma_semaphore, #tpu.memory_space<semaphore_mem>>)
      %dma_wait3A_154 = arith.constant 0 : i32
      %dma_wait3A_155 = tpu.memref_slice %arg15[%add3A_42, %dma_wait3A_154] : memref<10240x128xf32, #tpu.memory_space<vmem_shared>> -> memref<80x128xf32, #tpu.memory_space<vmem_shared>>
      %dma_wait3A_156 = arith.constant 0 : i32
      %dma_wait3A_157 = tpu.memref_slice %arg15[%add3A_42, %dma_wait3A_156] : memref<10240x128xf32, #tpu.memory_space<vmem_shared>> -> memref<80x128xf32, #tpu.memory_space<vmem_shared>>
      tpu.wait_dma2 semaphore(%run_scoped3A : memref<!tpu.dma_semaphore, #tpu.memory_space<semaphore_mem>>) src(%arg12 : memref<80x128xf32, #tpu.memory_space<vmem>>) dst(%dma_wait3A_157 : memref<80x128xf32, #tpu.memory_space<vmem_shared>>)
      tpu.yield
    }) : () -> ()
    %add3A_43 = arith.constant 560 : i32
    %add3A_44 = arith.addi %mul3A_2, %add3A_43 : i32
    "tpu.region"() ({
      %run_scoped3A = tpu.sem_alloc : memref<!tpu.dma_semaphore, #tpu.memory_space<semaphore_mem>>
      %dma_start3A_150 = arith.constant 0 : i32
      %dma_start3A_151 = tpu.memref_slice %arg15[%add3A_44, %dma_start3A_150] : memref<10240x128xf32, #tpu.memory_space<vmem_shared>> -> memref<80x128xf32, #tpu.memory_space<vmem_shared>>
      %dma_start3A_152 = arith.constant 0 : i32
      %dma_start3A_153 = tpu.memref_slice %arg15[%add3A_44, %dma_start3A_152] : memref<10240x128xf32, #tpu.memory_space<vmem_shared>> -> memref<80x128xf32, #tpu.memory_space<vmem_shared>>
      tpu.enqueue_dma source(%arg12 : memref<80x128xf32, #tpu.memory_space<vmem>>) target(%dma_start3A_153 : memref<80x128xf32, #tpu.memory_space<vmem_shared>>) target_semaphore(%run_scoped3A : memref<!tpu.dma_semaphore, #tpu.memory_space<semaphore_mem>>)
      %dma_wait3A_154 = arith.constant 0 : i32
      %dma_wait3A_155 = tpu.memref_slice %arg15[%add3A_44, %dma_wait3A_154] : memref<10240x128xf32, #tpu.memory_space<vmem_shared>> -> memref<80x128xf32, #tpu.memory_space<vmem_shared>>
      %dma_wait3A_156 = arith.constant 0 : i32
      %dma_wait3A_157 = tpu.memref_slice %arg15[%add3A_44, %dma_wait3A_156] : memref<10240x128xf32, #tpu.memory_space<vmem_shared>> -> memref<80x128xf32, #tpu.memory_space<vmem_shared>>
      tpu.wait_dma2 semaphore(%run_scoped3A : memref<!tpu.dma_semaphore, #tpu.memory_space<semaphore_mem>>) src(%arg12 : memref<80x128xf32, #tpu.memory_space<vmem>>) dst(%dma_wait3A_157 : memref<80x128xf32, #tpu.memory_space<vmem_shared>>)
      tpu.yield
    }) : () -> ()
    %add3A_45 = arith.constant 0 : i32
    %add3A_46 = arith.addi %mul3A_4, %add3A_45 : i32
    %dma_wait3A = tpu.memref_slice %arg3[%add3A_46] : memref<320000xi32, #tpu.memory_space<hbm>> -> memref<80xi32, #tpu.memory_space<hbm>>
    %dma_wait3A_47 = tpu.memref_slice %arg3[%add3A_46] : memref<320000xi32, #tpu.memory_space<hbm>> -> memref<80xi32, #tpu.memory_space<hbm>>
    tpu.wait_dma2 semaphore(%arg16 : memref<!tpu.dma_semaphore, #tpu.memory_space<semaphore_mem>>) src(%dma_wait3A_47 : memref<80xi32, #tpu.memory_space<hbm>>) dst(%arg6 : memref<80xi32, #tpu.memory_space<vmem>>)
    %dma_start3A_48 = arith.constant 0 : i32
    %dma_start3A_49 = arith.constant 0 : i32
    %dma_start3A_50 = tpu.memref_slice %arg2[%dma_start3A_48, %dma_start3A_49] : memref<10000x128xf32, #tpu.memory_space<hbm>> -> memref<10000x128xf32, #tpu.memory_space<hbm>>
    tpu.enqueue_indirect_dma source(%dma_start3A_50 : memref<10000x128xf32, #tpu.memory_space<hbm>>) target(%arg12 : memref<80x128xf32, #tpu.memory_space<vmem>>) offsets(%arg6 : memref<80xi32, #tpu.memory_space<vmem>>) semaphore(%arg22 : memref<!tpu.dma_semaphore, #tpu.memory_space<semaphore_mem>>)
    %add3A_51 = arith.constant 80 : i32
    %add3A_52 = arith.addi %mul3A_4, %add3A_51 : i32
    %dma_wait3A_53 = tpu.memref_slice %arg3[%add3A_52] : memref<320000xi32, #tpu.memory_space<hbm>> -> memref<80xi32, #tpu.memory_space<hbm>>
    %dma_wait3A_54 = tpu.memref_slice %arg3[%add3A_52] : memref<320000xi32, #tpu.memory_space<hbm>> -> memref<80xi32, #tpu.memory_space<hbm>>
    tpu.wait_dma2 semaphore(%arg17 : memref<!tpu.dma_semaphore, #tpu.memory_space<semaphore_mem>>) src(%dma_wait3A_54 : memref<80xi32, #tpu.memory_space<hbm>>) dst(%arg7 : memref<80xi32, #tpu.memory_space<vmem>>)
    %dma_start3A_55 = arith.constant 0 : i32
    %dma_start3A_56 = arith.constant 0 : i32
    %dma_start3A_57 = tpu.memref_slice %arg2[%dma_start3A_55, %dma_start3A_56] : memref<10000x128xf32, #tpu.memory_space<hbm>> -> memref<10000x128xf32, #tpu.memory_space<hbm>>
    tpu.enqueue_indirect_dma source(%dma_start3A_57 : memref<10000x128xf32, #tpu.memory_space<hbm>>) target(%arg13 : memref<80x128xf32, #tpu.memory_space<vmem>>) offsets(%arg7 : memref<80xi32, #tpu.memory_space<vmem>>) semaphore(%arg23 : memref<!tpu.dma_semaphore, #tpu.memory_space<semaphore_mem>>)
    %barrier3A = arith.constant 0 : index
    tpu.barrier barrier_id(%barrier3A)
    %scan3A_58 = arith.constant 0 : i32
    %scan3A_59 = arith.constant 0 : i32
    %scan3A_60 = arith.constant 41 : i32
    %scan3A_61 = arith.addi %scan3A_59, %scan3A_60 : i32
    %scan3A_62 = arith.constant 1 : i32
    scf.for %scan3A_150 = %scan3A_59 to %scan3A_61 step %scan3A_62  : i32 {
      %mul3A_151 = arith.constant 3 : i32
      %mul3A_152 = arith.muli %mul3A_151, %scan3A_150 : i32
      %add3A_153 = arith.constant 0 : i32
      %add3A_154 = arith.addi %mul3A_152, %add3A_153 : i32
      %dma_wait3A_155 = arith.constant 0 : i32
      %dma_wait3A_156 = arith.constant 0 : i32
      %dma_wait3A_157 = tpu.memref_slice %arg2[%dma_wait3A_155, %dma_wait3A_156] : memref<10000x128xf32, #tpu.memory_space<hbm>> -> memref<10000x128xf32, #tpu.memory_space<hbm>>
      tpu.wait_indirect_dma semaphore(%arg22 : memref<!tpu.dma_semaphore, #tpu.memory_space<semaphore_mem>>) src(%dma_wait3A_157 : memref<10000x128xf32, #tpu.memory_space<hbm>>) dst(%arg12 : memref<80x128xf32, #tpu.memory_space<vmem>>)
      %add3A_158 = arith.constant 3 : i32
      %add3A_159 = arith.addi %add3A_154, %add3A_158 : i32
      %lt3A = arith.constant 125 : i32
      %lt3A_160 = arith.cmpi slt, %add3A_159, %lt3A : i32
      %convert_element_type3A = arith.extui %lt3A_160 : i1 to i32
      %cond3A = arith.constant 0 : i32
      %cond3A_161 = arith.cmpi ne, %convert_element_type3A, %cond3A : i32
      scf.if %cond3A_161 {
        %add3A_235 = arith.constant 3 : i32
        %add3A_236 = arith.addi %add3A_154, %add3A_235 : i32
        %mul3A_237 = arith.constant 80 : i32
        %mul3A_238 = arith.muli %add3A_236, %mul3A_237 : i32
        %add3A_239 = arith.addi %mul3A_4, %mul3A_238 : i32
        %dma_start3A_240 = tpu.memref_slice %arg3[%add3A_239] : memref<320000xi32, #tpu.memory_space<hbm>> -> memref<80xi32, #tpu.memory_space<hbm>>
        %dma_start3A_241 = tpu.memref_slice %arg3[%add3A_239] : memref<320000xi32, #tpu.memory_space<hbm>> -> memref<80xi32, #tpu.memory_space<hbm>>
        tpu.enqueue_dma source(%dma_start3A_241 : memref<80xi32, #tpu.memory_space<hbm>>) target(%arg6 : memref<80xi32, #tpu.memory_space<vmem>>) target_semaphore(%arg16 : memref<!tpu.dma_semaphore, #tpu.memory_space<semaphore_mem>>)
      } else {
      }
      %mul3A_162 = arith.constant 80 : i32
      %mul3A_163 = arith.muli %add3A_154, %mul3A_162 : i32
      %add3A_164 = arith.addi %mul3A_4, %mul3A_163 : i32
      %dma_wait3A_165 = tpu.memref_slice %arg4[%add3A_164] : memref<320000xi32, #tpu.memory_space<hbm>> -> memref<80xi32, #tpu.memory_space<hbm>>
      %dma_wait3A_166 = tpu.memref_slice %arg4[%add3A_164] : memref<320000xi32, #tpu.memory_space<hbm>> -> memref<80xi32, #tpu.memory_space<hbm>>
      tpu.wait_dma2 semaphore(%arg19 : memref<!tpu.dma_semaphore, #tpu.memory_space<semaphore_mem>>) src(%dma_wait3A_166 : memref<80xi32, #tpu.memory_space<hbm>>) dst(%arg9 : memref<80xi32, #tpu.memory_space<vmem>>)
      %dma_start3A_167 = arith.constant 0 : i32
      %dma_start3A_168 = arith.constant 0 : i32
      %dma_start3A_169 = tpu.memref_slice %arg15[%dma_start3A_167, %dma_start3A_168] : memref<10240x128xf32, #tpu.memory_space<vmem_shared>> -> memref<10240x128xf32, #tpu.memory_space<vmem_shared>>
      tpu.enqueue_indirect_dma source(%arg12 : memref<80x128xf32, #tpu.memory_space<vmem>>) target(%dma_start3A_169 : memref<10240x128xf32, #tpu.memory_space<vmem_shared>>) offsets(%arg9 : memref<80xi32, #tpu.memory_space<vmem>>) semaphore(%arg25 : memref<!tpu.dma_semaphore, #tpu.memory_space<semaphore_mem>>) {add = true}
      %add3A_170 = arith.constant 2 : i32
      %add3A_171 = arith.addi %add3A_154, %add3A_170 : i32
      %lt3A_172 = arith.constant 125 : i32
      %lt3A_173 = arith.cmpi slt, %add3A_171, %lt3A_172 : i32
      %convert_element_type3A_174 = arith.extui %lt3A_173 : i1 to i32
      %cond3A_175 = arith.constant 0 : i32
      %cond3A_176 = arith.cmpi ne, %convert_element_type3A_174, %cond3A_175 : i32
      scf.if %cond3A_176 {
        %ge3A = arith.constant 1 : i32
        %ge3A_235 = arith.cmpi sge, %add3A_154, %ge3A : i32
        %convert_element_type3A_236 = arith.extui %ge3A_235 : i1 to i32
        %cond3A_237 = arith.constant 0 : i32
        %cond3A_238 = arith.cmpi ne, %convert_element_type3A_236, %cond3A_237 : i32
        scf.if %cond3A_238 {
          %dma_wait3A_256 = arith.constant 0 : i32
          %dma_wait3A_257 = arith.constant 0 : i32
          %dma_wait3A_258 = tpu.memref_slice %arg15[%dma_wait3A_256, %dma_wait3A_257] : memref<10240x128xf32, #tpu.memory_space<vmem_shared>> -> memref<10240x128xf32, #tpu.memory_space<vmem_shared>>
          tpu.wait_indirect_dma semaphore(%arg27 : memref<!tpu.dma_semaphore, #tpu.memory_space<semaphore_mem>>) src(%arg14 : memref<80x128xf32, #tpu.memory_space<vmem>>) dst(%dma_wait3A_258 : memref<10240x128xf32, #tpu.memory_space<vmem_shared>>)
        } else {
        }
        %add3A_239 = arith.constant 2 : i32
        %add3A_240 = arith.addi %add3A_154, %add3A_239 : i32
        %mul3A_241 = arith.constant 80 : i32
        %mul3A_242 = arith.muli %add3A_240, %mul3A_241 : i32
        %add3A_243 = arith.addi %mul3A_4, %mul3A_242 : i32
        %dma_wait3A_244 = tpu.memref_slice %arg3[%add3A_243] : memref<320000xi32, #tpu.memory_space<hbm>> -> memref<80xi32, #tpu.memory_space<hbm>>
        %dma_wait3A_245 = tpu.memref_slice %arg3[%add3A_243] : memref<320000xi32, #tpu.memory_space<hbm>> -> memref<80xi32, #tpu.memory_space<hbm>>
        tpu.wait_dma2 semaphore(%arg18 : memref<!tpu.dma_semaphore, #tpu.memory_space<semaphore_mem>>) src(%dma_wait3A_245 : memref<80xi32, #tpu.memory_space<hbm>>) dst(%arg8 : memref<80xi32, #tpu.memory_space<vmem>>)
        %dma_start3A_246 = arith.constant 0 : i32
        %dma_start3A_247 = arith.constant 0 : i32
        %dma_start3A_248 = tpu.memref_slice %arg2[%dma_start3A_246, %dma_start3A_247] : memref<10000x128xf32, #tpu.memory_space<hbm>> -> memref<10000x128xf32, #tpu.memory_space<hbm>>
        tpu.enqueue_indirect_dma source(%dma_start3A_248 : memref<10000x128xf32, #tpu.memory_space<hbm>>) target(%arg14 : memref<80x128xf32, #tpu.memory_space<vmem>>) offsets(%arg8 : memref<80xi32, #tpu.memory_space<vmem>>) semaphore(%arg24 : memref<!tpu.dma_semaphore, #tpu.memory_space<semaphore_mem>>)
        %add3A_249 = arith.constant 2 : i32
        %add3A_250 = arith.addi %add3A_154, %add3A_249 : i32
        %mul3A_251 = arith.constant 80 : i32
        %mul3A_252 = arith.muli %add3A_250, %mul3A_251 : i32
        %add3A_253 = arith.addi %mul3A_4, %mul3A_252 : i32
        %dma_start3A_254 = tpu.memref_slice %arg4[%add3A_253] : memref<320000xi32, #tpu.memory_space<hbm>> -> memref<80xi32, #tpu.memory_space<hbm>>
        %dma_start3A_255 = tpu.memref_slice %arg4[%add3A_253] : memref<320000xi32, #tpu.memory_space<hbm>> -> memref<80xi32, #tpu.memory_space<hbm>>
        tpu.enqueue_dma source(%dma_start3A_255 : memref<80xi32, #tpu.memory_space<hbm>>) target(%arg11 : memref<80xi32, #tpu.memory_space<vmem>>) target_semaphore(%arg21 : memref<!tpu.dma_semaphore, #tpu.memory_space<semaphore_mem>>)
      } else {
      }
      %mul3A_177 = arith.constant 3 : i32
      %mul3A_178 = arith.muli %mul3A_177, %scan3A_150 : i32
      %add3A_179 = arith.constant 1 : i32
      %add3A_180 = arith.addi %mul3A_178, %add3A_179 : i32
      %dma_wait3A_181 = arith.constant 0 : i32
      %dma_wait3A_182 = arith.constant 0 : i32
      %dma_wait3A_183 = tpu.memref_slice %arg2[%dma_wait3A_181, %dma_wait3A_182] : memref<10000x128xf32, #tpu.memory_space<hbm>> -> memref<10000x128xf32, #tpu.memory_space<hbm>>
      tpu.wait_indirect_dma semaphore(%arg23 : memref<!tpu.dma_semaphore, #tpu.memory_space<semaphore_mem>>) src(%dma_wait3A_183 : memref<10000x128xf32, #tpu.memory_space<hbm>>) dst(%arg13 : memref<80x128xf32, #tpu.memory_space<vmem>>)
      %add3A_184 = arith.constant 3 : i32
      %add3A_185 = arith.addi %add3A_180, %add3A_184 : i32
      %lt3A_186 = arith.constant 125 : i32
      %lt3A_187 = arith.cmpi slt, %add3A_185, %lt3A_186 : i32
      %convert_element_type3A_188 = arith.extui %lt3A_187 : i1 to i32
      %cond3A_189 = arith.constant 0 : i32
      %cond3A_190 = arith.cmpi ne, %convert_element_type3A_188, %cond3A_189 : i32
      scf.if %cond3A_190 {
        %add3A_235 = arith.constant 3 : i32
        %add3A_236 = arith.addi %add3A_180, %add3A_235 : i32
        %mul3A_237 = arith.constant 80 : i32
        %mul3A_238 = arith.muli %add3A_236, %mul3A_237 : i32
        %add3A_239 = arith.addi %mul3A_4, %mul3A_238 : i32
        %dma_start3A_240 = tpu.memref_slice %arg3[%add3A_239] : memref<320000xi32, #tpu.memory_space<hbm>> -> memref<80xi32, #tpu.memory_space<hbm>>
        %dma_start3A_241 = tpu.memref_slice %arg3[%add3A_239] : memref<320000xi32, #tpu.memory_space<hbm>> -> memref<80xi32, #tpu.memory_space<hbm>>
        tpu.enqueue_dma source(%dma_start3A_241 : memref<80xi32, #tpu.memory_space<hbm>>) target(%arg7 : memref<80xi32, #tpu.memory_space<vmem>>) target_semaphore(%arg17 : memref<!tpu.dma_semaphore, #tpu.memory_space<semaphore_mem>>)
      } else {
      }
      %mul3A_191 = arith.constant 80 : i32
      %mul3A_192 = arith.muli %add3A_180, %mul3A_191 : i32
      %add3A_193 = arith.addi %mul3A_4, %mul3A_192 : i32
      %dma_wait3A_194 = tpu.memref_slice %arg4[%add3A_193] : memref<320000xi32, #tpu.memory_space<hbm>> -> memref<80xi32, #tpu.memory_space<hbm>>
      %dma_wait3A_195 = tpu.memref_slice %arg4[%add3A_193] : memref<320000xi32, #tpu.memory_space<hbm>> -> memref<80xi32, #tpu.memory_space<hbm>>
      tpu.wait_dma2 semaphore(%arg20 : memref<!tpu.dma_semaphore, #tpu.memory_space<semaphore_mem>>) src(%dma_wait3A_195 : memref<80xi32, #tpu.memory_space<hbm>>) dst(%arg10 : memref<80xi32, #tpu.memory_space<vmem>>)
      %dma_start3A_196 = arith.constant 0 : i32
      %dma_start3A_197 = arith.constant 0 : i32
      %dma_start3A_198 = tpu.memref_slice %arg15[%dma_start3A_196, %dma_start3A_197] : memref<10240x128xf32, #tpu.memory_space<vmem_shared>> -> memref<10240x128xf32, #tpu.memory_space<vmem_shared>>
      tpu.enqueue_indirect_dma source(%arg13 : memref<80x128xf32, #tpu.memory_space<vmem>>) target(%dma_start3A_198 : memref<10240x128xf32, #tpu.memory_space<vmem_shared>>) offsets(%arg10 : memref<80xi32, #tpu.memory_space<vmem>>) semaphore(%arg26 : memref<!tpu.dma_semaphore, #tpu.memory_space<semaphore_mem>>) {add = true}
      %add3A_199 = arith.constant 2 : i32
      %add3A_200 = arith.addi %add3A_180, %add3A_199 : i32
      %lt3A_201 = arith.constant 125 : i32
      %lt3A_202 = arith.cmpi slt, %add3A_200, %lt3A_201 : i32
      %convert_element_type3A_203 = arith.extui %lt3A_202 : i1 to i32
      %cond3A_204 = arith.constant 0 : i32
      %cond3A_205 = arith.cmpi ne, %convert_element_type3A_203, %cond3A_204 : i32
      scf.if %cond3A_205 {
        %ge3A = arith.constant 1 : i32
        %ge3A_235 = arith.cmpi sge, %add3A_180, %ge3A : i32
        %convert_element_type3A_236 = arith.extui %ge3A_235 : i1 to i32
        %cond3A_237 = arith.constant 0 : i32
        %cond3A_238 = arith.cmpi ne, %convert_element_type3A_236, %cond3A_237 : i32
        scf.if %cond3A_238 {
          %dma_wait3A_256 = arith.constant 0 : i32
          %dma_wait3A_257 = arith.constant 0 : i32
          %dma_wait3A_258 = tpu.memref_slice %arg15[%dma_wait3A_256, %dma_wait3A_257] : memref<10240x128xf32, #tpu.memory_space<vmem_shared>> -> memref<10240x128xf32, #tpu.memory_space<vmem_shared>>
          tpu.wait_indirect_dma semaphore(%arg25 : memref<!tpu.dma_semaphore, #tpu.memory_space<semaphore_mem>>) src(%arg12 : memref<80x128xf32, #tpu.memory_space<vmem>>) dst(%dma_wait3A_258 : memref<10240x128xf32, #tpu.memory_space<vmem_shared>>)
        } else {
        }
        %add3A_239 = arith.constant 2 : i32
        %add3A_240 = arith.addi %add3A_180, %add3A_239 : i32
        %mul3A_241 = arith.constant 80 : i32
        %mul3A_242 = arith.muli %add3A_240, %mul3A_241 : i32
        %add3A_243 = arith.addi %mul3A_4, %mul3A_242 : i32
        %dma_wait3A_244 = tpu.memref_slice %arg3[%add3A_243] : memref<320000xi32, #tpu.memory_space<hbm>> -> memref<80xi32, #tpu.memory_space<hbm>>
        %dma_wait3A_245 = tpu.memref_slice %arg3[%add3A_243] : memref<320000xi32, #tpu.memory_space<hbm>> -> memref<80xi32, #tpu.memory_space<hbm>>
        tpu.wait_dma2 semaphore(%arg16 : memref<!tpu.dma_semaphore, #tpu.memory_space<semaphore_mem>>) src(%dma_wait3A_245 : memref<80xi32, #tpu.memory_space<hbm>>) dst(%arg6 : memref<80xi32, #tpu.memory_space<vmem>>)
        %dma_start3A_246 = arith.constant 0 : i32
        %dma_start3A_247 = arith.constant 0 : i32
        %dma_start3A_248 = tpu.memref_slice %arg2[%dma_start3A_246, %dma_start3A_247] : memref<10000x128xf32, #tpu.memory_space<hbm>> -> memref<10000x128xf32, #tpu.memory_space<hbm>>
        tpu.enqueue_indirect_dma source(%dma_start3A_248 : memref<10000x128xf32, #tpu.memory_space<hbm>>) target(%arg12 : memref<80x128xf32, #tpu.memory_space<vmem>>) offsets(%arg6 : memref<80xi32, #tpu.memory_space<vmem>>) semaphore(%arg22 : memref<!tpu.dma_semaphore, #tpu.memory_space<semaphore_mem>>)
        %add3A_249 = arith.constant 2 : i32
        %add3A_250 = arith.addi %add3A_180, %add3A_249 : i32
        %mul3A_251 = arith.constant 80 : i32
        %mul3A_252 = arith.muli %add3A_250, %mul3A_251 : i32
        %add3A_253 = arith.addi %mul3A_4, %mul3A_252 : i32
        %dma_start3A_254 = tpu.memref_slice %arg4[%add3A_253] : memref<320000xi32, #tpu.memory_space<hbm>> -> memref<80xi32, #tpu.memory_space<hbm>>
        %dma_start3A_255 = tpu.memref_slice %arg4[%add3A_253] : memref<320000xi32, #tpu.memory_space<hbm>> -> memref<80xi32, #tpu.memory_space<hbm>>
        tpu.enqueue_dma source(%dma_start3A_255 : memref<80xi32, #tpu.memory_space<hbm>>) target(%arg9 : memref<80xi32, #tpu.memory_space<vmem>>) target_semaphore(%arg19 : memref<!tpu.dma_semaphore, #tpu.memory_space<semaphore_mem>>)
      } else {
      }
      %mul3A_206 = arith.constant 3 : i32
      %mul3A_207 = arith.muli %mul3A_206, %scan3A_150 : i32
      %add3A_208 = arith.constant 2 : i32
      %add3A_209 = arith.addi %mul3A_207, %add3A_208 : i32
      %dma_wait3A_210 = arith.constant 0 : i32
      %dma_wait3A_211 = arith.constant 0 : i32
      %dma_wait3A_212 = tpu.memref_slice %arg2[%dma_wait3A_210, %dma_wait3A_211] : memref<10000x128xf32, #tpu.memory_space<hbm>> -> memref<10000x128xf32, #tpu.memory_space<hbm>>
      tpu.wait_indirect_dma semaphore(%arg24 : memref<!tpu.dma_semaphore, #tpu.memory_space<semaphore_mem>>) src(%dma_wait3A_212 : memref<10000x128xf32, #tpu.memory_space<hbm>>) dst(%arg14 : memref<80x128xf32, #tpu.memory_space<vmem>>)
      %add3A_213 = arith.constant 3 : i32
      %add3A_214 = arith.addi %add3A_209, %add3A_213 : i32
      %lt3A_215 = arith.constant 125 : i32
      %lt3A_216 = arith.cmpi slt, %add3A_214, %lt3A_215 : i32
      %convert_element_type3A_217 = arith.extui %lt3A_216 : i1 to i32
      %cond3A_218 = arith.constant 0 : i32
      %cond3A_219 = arith.cmpi ne, %convert_element_type3A_217, %cond3A_218 : i32
      scf.if %cond3A_219 {
        %add3A_235 = arith.constant 3 : i32
        %add3A_236 = arith.addi %add3A_209, %add3A_235 : i32
        %mul3A_237 = arith.constant 80 : i32
        %mul3A_238 = arith.muli %add3A_236, %mul3A_237 : i32
        %add3A_239 = arith.addi %mul3A_4, %mul3A_238 : i32
        %dma_start3A_240 = tpu.memref_slice %arg3[%add3A_239] : memref<320000xi32, #tpu.memory_space<hbm>> -> memref<80xi32, #tpu.memory_space<hbm>>
        %dma_start3A_241 = tpu.memref_slice %arg3[%add3A_239] : memref<320000xi32, #tpu.memory_space<hbm>> -> memref<80xi32, #tpu.memory_space<hbm>>
        tpu.enqueue_dma source(%dma_start3A_241 : memref<80xi32, #tpu.memory_space<hbm>>) target(%arg8 : memref<80xi32, #tpu.memory_space<vmem>>) target_semaphore(%arg18 : memref<!tpu.dma_semaphore, #tpu.memory_space<semaphore_mem>>)
      } else {
      }
      %mul3A_220 = arith.constant 80 : i32
      %mul3A_221 = arith.muli %add3A_209, %mul3A_220 : i32
      %add3A_222 = arith.addi %mul3A_4, %mul3A_221 : i32
      %dma_wait3A_223 = tpu.memref_slice %arg4[%add3A_222] : memref<320000xi32, #tpu.memory_space<hbm>> -> memref<80xi32, #tpu.memory_space<hbm>>
      %dma_wait3A_224 = tpu.memref_slice %arg4[%add3A_222] : memref<320000xi32, #tpu.memory_space<hbm>> -> memref<80xi32, #tpu.memory_space<hbm>>
      tpu.wait_dma2 semaphore(%arg21 : memref<!tpu.dma_semaphore, #tpu.memory_space<semaphore_mem>>) src(%dma_wait3A_224 : memref<80xi32, #tpu.memory_space<hbm>>) dst(%arg11 : memref<80xi32, #tpu.memory_space<vmem>>)
      %dma_start3A_225 = arith.constant 0 : i32
      %dma_start3A_226 = arith.constant 0 : i32
      %dma_start3A_227 = tpu.memref_slice %arg15[%dma_start3A_225, %dma_start3A_226] : memref<10240x128xf32, #tpu.memory_space<vmem_shared>> -> memref<10240x128xf32, #tpu.memory_space<vmem_shared>>
      tpu.enqueue_indirect_dma source(%arg14 : memref<80x128xf32, #tpu.memory_space<vmem>>) target(%dma_start3A_227 : memref<10240x128xf32, #tpu.memory_space<vmem_shared>>) offsets(%arg11 : memref<80xi32, #tpu.memory_space<vmem>>) semaphore(%arg27 : memref<!tpu.dma_semaphore, #tpu.memory_space<semaphore_mem>>) {add = true}
      %add3A_228 = arith.constant 2 : i32
      %add3A_229 = arith.addi %add3A_209, %add3A_228 : i32
      %lt3A_230 = arith.constant 125 : i32
      %lt3A_231 = arith.cmpi slt, %add3A_229, %lt3A_230 : i32
      %convert_element_type3A_232 = arith.extui %lt3A_231 : i1 to i32
      %cond3A_233 = arith.constant 0 : i32
      %cond3A_234 = arith.cmpi ne, %convert_element_type3A_232, %cond3A_233 : i32
      scf.if %cond3A_234 {
        %ge3A = arith.constant 1 : i32
        %ge3A_235 = arith.cmpi sge, %add3A_209, %ge3A : i32
        %convert_element_type3A_236 = arith.extui %ge3A_235 : i1 to i32
        %cond3A_237 = arith.constant 0 : i32
        %cond3A_238 = arith.cmpi ne, %convert_element_type3A_236, %cond3A_237 : i32
        scf.if %cond3A_238 {
          %dma_wait3A_256 = arith.constant 0 : i32
          %dma_wait3A_257 = arith.constant 0 : i32
          %dma_wait3A_258 = tpu.memref_slice %arg15[%dma_wait3A_256, %dma_wait3A_257] : memref<10240x128xf32, #tpu.memory_space<vmem_shared>> -> memref<10240x128xf32, #tpu.memory_space<vmem_shared>>
          tpu.wait_indirect_dma semaphore(%arg26 : memref<!tpu.dma_semaphore, #tpu.memory_space<semaphore_mem>>) src(%arg13 : memref<80x128xf32, #tpu.memory_space<vmem>>) dst(%dma_wait3A_258 : memref<10240x128xf32, #tpu.memory_space<vmem_shared>>)
        } else {
        }
        %add3A_239 = arith.constant 2 : i32
        %add3A_240 = arith.addi %add3A_209, %add3A_239 : i32
        %mul3A_241 = arith.constant 80 : i32
        %mul3A_242 = arith.muli %add3A_240, %mul3A_241 : i32
        %add3A_243 = arith.addi %mul3A_4, %mul3A_242 : i32
        %dma_wait3A_244 = tpu.memref_slice %arg3[%add3A_243] : memref<320000xi32, #tpu.memory_space<hbm>> -> memref<80xi32, #tpu.memory_space<hbm>>
        %dma_wait3A_245 = tpu.memref_slice %arg3[%add3A_243] : memref<320000xi32, #tpu.memory_space<hbm>> -> memref<80xi32, #tpu.memory_space<hbm>>
        tpu.wait_dma2 semaphore(%arg17 : memref<!tpu.dma_semaphore, #tpu.memory_space<semaphore_mem>>) src(%dma_wait3A_245 : memref<80xi32, #tpu.memory_space<hbm>>) dst(%arg7 : memref<80xi32, #tpu.memory_space<vmem>>)
        %dma_start3A_246 = arith.constant 0 : i32
        %dma_start3A_247 = arith.constant 0 : i32
        %dma_start3A_248 = tpu.memref_slice %arg2[%dma_start3A_246, %dma_start3A_247] : memref<10000x128xf32, #tpu.memory_space<hbm>> -> memref<10000x128xf32, #tpu.memory_space<hbm>>
        tpu.enqueue_indirect_dma source(%dma_start3A_248 : memref<10000x128xf32, #tpu.memory_space<hbm>>) target(%arg13 : memref<80x128xf32, #tpu.memory_space<vmem>>) offsets(%arg7 : memref<80xi32, #tpu.memory_space<vmem>>) semaphore(%arg23 : memref<!tpu.dma_semaphore, #tpu.memory_space<semaphore_mem>>)
        %add3A_249 = arith.constant 2 : i32
        %add3A_250 = arith.addi %add3A_209, %add3A_249 : i32
        %mul3A_251 = arith.constant 80 : i32
        %mul3A_252 = arith.muli %add3A_250, %mul3A_251 : i32
        %add3A_253 = arith.addi %mul3A_4, %mul3A_252 : i32
        %dma_start3A_254 = tpu.memref_slice %arg4[%add3A_253] : memref<320000xi32, #tpu.memory_space<hbm>> -> memref<80xi32, #tpu.memory_space<hbm>>
        %dma_start3A_255 = tpu.memref_slice %arg4[%add3A_253] : memref<320000xi32, #tpu.memory_space<hbm>> -> memref<80xi32, #tpu.memory_space<hbm>>
        tpu.enqueue_dma source(%dma_start3A_255 : memref<80xi32, #tpu.memory_space<hbm>>) target(%arg10 : memref<80xi32, #tpu.memory_space<vmem>>) target_semaphore(%arg20 : memref<!tpu.dma_semaphore, #tpu.memory_space<semaphore_mem>>)
      } else {
      }
    }
    %scan3A_63 = arith.constant 41 : i32
    %dma_wait3A_64 = arith.constant 0 : i32
    %dma_wait3A_65 = arith.constant 0 : i32
    %dma_wait3A_66 = tpu.memref_slice %arg2[%dma_wait3A_64, %dma_wait3A_65] : memref<10000x128xf32, #tpu.memory_space<hbm>> -> memref<10000x128xf32, #tpu.memory_space<hbm>>
    tpu.wait_indirect_dma semaphore(%arg22 : memref<!tpu.dma_semaphore, #tpu.memory_space<semaphore_mem>>) src(%dma_wait3A_66 : memref<10000x128xf32, #tpu.memory_space<hbm>>) dst(%arg12 : memref<80x128xf32, #tpu.memory_space<vmem>>)
    %add3A_67 = arith.constant 9840 : i32
    %add3A_68 = arith.addi %mul3A_4, %add3A_67 : i32
    %dma_wait3A_69 = tpu.memref_slice %arg4[%add3A_68] : memref<320000xi32, #tpu.memory_space<hbm>> -> memref<80xi32, #tpu.memory_space<hbm>>
    %dma_wait3A_70 = tpu.memref_slice %arg4[%add3A_68] : memref<320000xi32, #tpu.memory_space<hbm>> -> memref<80xi32, #tpu.memory_space<hbm>>
    tpu.wait_dma2 semaphore(%arg19 : memref<!tpu.dma_semaphore, #tpu.memory_space<semaphore_mem>>) src(%dma_wait3A_70 : memref<80xi32, #tpu.memory_space<hbm>>) dst(%arg9 : memref<80xi32, #tpu.memory_space<vmem>>)
    %dma_start3A_71 = arith.constant 0 : i32
    %dma_start3A_72 = arith.constant 0 : i32
    %dma_start3A_73 = tpu.memref_slice %arg15[%dma_start3A_71, %dma_start3A_72] : memref<10240x128xf32, #tpu.memory_space<vmem_shared>> -> memref<10240x128xf32, #tpu.memory_space<vmem_shared>>
    tpu.enqueue_indirect_dma source(%arg12 : memref<80x128xf32, #tpu.memory_space<vmem>>) target(%dma_start3A_73 : memref<10240x128xf32, #tpu.memory_space<vmem_shared>>) offsets(%arg9 : memref<80xi32, #tpu.memory_space<vmem>>) semaphore(%arg25 : memref<!tpu.dma_semaphore, #tpu.memory_space<semaphore_mem>>) {add = true}
    %dma_wait3A_74 = arith.constant 0 : i32
    %dma_wait3A_75 = arith.constant 0 : i32
    %dma_wait3A_76 = tpu.memref_slice %arg2[%dma_wait3A_74, %dma_wait3A_75] : memref<10000x128xf32, #tpu.memory_space<hbm>> -> memref<10000x128xf32, #tpu.memory_space<hbm>>
    tpu.wait_indirect_dma semaphore(%arg23 : memref<!tpu.dma_semaphore, #tpu.memory_space<semaphore_mem>>) src(%dma_wait3A_76 : memref<10000x128xf32, #tpu.memory_space<hbm>>) dst(%arg13 : memref<80x128xf32, #tpu.memory_space<vmem>>)
    %add3A_77 = arith.constant 9920 : i32
    %add3A_78 = arith.addi %mul3A_4, %add3A_77 : i32
    %dma_wait3A_79 = tpu.memref_slice %arg4[%add3A_78] : memref<320000xi32, #tpu.memory_space<hbm>> -> memref<80xi32, #tpu.memory_space<hbm>>
    %dma_wait3A_80 = tpu.memref_slice %arg4[%add3A_78] : memref<320000xi32, #tpu.memory_space<hbm>> -> memref<80xi32, #tpu.memory_space<hbm>>
    tpu.wait_dma2 semaphore(%arg20 : memref<!tpu.dma_semaphore, #tpu.memory_space<semaphore_mem>>) src(%dma_wait3A_80 : memref<80xi32, #tpu.memory_space<hbm>>) dst(%arg10 : memref<80xi32, #tpu.memory_space<vmem>>)
    %dma_start3A_81 = arith.constant 0 : i32
    %dma_start3A_82 = arith.constant 0 : i32
    %dma_start3A_83 = tpu.memref_slice %arg15[%dma_start3A_81, %dma_start3A_82] : memref<10240x128xf32, #tpu.memory_space<vmem_shared>> -> memref<10240x128xf32, #tpu.memory_space<vmem_shared>>
    tpu.enqueue_indirect_dma source(%arg13 : memref<80x128xf32, #tpu.memory_space<vmem>>) target(%dma_start3A_83 : memref<10240x128xf32, #tpu.memory_space<vmem_shared>>) offsets(%arg10 : memref<80xi32, #tpu.memory_space<vmem>>) semaphore(%arg26 : memref<!tpu.dma_semaphore, #tpu.memory_space<semaphore_mem>>) {add = true}
    %dma_wait3A_84 = arith.constant 0 : i32
    %dma_wait3A_85 = arith.constant 0 : i32
    %dma_wait3A_86 = tpu.memref_slice %arg15[%dma_wait3A_84, %dma_wait3A_85] : memref<10240x128xf32, #tpu.memory_space<vmem_shared>> -> memref<10240x128xf32, #tpu.memory_space<vmem_shared>>
    tpu.wait_indirect_dma semaphore(%arg27 : memref<!tpu.dma_semaphore, #tpu.memory_space<semaphore_mem>>) src(%arg14 : memref<80x128xf32, #tpu.memory_space<vmem>>) dst(%dma_wait3A_86 : memref<10240x128xf32, #tpu.memory_space<vmem_shared>>)
    %dma_wait3A_87 = arith.constant 0 : i32
    %dma_wait3A_88 = arith.constant 0 : i32
    %dma_wait3A_89 = tpu.memref_slice %arg15[%dma_wait3A_87, %dma_wait3A_88] : memref<10240x128xf32, #tpu.memory_space<vmem_shared>> -> memref<10240x128xf32, #tpu.memory_space<vmem_shared>>
    tpu.wait_indirect_dma semaphore(%arg25 : memref<!tpu.dma_semaphore, #tpu.memory_space<semaphore_mem>>) src(%arg12 : memref<80x128xf32, #tpu.memory_space<vmem>>) dst(%dma_wait3A_89 : memref<10240x128xf32, #tpu.memory_space<vmem_shared>>)
    %dma_wait3A_90 = arith.constant 0 : i32
    %dma_wait3A_91 = arith.constant 0 : i32
    %dma_wait3A_92 = tpu.memref_slice %arg15[%dma_wait3A_90, %dma_wait3A_91] : memref<10240x128xf32, #tpu.memory_space<vmem_shared>> -> memref<10240x128xf32, #tpu.memory_space<vmem_shared>>
    tpu.wait_indirect_dma semaphore(%arg26 : memref<!tpu.dma_semaphore, #tpu.memory_space<semaphore_mem>>) src(%arg13 : memref<80x128xf32, #tpu.memory_space<vmem>>) dst(%dma_wait3A_92 : memref<10240x128xf32, #tpu.memory_space<vmem_shared>>)
    %barrier3A_93 = arith.constant 0 : index
    tpu.barrier barrier_id(%barrier3A_93)
    %add3A_94 = arith.constant 0 : i32
    %add3A_95 = arith.addi %mul3A_2, %add3A_94 : i32
    "tpu.region"() ({
      %run_scoped3A = tpu.sem_alloc : memref<!tpu.dma_semaphore, #tpu.memory_space<semaphore_mem>>
      %dma_start3A_150 = arith.constant 0 : i32
      %dma_start3A_151 = tpu.memref_slice %arg15[%add3A_95, %dma_start3A_150] : memref<10240x128xf32, #tpu.memory_space<vmem_shared>> -> memref<80x128xf32, #tpu.memory_space<vmem_shared>>
      %dma_start3A_152 = arith.constant 0 : i32
      %dma_start3A_153 = tpu.memref_slice %arg15[%add3A_95, %dma_start3A_152] : memref<10240x128xf32, #tpu.memory_space<vmem_shared>> -> memref<80x128xf32, #tpu.memory_space<vmem_shared>>
      tpu.enqueue_dma source(%dma_start3A_153 : memref<80x128xf32, #tpu.memory_space<vmem_shared>>) target(%arg12 : memref<80x128xf32, #tpu.memory_space<vmem>>) target_semaphore(%run_scoped3A : memref<!tpu.dma_semaphore, #tpu.memory_space<semaphore_mem>>)
      %dma_wait3A_154 = arith.constant 0 : i32
      %dma_wait3A_155 = tpu.memref_slice %arg15[%add3A_95, %dma_wait3A_154] : memref<10240x128xf32, #tpu.memory_space<vmem_shared>> -> memref<80x128xf32, #tpu.memory_space<vmem_shared>>
      %dma_wait3A_156 = arith.constant 0 : i32
      %dma_wait3A_157 = tpu.memref_slice %arg15[%add3A_95, %dma_wait3A_156] : memref<10240x128xf32, #tpu.memory_space<vmem_shared>> -> memref<80x128xf32, #tpu.memory_space<vmem_shared>>
      tpu.wait_dma2 semaphore(%run_scoped3A : memref<!tpu.dma_semaphore, #tpu.memory_space<semaphore_mem>>) src(%dma_wait3A_157 : memref<80x128xf32, #tpu.memory_space<vmem_shared>>) dst(%arg12 : memref<80x128xf32, #tpu.memory_space<vmem>>)
      tpu.yield
    }) : () -> ()
    %mul3A_96 = arith.constant 10240 : i32
    %mul3A_97 = arith.muli %arg0, %mul3A_96 : i32
    %add3A_98 = arith.addi %mul3A_97, %mul3A_2 : i32
    %add3A_99 = arith.constant 0 : i32
    %add3A_100 = arith.addi %add3A_98, %add3A_99 : i32
    "tpu.region"() ({
      %run_scoped3A = tpu.sem_alloc : memref<!tpu.dma_semaphore, #tpu.memory_space<semaphore_mem>>
      %dma_start3A_150 = arith.constant 0 : i32
      %dma_start3A_151 = tpu.memref_slice %arg5[%add3A_100, %dma_start3A_150] : memref<20480x128xf32, #tpu.memory_space<hbm>> -> memref<80x128xf32, #tpu.memory_space<hbm>>
      %dma_start3A_152 = arith.constant 0 : i32
      %dma_start3A_153 = tpu.memref_slice %arg5[%add3A_100, %dma_start3A_152] : memref<20480x128xf32, #tpu.memory_space<hbm>> -> memref<80x128xf32, #tpu.memory_space<hbm>>
      tpu.enqueue_dma source(%arg12 : memref<80x128xf32, #tpu.memory_space<vmem>>) target(%dma_start3A_153 : memref<80x128xf32, #tpu.memory_space<hbm>>) target_semaphore(%run_scoped3A : memref<!tpu.dma_semaphore, #tpu.memory_space<semaphore_mem>>)
      %dma_wait3A_154 = arith.constant 0 : i32
      %dma_wait3A_155 = tpu.memref_slice %arg5[%add3A_100, %dma_wait3A_154] : memref<20480x128xf32, #tpu.memory_space<hbm>> -> memref<80x128xf32, #tpu.memory_space<hbm>>
      %dma_wait3A_156 = arith.constant 0 : i32
      %dma_wait3A_157 = tpu.memref_slice %arg5[%add3A_100, %dma_wait3A_156] : memref<20480x128xf32, #tpu.memory_space<hbm>> -> memref<80x128xf32, #tpu.memory_space<hbm>>
      tpu.wait_dma2 semaphore(%run_scoped3A : memref<!tpu.dma_semaphore, #tpu.memory_space<semaphore_mem>>) src(%arg12 : memref<80x128xf32, #tpu.memory_space<vmem>>) dst(%dma_wait3A_157 : memref<80x128xf32, #tpu.memory_space<hbm>>)
      tpu.yield
    }) : () -> ()
    %add3A_101 = arith.constant 80 : i32
    %add3A_102 = arith.addi %mul3A_2, %add3A_101 : i32
    "tpu.region"() ({
      %run_scoped3A = tpu.sem_alloc : memref<!tpu.dma_semaphore, #tpu.memory_space<semaphore_mem>>
      %dma_start3A_150 = arith.constant 0 : i32
      %dma_start3A_151 = tpu.memref_slice %arg15[%add3A_102, %dma_start3A_150] : memref<10240x128xf32, #tpu.memory_space<vmem_shared>> -> memref<80x128xf32, #tpu.memory_space<vmem_shared>>
      %dma_start3A_152 = arith.constant 0 : i32
      %dma_start3A_153 = tpu.memref_slice %arg15[%add3A_102, %dma_start3A_152] : memref<10240x128xf32, #tpu.memory_space<vmem_shared>> -> memref<80x128xf32, #tpu.memory_space<vmem_shared>>
      tpu.enqueue_dma source(%dma_start3A_153 : memref<80x128xf32, #tpu.memory_space<vmem_shared>>) target(%arg12 : memref<80x128xf32, #tpu.memory_space<vmem>>) target_semaphore(%run_scoped3A : memref<!tpu.dma_semaphore, #tpu.memory_space<semaphore_mem>>)
      %dma_wait3A_154 = arith.constant 0 : i32
      %dma_wait3A_155 = tpu.memref_slice %arg15[%add3A_102, %dma_wait3A_154] : memref<10240x128xf32, #tpu.memory_space<vmem_shared>> -> memref<80x128xf32, #tpu.memory_space<vmem_shared>>
      %dma_wait3A_156 = arith.constant 0 : i32
      %dma_wait3A_157 = tpu.memref_slice %arg15[%add3A_102, %dma_wait3A_156] : memref<10240x128xf32, #tpu.memory_space<vmem_shared>> -> memref<80x128xf32, #tpu.memory_space<vmem_shared>>
      tpu.wait_dma2 semaphore(%run_scoped3A : memref<!tpu.dma_semaphore, #tpu.memory_space<semaphore_mem>>) src(%dma_wait3A_157 : memref<80x128xf32, #tpu.memory_space<vmem_shared>>) dst(%arg12 : memref<80x128xf32, #tpu.memory_space<vmem>>)
      tpu.yield
    }) : () -> ()
    %mul3A_103 = arith.constant 10240 : i32
    %mul3A_104 = arith.muli %arg0, %mul3A_103 : i32
    %add3A_105 = arith.addi %mul3A_104, %mul3A_2 : i32
    %add3A_106 = arith.constant 80 : i32
    %add3A_107 = arith.addi %add3A_105, %add3A_106 : i32
    "tpu.region"() ({
      %run_scoped3A = tpu.sem_alloc : memref<!tpu.dma_semaphore, #tpu.memory_space<semaphore_mem>>
      %dma_start3A_150 = arith.constant 0 : i32
      %dma_start3A_151 = tpu.memref_slice %arg5[%add3A_107, %dma_start3A_150] : memref<20480x128xf32, #tpu.memory_space<hbm>> -> memref<80x128xf32, #tpu.memory_space<hbm>>
      %dma_start3A_152 = arith.constant 0 : i32
      %dma_start3A_153 = tpu.memref_slice %arg5[%add3A_107, %dma_start3A_152] : memref<20480x128xf32, #tpu.memory_space<hbm>> -> memref<80x128xf32, #tpu.memory_space<hbm>>
      tpu.enqueue_dma source(%arg12 : memref<80x128xf32, #tpu.memory_space<vmem>>) target(%dma_start3A_153 : memref<80x128xf32, #tpu.memory_space<hbm>>) target_semaphore(%run_scoped3A : memref<!tpu.dma_semaphore, #tpu.memory_space<semaphore_mem>>)
      %dma_wait3A_154 = arith.constant 0 : i32
      %dma_wait3A_155 = tpu.memref_slice %arg5[%add3A_107, %dma_wait3A_154] : memref<20480x128xf32, #tpu.memory_space<hbm>> -> memref<80x128xf32, #tpu.memory_space<hbm>>
      %dma_wait3A_156 = arith.constant 0 : i32
      %dma_wait3A_157 = tpu.memref_slice %arg5[%add3A_107, %dma_wait3A_156] : memref<20480x128xf32, #tpu.memory_space<hbm>> -> memref<80x128xf32, #tpu.memory_space<hbm>>
      tpu.wait_dma2 semaphore(%run_scoped3A : memref<!tpu.dma_semaphore, #tpu.memory_space<semaphore_mem>>) src(%arg12 : memref<80x128xf32, #tpu.memory_space<vmem>>) dst(%dma_wait3A_157 : memref<80x128xf32, #tpu.memory_space<hbm>>)
      tpu.yield
    }) : () -> ()
    %add3A_108 = arith.constant 160 : i32
    %add3A_109 = arith.addi %mul3A_2, %add3A_108 : i32
    "tpu.region"() ({
      %run_scoped3A = tpu.sem_alloc : memref<!tpu.dma_semaphore, #tpu.memory_space<semaphore_mem>>
      %dma_start3A_150 = arith.constant 0 : i32
      %dma_start3A_151 = tpu.memref_slice %arg15[%add3A_109, %dma_start3A_150] : memref<10240x128xf32, #tpu.memory_space<vmem_shared>> -> memref<80x128xf32, #tpu.memory_space<vmem_shared>>
      %dma_start3A_152 = arith.constant 0 : i32
      %dma_start3A_153 = tpu.memref_slice %arg15[%add3A_109, %dma_start3A_152] : memref<10240x128xf32, #tpu.memory_space<vmem_shared>> -> memref<80x128xf32, #tpu.memory_space<vmem_shared>>
      tpu.enqueue_dma source(%dma_start3A_153 : memref<80x128xf32, #tpu.memory_space<vmem_shared>>) target(%arg12 : memref<80x128xf32, #tpu.memory_space<vmem>>) target_semaphore(%run_scoped3A : memref<!tpu.dma_semaphore, #tpu.memory_space<semaphore_mem>>)
      %dma_wait3A_154 = arith.constant 0 : i32
      %dma_wait3A_155 = tpu.memref_slice %arg15[%add3A_109, %dma_wait3A_154] : memref<10240x128xf32, #tpu.memory_space<vmem_shared>> -> memref<80x128xf32, #tpu.memory_space<vmem_shared>>
      %dma_wait3A_156 = arith.constant 0 : i32
      %dma_wait3A_157 = tpu.memref_slice %arg15[%add3A_109, %dma_wait3A_156] : memref<10240x128xf32, #tpu.memory_space<vmem_shared>> -> memref<80x128xf32, #tpu.memory_space<vmem_shared>>
      tpu.wait_dma2 semaphore(%run_scoped3A : memref<!tpu.dma_semaphore, #tpu.memory_space<semaphore_mem>>) src(%dma_wait3A_157 : memref<80x128xf32, #tpu.memory_space<vmem_shared>>) dst(%arg12 : memref<80x128xf32, #tpu.memory_space<vmem>>)
      tpu.yield
    }) : () -> ()
    %mul3A_110 = arith.constant 10240 : i32
    %mul3A_111 = arith.muli %arg0, %mul3A_110 : i32
    %add3A_112 = arith.addi %mul3A_111, %mul3A_2 : i32
    %add3A_113 = arith.constant 160 : i32
    %add3A_114 = arith.addi %add3A_112, %add3A_113 : i32
    "tpu.region"() ({
      %run_scoped3A = tpu.sem_alloc : memref<!tpu.dma_semaphore, #tpu.memory_space<semaphore_mem>>
      %dma_start3A_150 = arith.constant 0 : i32
      %dma_start3A_151 = tpu.memref_slice %arg5[%add3A_114, %dma_start3A_150] : memref<20480x128xf32, #tpu.memory_space<hbm>> -> memref<80x128xf32, #tpu.memory_space<hbm>>
      %dma_start3A_152 = arith.constant 0 : i32
      %dma_start3A_153 = tpu.memref_slice %arg5[%add3A_114, %dma_start3A_152] : memref<20480x128xf32, #tpu.memory_space<hbm>> -> memref<80x128xf32, #tpu.memory_space<hbm>>
      tpu.enqueue_dma source(%arg12 : memref<80x128xf32, #tpu.memory_space<vmem>>) target(%dma_start3A_153 : memref<80x128xf32, #tpu.memory_space<hbm>>) target_semaphore(%run_scoped3A : memref<!tpu.dma_semaphore, #tpu.memory_space<semaphore_mem>>)
      %dma_wait3A_154 = arith.constant 0 : i32
      %dma_wait3A_155 = tpu.memref_slice %arg5[%add3A_114, %dma_wait3A_154] : memref<20480x128xf32, #tpu.memory_space<hbm>> -> memref<80x128xf32, #tpu.memory_space<hbm>>
      %dma_wait3A_156 = arith.constant 0 : i32
      %dma_wait3A_157 = tpu.memref_slice %arg5[%add3A_114, %dma_wait3A_156] : memref<20480x128xf32, #tpu.memory_space<hbm>> -> memref<80x128xf32, #tpu.memory_space<hbm>>
      tpu.wait_dma2 semaphore(%run_scoped3A : memref<!tpu.dma_semaphore, #tpu.memory_space<semaphore_mem>>) src(%arg12 : memref<80x128xf32, #tpu.memory_space<vmem>>) dst(%dma_wait3A_157 : memref<80x128xf32, #tpu.memory_space<hbm>>)
      tpu.yield
    }) : () -> ()
    %add3A_115 = arith.constant 240 : i32
    %add3A_116 = arith.addi %mul3A_2, %add3A_115 : i32
    "tpu.region"() ({
      %run_scoped3A = tpu.sem_alloc : memref<!tpu.dma_semaphore, #tpu.memory_space<semaphore_mem>>
      %dma_start3A_150 = arith.constant 0 : i32
      %dma_start3A_151 = tpu.memref_slice %arg15[%add3A_116, %dma_start3A_150] : memref<10240x128xf32, #tpu.memory_space<vmem_shared>> -> memref<80x128xf32, #tpu.memory_space<vmem_shared>>
      %dma_start3A_152 = arith.constant 0 : i32
      %dma_start3A_153 = tpu.memref_slice %arg15[%add3A_116, %dma_start3A_152] : memref<10240x128xf32, #tpu.memory_space<vmem_shared>> -> memref<80x128xf32, #tpu.memory_space<vmem_shared>>
      tpu.enqueue_dma source(%dma_start3A_153 : memref<80x128xf32, #tpu.memory_space<vmem_shared>>) target(%arg12 : memref<80x128xf32, #tpu.memory_space<vmem>>) target_semaphore(%run_scoped3A : memref<!tpu.dma_semaphore, #tpu.memory_space<semaphore_mem>>)
      %dma_wait3A_154 = arith.constant 0 : i32
      %dma_wait3A_155 = tpu.memref_slice %arg15[%add3A_116, %dma_wait3A_154] : memref<10240x128xf32, #tpu.memory_space<vmem_shared>> -> memref<80x128xf32, #tpu.memory_space<vmem_shared>>
      %dma_wait3A_156 = arith.constant 0 : i32
      %dma_wait3A_157 = tpu.memref_slice %arg15[%add3A_116, %dma_wait3A_156] : memref<10240x128xf32, #tpu.memory_space<vmem_shared>> -> memref<80x128xf32, #tpu.memory_space<vmem_shared>>
      tpu.wait_dma2 semaphore(%run_scoped3A : memref<!tpu.dma_semaphore, #tpu.memory_space<semaphore_mem>>) src(%dma_wait3A_157 : memref<80x128xf32, #tpu.memory_space<vmem_shared>>) dst(%arg12 : memref<80x128xf32, #tpu.memory_space<vmem>>)
      tpu.yield
    }) : () -> ()
    %mul3A_117 = arith.constant 10240 : i32
    %mul3A_118 = arith.muli %arg0, %mul3A_117 : i32
    %add3A_119 = arith.addi %mul3A_118, %mul3A_2 : i32
    %add3A_120 = arith.constant 240 : i32
    %add3A_121 = arith.addi %add3A_119, %add3A_120 : i32
    "tpu.region"() ({
      %run_scoped3A = tpu.sem_alloc : memref<!tpu.dma_semaphore, #tpu.memory_space<semaphore_mem>>
      %dma_start3A_150 = arith.constant 0 : i32
      %dma_start3A_151 = tpu.memref_slice %arg5[%add3A_121, %dma_start3A_150] : memref<20480x128xf32, #tpu.memory_space<hbm>> -> memref<80x128xf32, #tpu.memory_space<hbm>>
      %dma_start3A_152 = arith.constant 0 : i32
      %dma_start3A_153 = tpu.memref_slice %arg5[%add3A_121, %dma_start3A_152] : memref<20480x128xf32, #tpu.memory_space<hbm>> -> memref<80x128xf32, #tpu.memory_space<hbm>>
      tpu.enqueue_dma source(%arg12 : memref<80x128xf32, #tpu.memory_space<vmem>>) target(%dma_start3A_153 : memref<80x128xf32, #tpu.memory_space<hbm>>) target_semaphore(%run_scoped3A : memref<!tpu.dma_semaphore, #tpu.memory_space<semaphore_mem>>)
      %dma_wait3A_154 = arith.constant 0 : i32
      %dma_wait3A_155 = tpu.memref_slice %arg5[%add3A_121, %dma_wait3A_154] : memref<20480x128xf32, #tpu.memory_space<hbm>> -> memref<80x128xf32, #tpu.memory_space<hbm>>
      %dma_wait3A_156 = arith.constant 0 : i32
      %dma_wait3A_157 = tpu.memref_slice %arg5[%add3A_121, %dma_wait3A_156] : memref<20480x128xf32, #tpu.memory_space<hbm>> -> memref<80x128xf32, #tpu.memory_space<hbm>>
      tpu.wait_dma2 semaphore(%run_scoped3A : memref<!tpu.dma_semaphore, #tpu.memory_space<semaphore_mem>>) src(%arg12 : memref<80x128xf32, #tpu.memory_space<vmem>>) dst(%dma_wait3A_157 : memref<80x128xf32, #tpu.memory_space<hbm>>)
      tpu.yield
    }) : () -> ()
    %add3A_122 = arith.constant 320 : i32
    %add3A_123 = arith.addi %mul3A_2, %add3A_122 : i32
    "tpu.region"() ({
      %run_scoped3A = tpu.sem_alloc : memref<!tpu.dma_semaphore, #tpu.memory_space<semaphore_mem>>
      %dma_start3A_150 = arith.constant 0 : i32
      %dma_start3A_151 = tpu.memref_slice %arg15[%add3A_123, %dma_start3A_150] : memref<10240x128xf32, #tpu.memory_space<vmem_shared>> -> memref<80x128xf32, #tpu.memory_space<vmem_shared>>
      %dma_start3A_152 = arith.constant 0 : i32
      %dma_start3A_153 = tpu.memref_slice %arg15[%add3A_123, %dma_start3A_152] : memref<10240x128xf32, #tpu.memory_space<vmem_shared>> -> memref<80x128xf32, #tpu.memory_space<vmem_shared>>
      tpu.enqueue_dma source(%dma_start3A_153 : memref<80x128xf32, #tpu.memory_space<vmem_shared>>) target(%arg12 : memref<80x128xf32, #tpu.memory_space<vmem>>) target_semaphore(%run_scoped3A : memref<!tpu.dma_semaphore, #tpu.memory_space<semaphore_mem>>)
      %dma_wait3A_154 = arith.constant 0 : i32
      %dma_wait3A_155 = tpu.memref_slice %arg15[%add3A_123, %dma_wait3A_154] : memref<10240x128xf32, #tpu.memory_space<vmem_shared>> -> memref<80x128xf32, #tpu.memory_space<vmem_shared>>
      %dma_wait3A_156 = arith.constant 0 : i32
      %dma_wait3A_157 = tpu.memref_slice %arg15[%add3A_123, %dma_wait3A_156] : memref<10240x128xf32, #tpu.memory_space<vmem_shared>> -> memref<80x128xf32, #tpu.memory_space<vmem_shared>>
      tpu.wait_dma2 semaphore(%run_scoped3A : memref<!tpu.dma_semaphore, #tpu.memory_space<semaphore_mem>>) src(%dma_wait3A_157 : memref<80x128xf32, #tpu.memory_space<vmem_shared>>) dst(%arg12 : memref<80x128xf32, #tpu.memory_space<vmem>>)
      tpu.yield
    }) : () -> ()
    %mul3A_124 = arith.constant 10240 : i32
    %mul3A_125 = arith.muli %arg0, %mul3A_124 : i32
    %add3A_126 = arith.addi %mul3A_125, %mul3A_2 : i32
    %add3A_127 = arith.constant 320 : i32
    %add3A_128 = arith.addi %add3A_126, %add3A_127 : i32
    "tpu.region"() ({
      %run_scoped3A = tpu.sem_alloc : memref<!tpu.dma_semaphore, #tpu.memory_space<semaphore_mem>>
      %dma_start3A_150 = arith.constant 0 : i32
      %dma_start3A_151 = tpu.memref_slice %arg5[%add3A_128, %dma_start3A_150] : memref<20480x128xf32, #tpu.memory_space<hbm>> -> memref<80x128xf32, #tpu.memory_space<hbm>>
      %dma_start3A_152 = arith.constant 0 : i32
      %dma_start3A_153 = tpu.memref_slice %arg5[%add3A_128, %dma_start3A_152] : memref<20480x128xf32, #tpu.memory_space<hbm>> -> memref<80x128xf32, #tpu.memory_space<hbm>>
      tpu.enqueue_dma source(%arg12 : memref<80x128xf32, #tpu.memory_space<vmem>>) target(%dma_start3A_153 : memref<80x128xf32, #tpu.memory_space<hbm>>) target_semaphore(%run_scoped3A : memref<!tpu.dma_semaphore, #tpu.memory_space<semaphore_mem>>)
      %dma_wait3A_154 = arith.constant 0 : i32
      %dma_wait3A_155 = tpu.memref_slice %arg5[%add3A_128, %dma_wait3A_154] : memref<20480x128xf32, #tpu.memory_space<hbm>> -> memref<80x128xf32, #tpu.memory_space<hbm>>
      %dma_wait3A_156 = arith.constant 0 : i32
      %dma_wait3A_157 = tpu.memref_slice %arg5[%add3A_128, %dma_wait3A_156] : memref<20480x128xf32, #tpu.memory_space<hbm>> -> memref<80x128xf32, #tpu.memory_space<hbm>>
      tpu.wait_dma2 semaphore(%run_scoped3A : memref<!tpu.dma_semaphore, #tpu.memory_space<semaphore_mem>>) src(%arg12 : memref<80x128xf32, #tpu.memory_space<vmem>>) dst(%dma_wait3A_157 : memref<80x128xf32, #tpu.memory_space<hbm>>)
      tpu.yield
    }) : () -> ()
    %add3A_129 = arith.constant 400 : i32
    %add3A_130 = arith.addi %mul3A_2, %add3A_129 : i32
    "tpu.region"() ({
      %run_scoped3A = tpu.sem_alloc : memref<!tpu.dma_semaphore, #tpu.memory_space<semaphore_mem>>
      %dma_start3A_150 = arith.constant 0 : i32
      %dma_start3A_151 = tpu.memref_slice %arg15[%add3A_130, %dma_start3A_150] : memref<10240x128xf32, #tpu.memory_space<vmem_shared>> -> memref<80x128xf32, #tpu.memory_space<vmem_shared>>
      %dma_start3A_152 = arith.constant 0 : i32
      %dma_start3A_153 = tpu.memref_slice %arg15[%add3A_130, %dma_start3A_152] : memref<10240x128xf32, #tpu.memory_space<vmem_shared>> -> memref<80x128xf32, #tpu.memory_space<vmem_shared>>
      tpu.enqueue_dma source(%dma_start3A_153 : memref<80x128xf32, #tpu.memory_space<vmem_shared>>) target(%arg12 : memref<80x128xf32, #tpu.memory_space<vmem>>) target_semaphore(%run_scoped3A : memref<!tpu.dma_semaphore, #tpu.memory_space<semaphore_mem>>)
      %dma_wait3A_154 = arith.constant 0 : i32
      %dma_wait3A_155 = tpu.memref_slice %arg15[%add3A_130, %dma_wait3A_154] : memref<10240x128xf32, #tpu.memory_space<vmem_shared>> -> memref<80x128xf32, #tpu.memory_space<vmem_shared>>
      %dma_wait3A_156 = arith.constant 0 : i32
      %dma_wait3A_157 = tpu.memref_slice %arg15[%add3A_130, %dma_wait3A_156] : memref<10240x128xf32, #tpu.memory_space<vmem_shared>> -> memref<80x128xf32, #tpu.memory_space<vmem_shared>>
      tpu.wait_dma2 semaphore(%run_scoped3A : memref<!tpu.dma_semaphore, #tpu.memory_space<semaphore_mem>>) src(%dma_wait3A_157 : memref<80x128xf32, #tpu.memory_space<vmem_shared>>) dst(%arg12 : memref<80x128xf32, #tpu.memory_space<vmem>>)
      tpu.yield
    }) : () -> ()
    %mul3A_131 = arith.constant 10240 : i32
    %mul3A_132 = arith.muli %arg0, %mul3A_131 : i32
    %add3A_133 = arith.addi %mul3A_132, %mul3A_2 : i32
    %add3A_134 = arith.constant 400 : i32
    %add3A_135 = arith.addi %add3A_133, %add3A_134 : i32
    "tpu.region"() ({
      %run_scoped3A = tpu.sem_alloc : memref<!tpu.dma_semaphore, #tpu.memory_space<semaphore_mem>>
      %dma_start3A_150 = arith.constant 0 : i32
      %dma_start3A_151 = tpu.memref_slice %arg5[%add3A_135, %dma_start3A_150] : memref<20480x128xf32, #tpu.memory_space<hbm>> -> memref<80x128xf32, #tpu.memory_space<hbm>>
      %dma_start3A_152 = arith.constant 0 : i32
      %dma_start3A_153 = tpu.memref_slice %arg5[%add3A_135, %dma_start3A_152] : memref<20480x128xf32, #tpu.memory_space<hbm>> -> memref<80x128xf32, #tpu.memory_space<hbm>>
      tpu.enqueue_dma source(%arg12 : memref<80x128xf32, #tpu.memory_space<vmem>>) target(%dma_start3A_153 : memref<80x128xf32, #tpu.memory_space<hbm>>) target_semaphore(%run_scoped3A : memref<!tpu.dma_semaphore, #tpu.memory_space<semaphore_mem>>)
      %dma_wait3A_154 = arith.constant 0 : i32
      %dma_wait3A_155 = tpu.memref_slice %arg5[%add3A_135, %dma_wait3A_154] : memref<20480x128xf32, #tpu.memory_space<hbm>> -> memref<80x128xf32, #tpu.memory_space<hbm>>
      %dma_wait3A_156 = arith.constant 0 : i32
      %dma_wait3A_157 = tpu.memref_slice %arg5[%add3A_135, %dma_wait3A_156] : memref<20480x128xf32, #tpu.memory_space<hbm>> -> memref<80x128xf32, #tpu.memory_space<hbm>>
      tpu.wait_dma2 semaphore(%run_scoped3A : memref<!tpu.dma_semaphore, #tpu.memory_space<semaphore_mem>>) src(%arg12 : memref<80x128xf32, #tpu.memory_space<vmem>>) dst(%dma_wait3A_157 : memref<80x128xf32, #tpu.memory_space<hbm>>)
      tpu.yield
    }) : () -> ()
    %add3A_136 = arith.constant 480 : i32
    %add3A_137 = arith.addi %mul3A_2, %add3A_136 : i32
    "tpu.region"() ({
      %run_scoped3A = tpu.sem_alloc : memref<!tpu.dma_semaphore, #tpu.memory_space<semaphore_mem>>
      %dma_start3A_150 = arith.constant 0 : i32
      %dma_start3A_151 = tpu.memref_slice %arg15[%add3A_137, %dma_start3A_150] : memref<10240x128xf32, #tpu.memory_space<vmem_shared>> -> memref<80x128xf32, #tpu.memory_space<vmem_shared>>
      %dma_start3A_152 = arith.constant 0 : i32
      %dma_start3A_153 = tpu.memref_slice %arg15[%add3A_137, %dma_start3A_152] : memref<10240x128xf32, #tpu.memory_space<vmem_shared>> -> memref<80x128xf32, #tpu.memory_space<vmem_shared>>
      tpu.enqueue_dma source(%dma_start3A_153 : memref<80x128xf32, #tpu.memory_space<vmem_shared>>) target(%arg12 : memref<80x128xf32, #tpu.memory_space<vmem>>) target_semaphore(%run_scoped3A : memref<!tpu.dma_semaphore, #tpu.memory_space<semaphore_mem>>)
      %dma_wait3A_154 = arith.constant 0 : i32
      %dma_wait3A_155 = tpu.memref_slice %arg15[%add3A_137, %dma_wait3A_154] : memref<10240x128xf32, #tpu.memory_space<vmem_shared>> -> memref<80x128xf32, #tpu.memory_space<vmem_shared>>
      %dma_wait3A_156 = arith.constant 0 : i32
      %dma_wait3A_157 = tpu.memref_slice %arg15[%add3A_137, %dma_wait3A_156] : memref<10240x128xf32, #tpu.memory_space<vmem_shared>> -> memref<80x128xf32, #tpu.memory_space<vmem_shared>>
      tpu.wait_dma2 semaphore(%run_scoped3A : memref<!tpu.dma_semaphore, #tpu.memory_space<semaphore_mem>>) src(%dma_wait3A_157 : memref<80x128xf32, #tpu.memory_space<vmem_shared>>) dst(%arg12 : memref<80x128xf32, #tpu.memory_space<vmem>>)
      tpu.yield
    }) : () -> ()
    %mul3A_138 = arith.constant 10240 : i32
    %mul3A_139 = arith.muli %arg0, %mul3A_138 : i32
    %add3A_140 = arith.addi %mul3A_139, %mul3A_2 : i32
    %add3A_141 = arith.constant 480 : i32
    %add3A_142 = arith.addi %add3A_140, %add3A_141 : i32
    "tpu.region"() ({
      %run_scoped3A = tpu.sem_alloc : memref<!tpu.dma_semaphore, #tpu.memory_space<semaphore_mem>>
      %dma_start3A_150 = arith.constant 0 : i32
      %dma_start3A_151 = tpu.memref_slice %arg5[%add3A_142, %dma_start3A_150] : memref<20480x128xf32, #tpu.memory_space<hbm>> -> memref<80x128xf32, #tpu.memory_space<hbm>>
      %dma_start3A_152 = arith.constant 0 : i32
      %dma_start3A_153 = tpu.memref_slice %arg5[%add3A_142, %dma_start3A_152] : memref<20480x128xf32, #tpu.memory_space<hbm>> -> memref<80x128xf32, #tpu.memory_space<hbm>>
      tpu.enqueue_dma source(%arg12 : memref<80x128xf32, #tpu.memory_space<vmem>>) target(%dma_start3A_153 : memref<80x128xf32, #tpu.memory_space<hbm>>) target_semaphore(%run_scoped3A : memref<!tpu.dma_semaphore, #tpu.memory_space<semaphore_mem>>)
      %dma_wait3A_154 = arith.constant 0 : i32
      %dma_wait3A_155 = tpu.memref_slice %arg5[%add3A_142, %dma_wait3A_154] : memref<20480x128xf32, #tpu.memory_space<hbm>> -> memref<80x128xf32, #tpu.memory_space<hbm>>
      %dma_wait3A_156 = arith.constant 0 : i32
      %dma_wait3A_157 = tpu.memref_slice %arg5[%add3A_142, %dma_wait3A_156] : memref<20480x128xf32, #tpu.memory_space<hbm>> -> memref<80x128xf32, #tpu.memory_space<hbm>>
      tpu.wait_dma2 semaphore(%run_scoped3A : memref<!tpu.dma_semaphore, #tpu.memory_space<semaphore_mem>>) src(%arg12 : memref<80x128xf32, #tpu.memory_space<vmem>>) dst(%dma_wait3A_157 : memref<80x128xf32, #tpu.memory_space<hbm>>)
      tpu.yield
    }) : () -> ()
    %add3A_143 = arith.constant 560 : i32
    %add3A_144 = arith.addi %mul3A_2, %add3A_143 : i32
    "tpu.region"() ({
      %run_scoped3A = tpu.sem_alloc : memref<!tpu.dma_semaphore, #tpu.memory_space<semaphore_mem>>
      %dma_start3A_150 = arith.constant 0 : i32
      %dma_start3A_151 = tpu.memref_slice %arg15[%add3A_144, %dma_start3A_150] : memref<10240x128xf32, #tpu.memory_space<vmem_shared>> -> memref<80x128xf32, #tpu.memory_space<vmem_shared>>
      %dma_start3A_152 = arith.constant 0 : i32
      %dma_start3A_153 = tpu.memref_slice %arg15[%add3A_144, %dma_start3A_152] : memref<10240x128xf32, #tpu.memory_space<vmem_shared>> -> memref<80x128xf32, #tpu.memory_space<vmem_shared>>
      tpu.enqueue_dma source(%dma_start3A_153 : memref<80x128xf32, #tpu.memory_space<vmem_shared>>) target(%arg12 : memref<80x128xf32, #tpu.memory_space<vmem>>) target_semaphore(%run_scoped3A : memref<!tpu.dma_semaphore, #tpu.memory_space<semaphore_mem>>)
      %dma_wait3A_154 = arith.constant 0 : i32
      %dma_wait3A_155 = tpu.memref_slice %arg15[%add3A_144, %dma_wait3A_154] : memref<10240x128xf32, #tpu.memory_space<vmem_shared>> -> memref<80x128xf32, #tpu.memory_space<vmem_shared>>
      %dma_wait3A_156 = arith.constant 0 : i32
      %dma_wait3A_157 = tpu.memref_slice %arg15[%add3A_144, %dma_wait3A_156] : memref<10240x128xf32, #tpu.memory_space<vmem_shared>> -> memref<80x128xf32, #tpu.memory_space<vmem_shared>>
      tpu.wait_dma2 semaphore(%run_scoped3A : memref<!tpu.dma_semaphore, #tpu.memory_space<semaphore_mem>>) src(%dma_wait3A_157 : memref<80x128xf32, #tpu.memory_space<vmem_shared>>) dst(%arg12 : memref<80x128xf32, #tpu.memory_space<vmem>>)
      tpu.yield
    }) : () -> ()
    %mul3A_145 = arith.constant 10240 : i32
    %mul3A_146 = arith.muli %arg0, %mul3A_145 : i32
    %add3A_147 = arith.addi %mul3A_146, %mul3A_2 : i32
    %add3A_148 = arith.constant 560 : i32
    %add3A_149 = arith.addi %add3A_147, %add3A_148 : i32
    "tpu.region"() ({
      %run_scoped3A = tpu.sem_alloc : memref<!tpu.dma_semaphore, #tpu.memory_space<semaphore_mem>>
      %dma_start3A_150 = arith.constant 0 : i32
      %dma_start3A_151 = tpu.memref_slice %arg5[%add3A_149, %dma_start3A_150] : memref<20480x128xf32, #tpu.memory_space<hbm>> -> memref<80x128xf32, #tpu.memory_space<hbm>>
      %dma_start3A_152 = arith.constant 0 : i32
      %dma_start3A_153 = tpu.memref_slice %arg5[%add3A_149, %dma_start3A_152] : memref<20480x128xf32, #tpu.memory_space<hbm>> -> memref<80x128xf32, #tpu.memory_space<hbm>>
      tpu.enqueue_dma source(%arg12 : memref<80x128xf32, #tpu.memory_space<vmem>>) target(%dma_start3A_153 : memref<80x128xf32, #tpu.memory_space<hbm>>) target_semaphore(%run_scoped3A : memref<!tpu.dma_semaphore, #tpu.memory_space<semaphore_mem>>)
      %dma_wait3A_154 = arith.constant 0 : i32
      %dma_wait3A_155 = tpu.memref_slice %arg5[%add3A_149, %dma_wait3A_154] : memref<20480x128xf32, #tpu.memory_space<hbm>> -> memref<80x128xf32, #tpu.memory_space<hbm>>
      %dma_wait3A_156 = arith.constant 0 : i32
      %dma_wait3A_157 = tpu.memref_slice %arg5[%add3A_149, %dma_wait3A_156] : memref<20480x128xf32, #tpu.memory_space<hbm>> -> memref<80x128xf32, #tpu.memory_space<hbm>>
      tpu.wait_dma2 semaphore(%run_scoped3A : memref<!tpu.dma_semaphore, #tpu.memory_space<semaphore_mem>>) src(%arg12 : memref<80x128xf32, #tpu.memory_space<vmem>>) dst(%dma_wait3A_157 : memref<80x128xf32, #tpu.memory_space<hbm>>)
      tpu.yield
    }) : () -> ()
    return
  }
}

module attributes {stable_mosaic.version = 14 : i64} {
  func.func @body(%arg0: memref<10000x128xf32, #tpu.memory_space<vmem>>, %arg1: memref<10000x1xf32, #tpu.memory_space<vmem>>, %arg2: memref<1x256xf32, #tpu.memory_space<vmem>>, %arg3: memref<10000x1xi32, #tpu.memory_space<vmem>>, %arg4: memref<128x128xf32, #tpu.memory_space<vmem>>, %arg5: memref<1x128xf32, #tpu.memory_space<vmem>>, %arg6: memref<1x128xf32, #tpu.memory_space<vmem>>, %arg7: memref<1x128xf32, #tpu.memory_space<vmem>>, %arg8: memref<1x128xf32, #tpu.memory_space<vmem>>, %arg9: memref<10000x128xf32, #tpu.memory_space<vmem>>) attributes {dimension_semantics = [], scalar_prefetch = 0 : i64, scratch_operands = 0 : i64, tpu.core_type = #tpu.core_type<tc>} {
    %get3A = arith.constant 0 : index
    %get3A_0 = arith.constant 0 : index
    %get3A_1 = vector.load %arg0[%get3A, %get3A_0] : memref<10000x128xf32, #tpu.memory_space<vmem>>, vector<10000x128xf32>
    %get3A_2 = arith.constant 0 : index
    %get3A_3 = arith.constant 0 : index
    %get3A_4 = vector.load %arg4[%get3A_2, %get3A_3] : memref<128x128xf32, #tpu.memory_space<vmem>>, vector<128x128xf32>
    %dot_general3A = arith.constant dense<0.000000e+00> : vector<10000x128xf32>
    %dot_general3A_5 = tpu.matmul %get3A_1, %get3A_4, %dot_general3A {dimension_numbers = #tpu.dot_dimension_numbers<[1], [0], [0], [1], [0, 0, 1, 1], [], []>, transpose_lhs_hint = false} : vector<10000x128xf32>, vector<128x128xf32>, vector<10000x128xf32> -> vector<10000x128xf32>
    %get3A_6 = arith.constant 0 : index
    %get3A_7 = arith.constant 0 : index
    %get3A_8 = vector.load %arg3[%get3A_6, %get3A_7] : memref<10000x1xi32, #tpu.memory_space<vmem>>, vector<10000x1xi32>
    %iota3A = tpu.iota {dimensions = array<i32: 1>} : vector<10000x256xi32>
    %eq3A = vector.broadcast %get3A_8 : vector<10000x1xi32> to vector<10000x256xi32>
    %eq3A_9 = arith.cmpi eq, %eq3A, %iota3A : vector<10000x256xi32>
    %get3A_10 = arith.constant 0 : index
    %get3A_11 = arith.constant 0 : index
    %get3A_12 = vector.load %arg2[%get3A_10, %get3A_11] : memref<1x256xf32, #tpu.memory_space<vmem>>, vector<1x256xf32>
    %jit3A = arith.constant 0.000000e+00 : f32
    %broadcast_in_dim3A = vector.shape_cast %get3A_12 : vector<1x256xf32> to vector<1x256xf32>
    %broadcast_in_dim3A_13 = vector.broadcast %broadcast_in_dim3A : vector<1x256xf32> to vector<10000x256xf32>
    %broadcast_in_dim3A_14 = vector.broadcast %jit3A : f32 to vector<10000x256xf32>
    %select_n3A = arith.select %eq3A_9, %broadcast_in_dim3A_13, %broadcast_in_dim3A_14 : vector<10000x256xi1>, vector<10000x256xf32>
    %reduce_sum3A = arith.constant dense<0.000000e+00> : vector<10000xf32>
    %reduce_sum3A_15 = vector.multi_reduction <add>, %select_n3A, %reduce_sum3A [1] : vector<10000x256xf32> to vector<10000xf32>
    %broadcast_in_dim3A_16 = vector.shape_cast %reduce_sum3A_15 : vector<10000xf32> to vector<10000x1xf32>
    %get3A_17 = arith.constant 0 : index
    %get3A_18 = arith.constant 0 : index
    %get3A_19 = vector.load %arg1[%get3A_17, %get3A_18] : memref<10000x1xf32, #tpu.memory_space<vmem>>, vector<10000x1xf32>
    %sub3A = arith.subf %broadcast_in_dim3A_16, %get3A_19 : vector<10000x1xf32>
    %iota3A_20 = tpu.iota {dimensions = array<i32: 0>} : vector<10000x1xi32>
    %get3A_21 = arith.constant 0 : index
    %get3A_22 = arith.constant 0 : index
    %get3A_23 = vector.load %arg5[%get3A_21, %get3A_22] : memref<1x128xf32, #tpu.memory_space<vmem>>, vector<1x128xf32>
    %add3A = vector.broadcast %get3A_23 : vector<1x128xf32> to vector<10000x128xf32>
    %add3A_24 = arith.addf %dot_general3A_5, %add3A : vector<10000x128xf32>
    %lt3A = arith.constant 256 : i32
    %lt3A_25 = vector.broadcast %lt3A : i32 to vector<10000x1xi32>
    %lt3A_26 = arith.cmpi slt, %iota3A_20, %lt3A_25 : vector<10000x1xi32>
    %jit3A_27 = arith.constant 1.000000e+00 : f32
    %jit3A_28 = arith.constant 0.000000e+00 : f32
    %broadcast_in_dim3A_29 = vector.broadcast %jit3A_27 : f32 to vector<10000x1xf32>
    %broadcast_in_dim3A_30 = vector.broadcast %jit3A_28 : f32 to vector<10000x1xf32>
    %select_n3A_31 = arith.select %lt3A_26, %broadcast_in_dim3A_29, %broadcast_in_dim3A_30 : vector<10000x1xi1>, vector<10000x1xf32>
    %get3A_32 = arith.constant 0 : index
    %get3A_33 = arith.constant 0 : index
    %get3A_34 = vector.load %arg6[%get3A_32, %get3A_33] : memref<1x128xf32, #tpu.memory_space<vmem>>, vector<1x128xf32>
    %mul3A = vector.broadcast %select_n3A_31 : vector<10000x1xf32> to vector<10000x128xf32>
    %mul3A_35 = vector.broadcast %get3A_34 : vector<1x128xf32> to vector<10000x128xf32>
    %mul3A_36 = arith.mulf %mul3A, %mul3A_35 : vector<10000x128xf32>
    %add3A_37 = arith.addf %add3A_24, %mul3A_36 : vector<10000x128xf32>
    %get3A_38 = arith.constant 0 : index
    %get3A_39 = arith.constant 0 : index
    %get3A_40 = vector.load %arg7[%get3A_38, %get3A_39] : memref<1x128xf32, #tpu.memory_space<vmem>>, vector<1x128xf32>
    %mul3A_41 = vector.broadcast %sub3A : vector<10000x1xf32> to vector<10000x128xf32>
    %mul3A_42 = vector.broadcast %get3A_40 : vector<1x128xf32> to vector<10000x128xf32>
    %mul3A_43 = arith.mulf %mul3A_41, %mul3A_42 : vector<10000x128xf32>
    %add3A_44 = arith.addf %add3A_37, %mul3A_43 : vector<10000x128xf32>
    %get3A_45 = arith.constant 0 : index
    %get3A_46 = arith.constant 0 : index
    %get3A_47 = vector.load %arg8[%get3A_45, %get3A_46] : memref<1x128xf32, #tpu.memory_space<vmem>>, vector<1x128xf32>
    %add3A_48 = vector.broadcast %get3A_47 : vector<1x128xf32> to vector<10000x128xf32>
    %add3A_49 = arith.addf %add3A_44, %add3A_48 : vector<10000x128xf32>
    %swap3A = arith.constant 0 : index
    %swap3A_50 = arith.constant 0 : index
    %swap3A_51 = vector.load %arg9[%swap3A, %swap3A_50] : memref<10000x128xf32, #tpu.memory_space<vmem>>, vector<10000x128xf32>
    tpu.vector_store %arg9[%swap3A, %swap3A_50], %add3A_49 {strides = array<i32>} : memref<10000x128xf32, #tpu.memory_space<vmem>>, vector<10000x128xf32>,
    return
  }
}

module attributes {stable_mosaic.version = 14 : i64} {
  func.func @body(%arg0: memref<32x10000xi32, #tpu.memory_space<vmem>>, %arg1: memref<32x625x16xi32, #tpu.memory_space<vmem>>, %arg2: memref<32x10000xi32, #tpu.memory_space<vmem>>, %arg3: memref<32x640xi32, #tpu.memory_space<vmem>>) attributes {dimension_semantics = [], scalar_prefetch = 0 : i64, scratch_operands = 0 : i64, tpu.core_type = #tpu.core_type<tc>} {
    %get3A = arith.constant 0 : index
    %get3A_0 = arith.constant 0 : index
    %get3A_1 = vector.load %arg0[%get3A, %get3A_0] : memref<32x10000xi32, #tpu.memory_space<vmem>>, vector<32x10000xi32>
    %iota3A = tpu.iota {dimensions = array<i32: 1>} : vector<32x10000xi32>
    %lt3A = arith.constant 256 : i32
    %lt3A_2 = vector.broadcast %lt3A : i32 to vector<32x10000xi32>
    %lt3A_3 = arith.cmpi slt, %get3A_1, %lt3A_2 : vector<32x10000xi32>
    %and3A = arith.constant 255 : i32
    %and3A_4 = vector.broadcast %and3A : i32 to vector<32x10000xi32>
    %and3A_5 = arith.andi %iota3A, %and3A_4 : vector<32x10000xi32>
    %add3A = arith.constant 256 : i32
    %add3A_6 = vector.broadcast %add3A : i32 to vector<32x10000xi32>
    %add3A_7 = arith.addi %add3A_6, %and3A_5 : vector<32x10000xi32>
    %select_n3A = arith.select %lt3A_3, %get3A_1, %add3A_7 : vector<32x10000xi1>, vector<32x10000xi32>
    %swap3A = arith.constant 0 : index
    %swap3A_8 = arith.constant 0 : index
    %swap3A_9 = vector.load %arg2[%swap3A, %swap3A_8] : memref<32x10000xi32, #tpu.memory_space<vmem>>, vector<32x10000xi32>
    tpu.vector_store %arg2[%swap3A, %swap3A_8], %select_n3A {strides = array<i32>} : memref<32x10000xi32, #tpu.memory_space<vmem>>, vector<32x10000xi32>,
    %get3A_10 = arith.constant 0 : index
    %get3A_11 = arith.constant 0 : index
    %get3A_12 = arith.constant 0 : index
    %get3A_13 = vector.load %arg1[%get3A_10, %get3A_11, %get3A_12] : memref<32x625x16xi32, #tpu.memory_space<vmem>>, vector<32x625x16xi32>
    %reduce_min3A = arith.constant dense<2147483647> : vector<32x625xi32>
    %reduce_min3A_14 = vector.multi_reduction <minsi>, %get3A_13, %reduce_min3A [2] : vector<32x625x16xi32> to vector<32x625xi32>
    %lt3A_15 = arith.constant 256 : i32
    %lt3A_16 = vector.broadcast %lt3A_15 : i32 to vector<32x625xi32>
    %lt3A_17 = arith.cmpi slt, %reduce_min3A_14, %lt3A_16 : vector<32x625xi32>
    %jit3A = arith.constant 1.600000e+01 : f32
    %jit3A_18 = arith.constant 0.000000e+00 : f32
    %broadcast_in_dim3A = vector.broadcast %jit3A : f32 to vector<32x625xf32>
    %broadcast_in_dim3A_19 = vector.broadcast %jit3A_18 : f32 to vector<32x625xf32>
    %select_n3A_20 = arith.select %lt3A_17, %broadcast_in_dim3A, %broadcast_in_dim3A_19 : vector<32x625xi1>, vector<32x625xf32>
    %iota3A_21 = tpu.iota {dimensions = array<i32: 0>} : vector<625x640xi32>
    %iota3A_22 = tpu.iota {dimensions = array<i32: 1>} : vector<625x640xi32>
    %lt3A_23 = arith.cmpi slt, %iota3A_21, %iota3A_22 : vector<625x640xi32>
    %jit3A_24 = arith.constant 1.000000e+00 : f32
    %jit3A_25 = arith.constant 0.000000e+00 : f32
    %broadcast_in_dim3A_26 = vector.broadcast %jit3A_24 : f32 to vector<625x640xf32>
    %broadcast_in_dim3A_27 = vector.broadcast %jit3A_25 : f32 to vector<625x640xf32>
    %select_n3A_28 = arith.select %lt3A_23, %broadcast_in_dim3A_26, %broadcast_in_dim3A_27 : vector<625x640xi1>, vector<625x640xf32>
    %dot_general3A = arith.constant dense<0.000000e+00> : vector<32x640xf32>
    %dot_general3A_29 = tpu.matmul %select_n3A_20, %select_n3A_28, %dot_general3A {dimension_numbers = #tpu.dot_dimension_numbers<[1], [0], [0], [1], [0, 0, 1, 1], [], []>, transpose_lhs_hint = false} : vector<32x625xf32>, vector<625x640xf32>, vector<32x640xf32> -> vector<32x640xf32>
    %convert_element_type3A = arith.fptosi %dot_general3A_29 : vector<32x640xf32> to vector<32x640xi32>
    %swap3A_30 = arith.constant 0 : index
    %swap3A_31 = arith.constant 0 : index
    %swap3A_32 = vector.load %arg3[%swap3A_30, %swap3A_31] : memref<32x640xi32, #tpu.memory_space<vmem>>, vector<32x640xi32>
    tpu.vector_store %arg3[%swap3A_30, %swap3A_31], %convert_element_type3A {strides = array<i32>} : memref<32x640xi32, #tpu.memory_space<vmem>>, vector<32x640xi32>,
    return
  }
}

module attributes {stable_mosaic.version = 14 : i64} {
  func.func @body(%arg0: memref<10000x128xf32, #tpu.memory_space<vmem>>, %arg1: memref<20480x128xf32, #tpu.memory_space<vmem>>, %arg2: memref<128x128xf32, #tpu.memory_space<vmem>>, %arg3: memref<128x128xf32, #tpu.memory_space<vmem>>, %arg4: memref<1x128xf32, #tpu.memory_space<vmem>>, %arg5: memref<10000x128xf32, #tpu.memory_space<vmem>>) attributes {dimension_semantics = [], scalar_prefetch = 0 : i64, scratch_operands = 0 : i64, tpu.core_type = #tpu.core_type<tc>} {
    %get3A = arith.constant 0 : index
    %get3A_0 = arith.constant 0 : index
    %get3A_1 = vector.load %arg1[%get3A, %get3A_0] : memref<20480x128xf32, #tpu.memory_space<vmem>>, vector<10000x128xf32>
    %get3A_2 = arith.constant 10240 : index
    %get3A_3 = arith.constant 0 : index
    %get3A_4 = vector.load %arg1[%get3A_2, %get3A_3] : memref<20480x128xf32, #tpu.memory_space<vmem>>, vector<10000x128xf32>
    %add3A = arith.addf %get3A_1, %get3A_4 : vector<10000x128xf32>
    %get3A_5 = arith.constant 0 : index
    %get3A_6 = arith.constant 0 : index
    %get3A_7 = vector.load %arg0[%get3A_5, %get3A_6] : memref<10000x128xf32, #tpu.memory_space<vmem>>, vector<10000x128xf32>
    %get3A_8 = arith.constant 0 : index
    %get3A_9 = arith.constant 0 : index
    %get3A_10 = vector.load %arg2[%get3A_8, %get3A_9] : memref<128x128xf32, #tpu.memory_space<vmem>>, vector<128x128xf32>
    %dot_general3A = arith.constant dense<0.000000e+00> : vector<10000x128xf32>
    %dot_general3A_11 = tpu.matmul %get3A_7, %get3A_10, %dot_general3A {dimension_numbers = #tpu.dot_dimension_numbers<[1], [0], [0], [1], [0, 0, 1, 1], [], []>, transpose_lhs_hint = false} : vector<10000x128xf32>, vector<128x128xf32>, vector<10000x128xf32> -> vector<10000x128xf32>
    %get3A_12 = arith.constant 0 : index
    %get3A_13 = arith.constant 0 : index
    %get3A_14 = vector.load %arg3[%get3A_12, %get3A_13] : memref<128x128xf32, #tpu.memory_space<vmem>>, vector<128x128xf32>
    %dot_general3A_15 = arith.constant dense<0.000000e+00> : vector<10000x128xf32>
    %dot_general3A_16 = tpu.matmul %add3A, %get3A_14, %dot_general3A_15 {dimension_numbers = #tpu.dot_dimension_numbers<[1], [0], [0], [1], [0, 0, 1, 1], [], []>, transpose_lhs_hint = false} : vector<10000x128xf32>, vector<128x128xf32>, vector<10000x128xf32> -> vector<10000x128xf32>
    %add3A_17 = arith.addf %dot_general3A_11, %dot_general3A_16 : vector<10000x128xf32>
    %get3A_18 = arith.constant 0 : index
    %get3A_19 = arith.constant 0 : index
    %get3A_20 = vector.load %arg4[%get3A_18, %get3A_19] : memref<1x128xf32, #tpu.memory_space<vmem>>, vector<1x128xf32>
    %add3A_21 = vector.broadcast %get3A_20 : vector<1x128xf32> to vector<10000x128xf32>
    %add3A_22 = arith.addf %add3A_17, %add3A_21 : vector<10000x128xf32>
    %max3A = arith.constant 0.000000e+00 : f32
    %max3A_23 = vector.broadcast %max3A : f32 to vector<10000x128xf32>
    %max3A_24 = arith.maximumf %add3A_22, %max3A_23 : vector<10000x128xf32>
    %swap3A = arith.constant 0 : index
    %swap3A_25 = arith.constant 0 : index
    %swap3A_26 = vector.load %arg5[%swap3A, %swap3A_25] : memref<10000x128xf32, #tpu.memory_space<vmem>>, vector<10000x128xf32>
    tpu.vector_store %arg5[%swap3A, %swap3A_25], %max3A_24 {strides = array<i32>} : memref<10000x128xf32, #tpu.memory_space<vmem>>, vector<10000x128xf32>,
    return
  }
}

module attributes {stable_mosaic.version = 14 : i64} {
  func.func @body(%arg0: i32, %arg1: memref<256x128xf32, #tpu.memory_space<vmem>>, %arg2: memref<256x128xf32, #tpu.memory_space<vmem>>, %arg3: memref<256x128xf32, #tpu.memory_space<vmem>>, %arg4: memref<128x128xf32, #tpu.memory_space<vmem>>, %arg5: memref<128x128xf32, #tpu.memory_space<vmem>>, %arg6: memref<1x128xf32, #tpu.memory_space<vmem>>, %arg7: memref<128x64xf32, #tpu.memory_space<vmem>>, %arg8: memref<1x64xf32, #tpu.memory_space<vmem>>, %arg9: memref<2048x64xf32, #tpu.memory_space<vmem>>, %arg10: memref<256x2048xf32, #tpu.memory_space<vmem>>, %arg11: memref<256x64xf32, #tpu.memory_space<vmem>>) attributes {dimension_semantics = [#tpu.dimension_semantics<arbitrary>], iteration_bounds = array<i64: 49>, scalar_prefetch = 0 : i64, scratch_operands = 1 : i64, tpu.core_type = #tpu.core_type<tc>, window_params = [{pipeline_mode = #tpu.pipeline_mode<synchronous>, transform_indices = @transform_0, window_bounds = array<i64: 256, 128>}, {pipeline_mode = #tpu.pipeline_mode<synchronous>, transform_indices = @transform_1, window_bounds = array<i64: 256, 128>}, {pipeline_mode = #tpu.pipeline_mode<synchronous>, transform_indices = @transform_2, window_bounds = array<i64: 256, 128>}, {pipeline_mode = #tpu.pipeline_mode<synchronous>, transform_indices = @transform_3, window_bounds = array<i64: 128, 128>}, {pipeline_mode = #tpu.pipeline_mode<synchronous>, transform_indices = @transform_4, window_bounds = array<i64: 128, 128>}, {pipeline_mode = #tpu.pipeline_mode<synchronous>, transform_indices = @transform_5, window_bounds = array<i64: 1, 128>}, {pipeline_mode = #tpu.pipeline_mode<synchronous>, transform_indices = @transform_6, window_bounds = array<i64: 128, 64>}, {pipeline_mode = #tpu.pipeline_mode<synchronous>, transform_indices = @transform_7, window_bounds = array<i64: 1, 64>}, {transform_indices = @transform_8, window_bounds = array<i64: 2048, 64>}, {transform_indices = @transform_9, window_bounds = array<i64: 256, 2048>}]} {
    %eq3A = arith.constant 0 : i32
    %eq3A_0 = arith.cmpi eq, %arg0, %eq3A : i32
    %convert_element_type3A = arith.extui %eq3A_0 : i1 to i32
    %cond3A = arith.constant 0 : i32
    %cond3A_1 = arith.cmpi ne, %convert_element_type3A, %cond3A : i32
    scf.if %cond3A_1 {
      %get3A_10 = arith.constant 0 : index
      %get3A_11 = arith.constant 0 : index
      %get3A_12 = vector.load %arg2[%get3A_10, %get3A_11] : memref<256x128xf32, #tpu.memory_space<vmem>>, vector<256x128xf32>
      %get3A_13 = arith.constant 0 : index
      %get3A_14 = arith.constant 0 : index
      %get3A_15 = vector.load %arg3[%get3A_13, %get3A_14] : memref<256x128xf32, #tpu.memory_space<vmem>>, vector<256x128xf32>
      %add3A = arith.addf %get3A_12, %get3A_15 : vector<256x128xf32>
      %get3A_16 = arith.constant 0 : index
      %get3A_17 = arith.constant 0 : index
      %get3A_18 = vector.load %arg1[%get3A_16, %get3A_17] : memref<256x128xf32, #tpu.memory_space<vmem>>, vector<256x128xf32>
      %get3A_19 = arith.constant 0 : index
      %get3A_20 = arith.constant 0 : index
      %get3A_21 = vector.load %arg4[%get3A_19, %get3A_20] : memref<128x128xf32, #tpu.memory_space<vmem>>, vector<128x128xf32>
      %dot_general3A_22 = arith.constant dense<0.000000e+00> : vector<256x128xf32>
      %dot_general3A_23 = tpu.matmul %get3A_18, %get3A_21, %dot_general3A_22 {dimension_numbers = #tpu.dot_dimension_numbers<[1], [0], [0], [1], [0, 0, 1, 1], [], []>, transpose_lhs_hint = false} : vector<256x128xf32>, vector<128x128xf32>, vector<256x128xf32> -> vector<256x128xf32>
      %get3A_24 = arith.constant 0 : index
      %get3A_25 = arith.constant 0 : index
      %get3A_26 = vector.load %arg5[%get3A_24, %get3A_25] : memref<128x128xf32, #tpu.memory_space<vmem>>, vector<128x128xf32>
      %dot_general3A_27 = arith.constant dense<0.000000e+00> : vector<256x128xf32>
      %dot_general3A_28 = tpu.matmul %add3A, %get3A_26, %dot_general3A_27 {dimension_numbers = #tpu.dot_dimension_numbers<[1], [0], [0], [1], [0, 0, 1, 1], [], []>, transpose_lhs_hint = false} : vector<256x128xf32>, vector<128x128xf32>, vector<256x128xf32> -> vector<256x128xf32>
      %add3A_29 = arith.addf %dot_general3A_23, %dot_general3A_28 : vector<256x128xf32>
      %get3A_30 = arith.constant 0 : index
      %get3A_31 = arith.constant 0 : index
      %get3A_32 = vector.load %arg6[%get3A_30, %get3A_31] : memref<1x128xf32, #tpu.memory_space<vmem>>, vector<1x128xf32>
      %add3A_33 = vector.broadcast %get3A_32 : vector<1x128xf32> to vector<256x128xf32>
      %add3A_34 = arith.addf %add3A_29, %add3A_33 : vector<256x128xf32>
      %get3A_35 = arith.constant 0 : index
      %get3A_36 = arith.constant 0 : index
      %get3A_37 = vector.load %arg7[%get3A_35, %get3A_36] : memref<128x64xf32, #tpu.memory_space<vmem>>, vector<128x64xf32>
      %dot_general3A_38 = arith.constant dense<0.000000e+00> : vector<256x64xf32>
      %dot_general3A_39 = tpu.matmul %add3A_34, %get3A_37, %dot_general3A_38 {dimension_numbers = #tpu.dot_dimension_numbers<[1], [0], [0], [1], [0, 0, 1, 1], [], []>, transpose_lhs_hint = false} : vector<256x128xf32>, vector<128x64xf32>, vector<256x64xf32> -> vector<256x64xf32>
      %get3A_40 = arith.constant 0 : index
      %get3A_41 = arith.constant 0 : index
      %get3A_42 = vector.load %arg8[%get3A_40, %get3A_41] : memref<1x64xf32, #tpu.memory_space<vmem>>, vector<1x64xf32>
      %add3A_43 = vector.broadcast %get3A_42 : vector<1x64xf32> to vector<256x64xf32>
      %add3A_44 = arith.addf %dot_general3A_39, %add3A_43 : vector<256x64xf32>
      %swap3A_45 = arith.constant 0 : index
      %swap3A_46 = arith.constant 0 : index
      %swap3A_47 = vector.load %arg11[%swap3A_45, %swap3A_46] : memref<256x64xf32, #tpu.memory_space<vmem>>, vector<256x64xf32>
      tpu.vector_store %arg11[%swap3A_45, %swap3A_46], %add3A_44 {strides = array<i32>} : memref<256x64xf32, #tpu.memory_space<vmem>>, vector<256x64xf32>,
    } else {
    }
    %get3A = arith.constant 0 : index
    %get3A_2 = arith.constant 0 : index
    %get3A_3 = vector.load %arg11[%get3A, %get3A_2] : memref<256x64xf32, #tpu.memory_space<vmem>>, vector<256x64xf32>
    %get3A_4 = arith.constant 0 : index
    %get3A_5 = arith.constant 0 : index
    %get3A_6 = vector.load %arg9[%get3A_4, %get3A_5] : memref<2048x64xf32, #tpu.memory_space<vmem>>, vector<2048x64xf32>
    %dot_general3A = arith.constant dense<0.000000e+00> : vector<256x2048xf32>
    %dot_general3A_7 = tpu.matmul %get3A_3, %get3A_6, %dot_general3A {dimension_numbers = #tpu.dot_dimension_numbers<[1], [1], [0], [0], [0, 0, 1, 0], [], []>, transpose_lhs_hint = false} : vector<256x64xf32>, vector<2048x64xf32>, vector<256x2048xf32> -> vector<256x2048xf32>
    %swap3A = arith.constant 0 : index
    %swap3A_8 = arith.constant 0 : index
    %swap3A_9 = vector.load %arg10[%swap3A, %swap3A_8] : memref<256x2048xf32, #tpu.memory_space<vmem>>, vector<256x2048xf32>
    tpu.vector_store %arg10[%swap3A, %swap3A_8], %dot_general3A_7 {strides = array<i32>} : memref<256x2048xf32, #tpu.memory_space<vmem>>, vector<256x2048xf32>,
    return
  }
  func.func @transform_0(%arg0: i32) -> (i32, i32) {
    %c0_i32 = arith.constant 0 : i32
    %c0_i32_0 = arith.constant 0 : i32
    %c0_i32_1 = arith.constant 0 : i32
    return %c0_i32, %c0_i32_0 : i32, i32
  }
  func.func @transform_1(%arg0: i32) -> (i32, i32) {
    %c0_i32 = arith.constant 0 : i32
    %c0_i32_0 = arith.constant 0 : i32
    %c0_i32_1 = arith.constant 0 : i32
    return %c0_i32, %c0_i32_0 : i32, i32
  }
  func.func @transform_2(%arg0: i32) -> (i32, i32) {
    %c0_i32 = arith.constant 0 : i32
    %c0_i32_0 = arith.constant 0 : i32
    %c0_i32_1 = arith.constant 0 : i32
    return %c0_i32, %c0_i32_0 : i32, i32
  }
  func.func @transform_3(%arg0: i32) -> (i32, i32) {
    %c0_i32 = arith.constant 0 : i32
    %c0_i32_0 = arith.constant 0 : i32
    %c0_i32_1 = arith.constant 0 : i32
    return %c0_i32, %c0_i32_0 : i32, i32
  }
  func.func @transform_4(%arg0: i32) -> (i32, i32) {
    %c0_i32 = arith.constant 0 : i32
    %c0_i32_0 = arith.constant 0 : i32
    %c0_i32_1 = arith.constant 0 : i32
    return %c0_i32, %c0_i32_0 : i32, i32
  }
  func.func @transform_5(%arg0: i32) -> (i32, i32) {
    %c0_i32 = arith.constant 0 : i32
    %c0_i32_0 = arith.constant 0 : i32
    %c0_i32_1 = arith.constant 0 : i32
    return %c0_i32, %c0_i32_0 : i32, i32
  }
  func.func @transform_6(%arg0: i32) -> (i32, i32) {
    %c0_i32 = arith.constant 0 : i32
    %c0_i32_0 = arith.constant 0 : i32
    %c0_i32_1 = arith.constant 0 : i32
    return %c0_i32, %c0_i32_0 : i32, i32
  }
  func.func @transform_7(%arg0: i32) -> (i32, i32) {
    %c0_i32 = arith.constant 0 : i32
    %c0_i32_0 = arith.constant 0 : i32
    %c0_i32_1 = arith.constant 0 : i32
    return %c0_i32, %c0_i32_0 : i32, i32
  }
  func.func @transform_8(%arg0: i32) -> (i32, i32) {
    %c0_i32 = arith.constant 0 : i32
    %c0_i32_0 = arith.constant 0 : i32
    return %arg0, %c0_i32 : i32, i32
  }
  func.func @transform_9(%arg0: i32) -> (i32, i32) {
    %c0_i32 = arith.constant 0 : i32
    %c0_i32_0 = arith.constant 0 : i32
    return %c0_i32, %arg0 : i32, i32
  }
}

</mosaic_0001>

<sc_bundles>
// kernel: kernel.11.cloned.1.call-start
scs
__scs_entry_jumppad:
0x0: {  	(pc) =	sbr.rel $0x88, $3  }
0x1: {  	(tag) =	ssettag $0x0;
	lr =	simm.s32 $0x1  }
0x2: {  	[smem:$0x3F8E] =	sst lr;
	_ =	strace $0xD0000000  }
0x3: {  	_ = 	snop  }
0x4: {  	_ = 	snop  }
0x5: {  	_ = 	snop  }
0x6: {  	_ = 	snop  }
0x7: {  	_ = 	snop  }
__scs_overlays_trampoline_lowered:
0x8: {  	[smem:$0x3F9D] =	sst s0  }
0x9: {  	[smem:$0x3F9E] =	sst s1  }
0xa: {  	[smem:$0x3F9F] =	sst s2  }
0xb: {  	[smem:$0x3FA0] =	sst s3  }
0xc: {  	[smem:$0x3FA1] =	sst s4  }
0xd: {  	[smem:$0x3FA2] =	sst s5  }
0xe: {  	[smem:$0x3FA3] =	sst s6  }
0xf: {  	[smem:$0x3FA4] =	sst s7  }
0x10: {  	[smem:$0x3FA5] =	sst s8  }
0x11: {  	[smem:$0x3FA6] =	sst s9;
	s0 =	simm.s32 @!p0 $0x0  }
0x12: {  	s1 =	sld [smem:$0x3F8C];
	s0 =	simm.s32 @p0 $0x1  }
0x13: {  	[smem:$0x3FA7] =	sst s0;
	s0 =	simm.s32 @!p1 $0x0  }
0x14: {  	s2 =	sld [smem:$0x3F8B];
	s0 =	simm.s32 @p1 $0x1  }
0x15: {  	[smem:$0x3FA8] =	sst s0;
	s0 =	simm.s32 @!p2 $0x0  }
0x16: {  	s3 =	sld [smem:$0x3FDB];
	s0 =	simm.s32 @p2 $0x1  }
0x17: {  	s4 =	simm.s32 $0x1BF5;
	[smem:$0x3FAA] =	sst s0  }
0x18: {  	s0 =	sld [smem:$0x3F8D];
	_ =	swait.ge [sflag:s4], $0x0  }
0x19: {  	s7 =	sld [smem:$0x3F8E]  }
0x1a: {  	s8 =	sadd.s32 $0xFFFFE003, lr  }
0x1b: {  	s9 =	sadd.s32 $0xFFFFFEF7, lr;
	s5 =	simm.s32 $0xFFFFFFFF;
	p2 =	slt.u32 s8, $0xFFFFF086  }
0x1c: {  	p1 =	slt.u32 s9, $0xF7A;
	s5 =	simm.s32 @!p2 $0x0  }
0x1d: {  	s5 =	simm.s32 @p1 $0x1;
	p0 =	seq.s32 s7, s2  }
0x1e: {  	s7 =	smul.u32 @!p0 $0xF7A, s2;
	p2 =	seq.s32 @!p0 s5, $0x0  }
0x1f: {  	s9 =	smul.u32 $0xF7A, s1;
	s8 =	simm.s32 @!p0 $0x1BF5;
	p2 =	por !p2, p0  }
0x20: {  	[sflag:s8] =	ssyncset.s32 @!p0 $0xFFFFF086;
	s6 =	sadd.s32 @!p0 s3, s7;
	s7 =	simm.s32 @!p0 $0x108  }
0x21: {  	s3 =	sadd.s32 s3, s9;
	s6 =	sadd.s32 @!p0 $0x88, s6;
	s7 =	simm.s32 @p2 $0x1082  }
0x22: {  	[simem:s7], [sflag:s8] =	dma.local @!p0 [hbm:s6], $0xF7A  }
0x23: {  	s9 =	sor.u32 $0xD0000000, s2;
	s6 =	simm.s32 $0x108;
	_ =	swait.ge @!p0 [sflag:s8], $0x0  }
0x24: {  	s3 =	sadd.s32 $0x88, s3;
	s6 =	simm.s32 @!p1 $0x1082;
	[sflag:s4] =	ssyncset.s32 $0xFFFFF086  }
0x25: {  	[simem:s6], [sflag:s4] =	dma.local [hbm:s3], $0xF7A  }
0x26: {  	[smem:$0x3F8E] =	sst s1;
	(tag) =	ssettag s2;
	_ =	strace s9  }
0x27: {  	s1 =	sld [smem:$0x3F9E]  }
0x28: {  	s2 =	sld [smem:$0x3F9F]  }
0x29: {  	s4 =	sld [smem:$0x3FA1]  }
0x2a: {  	p0 =	seq.s32 s5, $0x0;
	s5 =	sld [smem:$0x3FA2]  }
0x2b: {  	s6 =	sld [smem:$0x3FA3]  }
0x2c: {  	s7 =	sld [smem:$0x3FA4]  }
0x2d: {  	s3 =	simm.s32 $0x108;
	s8 =	sld [smem:$0x3FA5]  }
0x2e: {  	s3 =	simm.s32 @!p0 $0x1082;
	s9 =	sld [smem:$0x3FA6]  }
0x2f: {  	lr =	sadd.s32 s0, s3;
	s0 =	sld [smem:$0x3F9D]  }
0x30: {  	s3 =	sld [smem:$0x3FA0]  }
0x31: {  	[smem:$0x3FA9] =	sst s10  }
0x32: {  	s10 =	sld [smem:$0x3FA7];
	_ =	sdelay $0x3  }
0x33: {  	p0 =	seq.s32 s10, $0x1;
	s10 =	sld [smem:$0x3FA9];
	_ =	sdelay $0x3  }
0x34: {  	[smem:$0x3FA9] =	sst s10  }
0x35: {  	s10 =	sld [smem:$0x3FA8];
	_ =	sdelay $0x3  }
0x36: {  	p1 =	seq.s32 s10, $0x1;
	s10 =	sld [smem:$0x3FA9];
	_ =	sdelay $0x3  }
0x37: {  	[smem:$0x3FA9] =	sst s10  }
0x38: {  	s10 =	sld [smem:$0x3FAA]  }
0x39: {  	_ = 	snop;
	(pc) =	sbr.ind lr, $3  }
0x3a: {  	_ = 	snop  }
0x3b: {  	_ = 	snop  }
0x3c: {  	p2 =	seq.s32 s10, $0x1;
	s10 =	sld [smem:$0x3FA9]  }
0x3d: {  	_ =	shalt  }
0x3e: {  	_ =	shalt  }
0x3f: {  	_ =	shalt  }
0x40: {  	_ =	shalt  }
0x41: {  	_ =	shalt  }
0x42: {  	_ =	shalt  }
0x43: {  	_ =	shalt  }
0x44: {  	_ =	shalt  }
0x45: {  	_ =	shalt  }
0x46: {  	_ =	shalt  }
0x47: {  	_ =	shalt  }
0x48: {  	_ =	shalt  }
0x49: {  	_ =	shalt  }
0x4a: {  	_ =	shalt  }
0x4b: {  	_ =	shalt  }
0x4c: {  	_ =	shalt  }
0x4d: {  	_ =	shalt  }
0x4e: {  	_ =	shalt  }
0x4f: {  	_ =	shalt  }
0x50: {  	_ =	shalt  }
0x51: {  	_ =	shalt  }
0x52: {  	_ =	shalt  }
0x53: {  	_ =	shalt  }
0x54: {  	_ =	shalt  }
0x55: {  	_ =	shalt  }
0x56: {  	_ =	shalt  }
0x57: {  	_ =	shalt  }
0x58: {  	_ =	shalt  }
0x59: {  	_ =	shalt  }
0x5a: {  	_ =	shalt  }
0x5b: {  	_ =	shalt  }
0x5c: {  	_ =	shalt  }
0x5d: {  	_ =	shalt  }
0x5e: {  	_ =	shalt  }
0x5f: {  	_ =	shalt  }
0x60: {  	_ =	shalt  }
0x61: {  	_ =	shalt  }
0x62: {  	_ =	shalt  }
0x63: {  	_ =	shalt  }
0x64: {  	_ =	shalt  }
0x65: {  	_ =	shalt  }
0x66: {  	_ =	shalt  }
0x67: {  	_ =	shalt  }
0x68: {  	_ =	shalt  }
0x69: {  	_ =	shalt  }
0x6a: {  	_ =	shalt  }
0x6b: {  	_ =	shalt  }
0x6c: {  	_ =	shalt  }
0x6d: {  	_ =	shalt  }
0x6e: {  	_ =	shalt  }
0x6f: {  	_ =	shalt  }
0x70: {  	_ =	shalt  }
0x71: {  	_ =	shalt  }
0x72: {  	_ =	shalt  }
0x73: {  	_ =	shalt  }
0x74: {  	_ =	shalt  }
0x75: {  	_ =	shalt  }
0x76: {  	_ =	shalt  }
0x77: {  	_ =	shalt  }
0x78: {  	_ =	shalt  }
0x79: {  	_ =	shalt  }
0x7a: {  	_ =	shalt  }
0x7b: {  	_ =	shalt  }
0x7c: {  	_ =	shalt  }
0x7d: {  	_ =	shalt  }
0x7e: {  	_ =	shalt  }
0x7f: {  	_ =	shalt  }
0x80: {  	_ =	shalt  }
0x81: {  	_ =	shalt  }
0x82: {  	_ =	shalt  }
0x83: {  	_ =	shalt  }
0x84: {  	_ =	shalt  }
0x85: {  	_ =	shalt  }
0x86: {  	_ =	shalt  }
0x87: {  	_ =	shalt  }
.Lfunc_end0:
.L_simem_size_0:
called_computation.1_lowered:
.L_overlay_start_0:
0x88: {  	s2 =	sld [smem:$0x3FD9]  }
0x89: {  	s3 =	sld [smem:$0x3FFE];
	_ =	sdelay $0x1  }
0x8a: {  	s1 =	srdreg.scid  }
0x8b: {  	s0 =	sand.u32 $0x1, s1  }
0x8c: {  	s16 =	sshll.u32 s0, $0xA;
	s2 =	sadd.s32 s3, s2  }
0x8d: {  	s2 =	sadd.s32 s2, s16  }
0x8e: {  	[smem:$0x3FB5] =	sst s2  }
0x8f: {  	_ = 	snop  }
0x90: {  	(tm) =	ssettm $0x1  }
0x91: {  	s17 =	sld [smem:$0x3FFB];
	_ =	sdelay $0x3  }
0x92: {  	_ =	strace s17  }
0x93: {  	s2 =	sld [smem:$0x3FFC];
	_ =	sdelay $0x3  }
0x94: {  	_ =	strace s2  }
0x95: {  	s2 =	sld [smem:$0x3FFD];
	_ =	sdelay $0x3  }
0x96: {  	_ =	strace s2  }
0x97: {  	_ =	strace $0x8FFFFFFF  }
0x98: {  	s18 =	sld [smem:$0x3FDB];
	_ =	sdelay $0x1  }
0x99: {  	s19 =	simm.s32 $_scs_section_size  }
0x9a: {  	s4 =	simm.s32 $_size__tile_overlayer_lowered;
	s5 =	simm.s32 $_tile_overlayer_lowered  }
0x9b: {  	s22 =	simm.s32 $0x1BFF;
	s21 =	sshll.u32 s5, $0x1;
	s2 =	sadd.s32 s19, s18  }
0x9c: {  	s6 =	simm.s32 $0x0;
	s20 =	sshll.u32 s4, $0x1;
	s4 =	sadd.s32 s21, s2  }
0x9d: {  	[timem:s6], [sflag:s22] =	dma.local [hbm:s4], s20  }
0x9e: {  	_ =	swait.ge [sflag:s22], s20  }
0x9f: {  	s3 =	ssub.s32 $0x0, s20;
	[sflag:s22] =	ssyncset.done $0x0  }
0xa0: {  	[sflag:s22] =	ssyncadd.s32 s3;
	_ =	sdelay $0x1  }
0xa1: {  	s23 =	simm.s32 $0x1B8B  }
0xa2: {  	_ =	swait.ge [sflag:s23], $0x1  }
0xa3: {  	[sflag:s23] =	ssyncset.done $0x0  }
0xa4: {  	s25 =	simm.s32 $0x1B8E;
	s24 =	sld [smem:$0x3FFE];
	[sflag:s23] =	ssyncadd.s32 $0xFFFFFFFF  }
0xa5: {  	s26 =	simm.s32 $execute0_lowered;
	[smem:$0x3FD2] =	sst s25  }
0xa6: {  	s4 =	sshll.u32 s26, $0x1;
	_ =	strace $0x80000049;
	[dreg:$0x1] =	wrdreg $0xFFFFFFFF  }
0xa7: {  	s28 =	simm.s32 $_size_execute0_lowered;
	s2 =	sadd.s32 s2, s4;
	[dreg:$0x0] =	wrdreg $0x0  }
0xa8: {  	s4 =	sshll.u32 s28, $0x1;
	[dreg:$0x2] =	wrdreg s2  }
0xa9: {  	[dreg:$0x3] =	wrdreg s4  }
0xaa: {  	[dreg:$0x4] =	wrdreg $0xC0  }
0xab: {  	_ =	task [dreg:s6], $0x5FFFF  }
0xac: {  	[dreg:$0x1] =	wrdreg $0xFFFFFFFF  }
0xad: {  	[dreg:$0x0] =	wrdreg $0x60  }
0xae: {  	[dreg:$0x2] =	wrdreg s24  }
0xaf: {  	[dreg:$0x3] =	wrdreg $0x101800  }
0xb0: {  	[dreg:$0x4] =	wrdreg $0x9  }
0xb1: {  	_ =	task.clear_ibuf [dreg:s6], $0x5FFFF;
	_ =	strace $0x90000049  }
0xb2: {  	s29 =	simm.s32 $0x9;
	_ =	strace $0x8000004B  }
0xb3: {  	_ =	swait.ge [sflag:s29], $0x1  }
0xb4: {  	[sflag:s29] =	ssyncadd.s32 $0xFFFFFFFF  }
0xb5: {  	_ =	strace $0x9000004B  }
0xb6: {  	_ =	sfence  }
0xb7: {  	s30 =	sld [smem:$0x0];
	_ =	sdelay $0x2  }
0xb8: {  	s31 =	sshll.u32 s1, $0xD;
	s1 =	sshrl.u32 s1, $0x2  }
0xb9: {  	s3 =	sand.u32 $0x4000, s31;
	s1 =	sadd.s32 s1, s30  }
0xba: {  	s0 =	sor.u32 s3, s0;
	s1 =	sshll.u32 s1, $0x11  }
0xbb: {  	s0 =	sor.u32 s1, s0  }
0xbc: {  	s0 =	sadd.s32 $0x8F2B, s0  }
0xbd: {  	[sflag:s0] =	ssyncadd.remote.s32 $0x1  }
0xbe: {  	_ =	sfence.sel $0xFFFF  }
0xbf: {  	[dreg:$0x0] =	wrdreg $0xFFFFFFFF;
	(pc) =	sbr.abs _section_cstart, $3  }
0xc0: {  	[dreg:$0x1] =	wrdreg $0xFFFFFFFF  }
0xc1: {  	_ =	task.clear_ibuf [dreg:s6], $0x2FFFF;
	_ =	strace $0x9FFFFFFF  }
0xc2: {  	(tm) =	ssettm $0x7FFFFFFF  }
0xc3: {  	_ =	shalt  }
tec
execute0_lowered:
.L_overlay_start_1:
0x0: {  	(tag) =	ssettag $0x1  }
0x1: {  	s0 =	srdreg.scid;
	s5 =	rddreg [dreg:$0x0]  }
0x2: {  	s2 =	rddreg [dreg:$0x1];
	s3 =	simm.s32 $0x0;
	s13 =	simm.s32 $0x80  }
0x3: {  	s14 =	simm.s32 $0x400;
	s15 =	simm.s32 $0x4F00;
	s16 =	simm.s32 $0xF180  }
0x4: {  	s17 =	simm.s32 $0x4;
	s18 =	simm.s32 $0x1;
	s19 =	simm.s32 $0x0  }
0x5: {  	s8 =	sand.u32 $0x1, s0;
	s0 =	stileid.u32;
	[smem:$0x7FF] =	sst s3  }
0x6: {  	s1 =	sshll.u32 s8, $0x4;
	s7 =	sshll.u32 s0, $0x7;
	_ =	strace $0x8000004A  }
0x7: {  	s28 =	ssub.s32 $0x2, s8;
	s29 =	sshll.u32 s0, $0x8;
	s8 =	sshll.u32 s8, $0xC  }
0x8: {  	s30 =	sshll.u32 s0, $0xC;
	s31 =	sshll.u32 s0, $0xB;
	s4 =	sor.u32 s0, s1  }
0x9: {  	s7 =	sand.u32 $0x380, s7;
	s6 =	sshrl.u32 s4, $0x3;
	s9 =	smul.u32 $0x4E2, s4  }
0xa: {  	s11 =	sshrl.u32 s28, $0x1;
	s12 =	sadd.s32 s29, s5;
	s6 =	smul.u32 $0x1400, s6  }
0xb: {  	s4 =	sadd.s32 $0x17A00, s5;
	s11 =	ssub.s32 s28, s11;
	s12 =	sadd.s32 s8, s12  }
0xc: {  	s8 =	sadd.s32 s30, s2;
	s11 =	smax.u32 s11, $0x1;
	s6 =	sor.u32 s7, s6  }
0xd: {  	v5 =	vlaneseq.u32;
	s26 =	sadd.s32 s9, s5;
	s9 =	sadd.s32 s31, s2;
	s6 =	sshrl.u32 s6, $0x3  }
0xe: {  	v0 =	vimm.f32 $0.0e+00;
	v1 =	vimm.s32 $0x0;
	v2 =	vor.u32 $0x100, v5;
	s10 =	sadd.s32 s6, s5;
	s5 =	sadd.s32 $0xDC00, s26;
	s6 =	sadd.s32 $0x3F600, s26  }
0xf: {  	v3 =	vor.u32 $0x110, v5;
	v4 =	vor.u32 $0x120, v5;
	v5 =	vor.u32 $0x130, v5;
	s7 =	sadd.s32 $0x3EC00, s10;
	s10 =	sadd.s32 $0x3E00, s12;
	s12 =	simm.s32 $0x2780  }
.LBB2_1:
0x10: {  	[tilespmem:s3], [sflag:$0x1] =	stream.linear.gather [hbm4b:s5+s3], $0x2710, $0x38;
	[tilespmem:$0x11180] =	vst v63  }
0x11: {  	_ = 	snop  }
0x12: {  	[tilespmem:s12], [sflag:$0x1] =	stream.linear.gather [hbm4b:s6+s3], $0x2710, $0x38;
	[tilespmem:$0x11180] =	vst v63  }
0x13: {  	s20 =	simm.s32 $0x0;
	s21 =	simm.s32 $0x200  }
0x14: {  	[tilespmem:s15], [sflag:$0x1] =	stream.strided.gather [hbm4b:s7+s13], $0x280, s14, s13, $0x38;
	[tilespmem:$0x11180] =	vst v63  }
.LBB2_2:
0x15: {  	p0 =	sne.s32 s21, $0x3E00;
	[tilespmem:s20+$0xF1F0] =	vst v0  }
0x16: {  	[tilespmem:s20+$0xF180] =	vst v0  }
0x17: {  	[tilespmem:s20+$0xF190] =	vst v0  }
.Ltmp0:
0x18: {  	[tilespmem:s20+$0xF1A0] =	vst v0;
	(pc) =	sbr.rel @p0 .LBB2_2-.Ltmp0, $4  }
0x19: {  	[tilespmem:s20+$0xF1B0] =	vst v0  }
0x1a: {  	[tilespmem:s20+$0xF1C0] =	vst v0  }
0x1b: {  	[tilespmem:s20+$0xF1D0] =	vst v0  }
0x1c: {  	[tilespmem:s20+$0xF1E0] =	vst v0;
	s20 =	sshra.s32 s21, $0x2;
	s21 =	sadd.s32 $0x200, s21  }
0x1d: {  	[tilespmem:s20+$0xF1F0] =	vst v0  }
0x1e: {  	[tilespmem:s20+$0xF180] =	vst v0  }
0x1f: {  	[tilespmem:s20+$0xF190] =	vst v0  }
0x20: {  	[tilespmem:s20+$0xF1A0] =	vst v0  }
0x21: {  	[tilespmem:s20+$0xF1B0] =	vst v0  }
0x22: {  	[tilespmem:s20+$0xF1C0] =	vst v0  }
0x23: {  	[tilespmem:s20+$0xF1D0] =	vst v0  }
0x24: {  	[tilespmem:s20+$0xF1E0] =	vst v0  }
0x25: {  	[spmem:s8] =	stream.linear.scatter [tilespmem:s16], [sflag:$0x4], $0x1000, $0x38;
	[tilespmem:$0x11180] =	vst v63  }
0x26: {  	_ =	swait.ge [sflag:s17], $0x1000  }
0x27: {  	[sflag:s17] =	ssyncset.done $0x0  }
0x28: {  	[sflag:s17] =	ssyncadd.s32 $0xFFFFF000  }
0x29: {  	_ =	swait.ge [sflag:s18], $0x2710  }
0x2a: {  	[sflag:s18] =	ssyncset.done $0x0  }
0x2b: {  	[sflag:s18] =	ssyncadd.s32 $0xFFFFD8F0  }
0x2c: {  	_ =	swait.ge [sflag:s18], $0x2710  }
0x2d: {  	[sflag:s18] =	ssyncset.done $0x0  }
0x2e: {  	[sflag:s18] =	ssyncadd.s32 $0xFFFFD8F0  }
0x2f: {  	_ =	swait.ge [sflag:s18], $0x280  }
0x30: {  	[sflag:s18] =	ssyncset.done $0x0  }
0x31: {  	s20 =	simm.s32 $0x4F00;
	[sflag:s18] =	ssyncadd.s32 $0xFFFFFD80  }
0x32: {  	v6 =	vld [tilespmem:s20+$0x0];
	_ =	sdelay $0x4  }
0x33: {  	(v2sf) =	vpush v6, $0x0;
	_ =	sdelay $0x9  }
0x34: {  	s22 =	simm.s32 $0x0  }
0x35: {  	v7 =	vld [tilespmem:s22+$0x0]  }
0x36: {  	(v2sf) =	vpush v6, $0x1;
	_ =	sdelay $0x2  }
0x37: {  	s21 =	spop (v2sf)  }
0x38: {  	[tilespmem:s21+$0x5180] =	vst v7  }
0x39: {  	v7 =	vld [tilespmem:s22+$0x2780];
	_ =	sdelay $0x4  }
0x3a: {  	[tilespmem:s21+$0x7900] =	vst v7  }
0x3b: {  	v7 =	vld [tilespmem:s22+$0x10]  }
0x3c: {  	(v2sf) =	vpush v6, $0x2;
	_ =	sdelay $0x2  }
0x3d: {  	s26 =	spop (v2sf)  }
0x3e: {  	[tilespmem:s26+$0x5180] =	vst v7  }
0x3f: {  	v7 =	vld [tilespmem:s22+$0x2790];
	_ =	sdelay $0x4  }
0x40: {  	[tilespmem:s26+$0x7900] =	vst v7  }
0x41: {  	v7 =	vld [tilespmem:s22+$0x20]  }
0x42: {  	(v2sf) =	vpush v6, $0x3;
	_ =	sdelay $0x2  }
0x43: {  	s28 =	spop (v2sf)  }
0x44: {  	[tilespmem:s28+$0x5180] =	vst v7  }
0x45: {  	v7 =	vld [tilespmem:s22+$0x27A0];
	_ =	sdelay $0x4  }
0x46: {  	[tilespmem:s28+$0x7900] =	vst v7  }
0x47: {  	v7 =	vld [tilespmem:s22+$0x30]  }
0x48: {  	(v2sf) =	vpush v6, $0x4;
	_ =	sdelay $0x2  }
0x49: {  	s29 =	spop (v2sf)  }
0x4a: {  	[tilespmem:s29+$0x5180] =	vst v7  }
0x4b: {  	v7 =	vld [tilespmem:s22+$0x27B0];
	_ =	sdelay $0x4  }
0x4c: {  	[tilespmem:s29+$0x7900] =	vst v7  }
0x4d: {  	v7 =	vld [tilespmem:s22+$0x40]  }
0x4e: {  	(v2sf) =	vpush v6, $0x5;
	_ =	sdelay $0x2  }
0x4f: {  	s30 =	spop (v2sf)  }
0x50: {  	[tilespmem:s30+$0x5180] =	vst v7  }
0x51: {  	v7 =	vld [tilespmem:s22+$0x27C0];
	_ =	sdelay $0x4  }
0x52: {  	[tilespmem:s30+$0x7900] =	vst v7  }
0x53: {  	v7 =	vld [tilespmem:s22+$0x50]  }
0x54: {  	(v2sf) =	vpush v6, $0x6;
	_ =	sdelay $0x2  }
0x55: {  	s31 =	spop (v2sf)  }
0x56: {  	[tilespmem:s31+$0x5180] =	vst v7  }
0x57: {  	v7 =	vld [tilespmem:s22+$0x27D0];
	_ =	sdelay $0x4  }
0x58: {  	[tilespmem:s31+$0x7900] =	vst v7  }
0x59: {  	v7 =	vld [tilespmem:s22+$0x60]  }
0x5a: {  	(v2sf) =	vpush v6, $0x7;
	_ =	sdelay $0x2  }
0x5b: {  	s1 =	spop (v2sf)  }
0x5c: {  	[tilespmem:s1+$0x5180] =	vst v7  }
0x5d: {  	v7 =	vld [tilespmem:s22+$0x27E0];
	_ =	sdelay $0x4  }
0x5e: {  	[tilespmem:s1+$0x7900] =	vst v7  }
0x5f: {  	v7 =	vld [tilespmem:s22+$0x70]  }
0x60: {  	(v2sf) =	vpush v6, $0x8;
	_ =	sdelay $0x2  }
0x61: {  	s23 =	spop (v2sf)  }
0x62: {  	[tilespmem:s23+$0x5180] =	vst v7  }
0x63: {  	v7 =	vld [tilespmem:s22+$0x27F0];
	_ =	sdelay $0x4  }
0x64: {  	[tilespmem:s23+$0x7900] =	vst v7  }
0x65: {  	v7 =	vld [tilespmem:s22+$0x80]  }
0x66: {  	(v2sf) =	vpush v6, $0x9;
	_ =	sdelay $0x2  }
0x67: {  	s24 =	spop (v2sf)  }
0x68: {  	[tilespmem:s24+$0x5180] =	vst v7  }
0x69: {  	v7 =	vld [tilespmem:s22+$0x2800];
	_ =	sdelay $0x4  }
0x6a: {  	[tilespmem:s24+$0x7900] =	vst v7  }
0x6b: {  	v7 =	vld [tilespmem:s22+$0x90]  }
0x6c: {  	(v2sf) =	vpush v6, $0xA;
	_ =	sdelay $0x2  }
0x6d: {  	s25 =	spop (v2sf)  }
0x6e: {  	[tilespmem:s25+$0x5180] =	vst v7  }
0x6f: {  	v7 =	vld [tilespmem:s22+$0x2810];
	_ =	sdelay $0x4  }
0x70: {  	[tilespmem:s25+$0x7900] =	vst v7  }
0x71: {  	v7 =	vld [tilespmem:s22+$0xA0]  }
0x72: {  	(v2sf) =	vpush v6, $0xB;
	_ =	sdelay $0x2  }
0x73: {  	s26 =	spop (v2sf)  }
0x74: {  	[tilespmem:s26+$0x5180] =	vst v7  }
0x75: {  	v7 =	vld [tilespmem:s22+$0x2820];
	_ =	sdelay $0x4  }
0x76: {  	[tilespmem:s26+$0x7900] =	vst v7  }
0x77: {  	v7 =	vld [tilespmem:s22+$0xB0]  }
0x78: {  	(v2sf) =	vpush v6, $0xC;
	_ =	sdelay $0x2  }
0x79: {  	s28 =	spop (v2sf)  }
0x7a: {  	[tilespmem:s28+$0x5180] =	vst v7  }
0x7b: {  	v7 =	vld [tilespmem:s22+$0x2830];
	_ =	sdelay $0x4  }
0x7c: {  	[tilespmem:s28+$0x7900] =	vst v7  }
0x7d: {  	v7 =	vld [tilespmem:s22+$0xC0]  }
0x7e: {  	(v2sf) =	vpush v6, $0xD;
	_ =	sdelay $0x2  }
0x7f: {  	s29 =	spop (v2sf)  }
0x80: {  	[tilespmem:s29+$0x5180] =	vst v7  }
0x81: {  	v7 =	vld [tilespmem:s22+$0x2840];
	_ =	sdelay $0x4  }
0x82: {  	[tilespmem:s29+$0x7900] =	vst v7  }
0x83: {  	v7 =	vld [tilespmem:s22+$0xD0]  }
0x84: {  	(v2sf) =	vpush v6, $0xE;
	_ =	sdelay $0x2  }
0x85: {  	s30 =	spop (v2sf)  }
0x86: {  	[tilespmem:s30+$0x5180] =	vst v7  }
0x87: {  	v7 =	vld [tilespmem:s22+$0x2850];
	_ =	sdelay $0x4  }
0x88: {  	[tilespmem:s30+$0x7900] =	vst v7  }
0x89: {  	v7 =	vld [tilespmem:s22+$0xE0]  }
0x8a: {  	(v2sf) =	vpush v6, $0xF;
	_ =	sdelay $0x2  }
0x8b: {  	s31 =	spop (v2sf)  }
0x8c: {  	[tilespmem:s31+$0x5180] =	vst v7  }
0x8d: {  	v6 =	vld [tilespmem:s22+$0x2860];
	_ =	sdelay $0x4  }
0x8e: {  	[tilespmem:s31+$0x7900] =	vst v6  }
0x8f: {  	v6 =	vld [tilespmem:s22+$0xF0];
	_ =	sdelay $0x3  }
0x90: {  	s23 =	spop (v2sf)  }
0x91: {  	[tilespmem:s23+$0x5180] =	vst v6  }
0x92: {  	s21 =	simm.s32 $0x400;
	v6 =	vld [tilespmem:s22+$0x2870]  }
.LBB2_4:
0x93: {  	_ =	sdelay $0x2  }
0x94: {  	p0 =	sne.s32 s21, $0x9800  }
0x95: {  	s20 =	sadd.s32 $0x10, s20;
	s22 =	smov.u32 s21;
	s21 =	sadd.s32 $0x400, s21;
	[tilespmem:s23+$0x7900] =	vst v6  }
0x96: {  	v6 =	vld [tilespmem:s20+$0x0];
	_ =	sdelay $0x4  }
0x97: {  	(v2sf) =	vpush v6, $0x0;
	_ =	sdelay $0x9  }
0x98: {  	s22 =	sshra.s32 s22, $0x2  }
0x99: {  	v7 =	vld [tilespmem:s22+$0x0]  }
0x9a: {  	(v2sf) =	vpush v6, $0x1;
	_ =	sdelay $0x2  }
0x9b: {  	s23 =	spop (v2sf)  }
0x9c: {  	[tilespmem:s23+$0x5180] =	vst v7  }
0x9d: {  	v7 =	vld [tilespmem:s22+$0x2780];
	_ =	sdelay $0x4  }
0x9e: {  	[tilespmem:s23+$0x7900] =	vst v7  }
0x9f: {  	v7 =	vld [tilespmem:s22+$0x10]  }
0xa0: {  	(v2sf) =	vpush v6, $0x2;
	_ =	sdelay $0x2  }
0xa1: {  	s23 =	spop (v2sf)  }
0xa2: {  	[tilespmem:s23+$0x5180] =	vst v7  }
0xa3: {  	v7 =	vld [tilespmem:s22+$0x2790];
	_ =	sdelay $0x4  }
0xa4: {  	[tilespmem:s23+$0x7900] =	vst v7  }
0xa5: {  	v7 =	vld [tilespmem:s22+$0x20]  }
0xa6: {  	(v2sf) =	vpush v6, $0x3;
	_ =	sdelay $0x2  }
0xa7: {  	s23 =	spop (v2sf)  }
0xa8: {  	[tilespmem:s23+$0x5180] =	vst v7  }
0xa9: {  	v7 =	vld [tilespmem:s22+$0x27A0];
	_ =	sdelay $0x4  }
0xaa: {  	[tilespmem:s23+$0x7900] =	vst v7  }
0xab: {  	v7 =	vld [tilespmem:s22+$0x30]  }
0xac: {  	(v2sf) =	vpush v6, $0x4;
	_ =	sdelay $0x2  }
0xad: {  	s23 =	spop (v2sf)  }
0xae: {  	[tilespmem:s23+$0x5180] =	vst v7  }
0xaf: {  	v7 =	vld [tilespmem:s22+$0x27B0];
	_ =	sdelay $0x4  }
0xb0: {  	[tilespmem:s23+$0x7900] =	vst v7  }
0xb1: {  	v7 =	vld [tilespmem:s22+$0x40]  }
0xb2: {  	(v2sf) =	vpush v6, $0x5;
	_ =	sdelay $0x2  }
0xb3: {  	s23 =	spop (v2sf)  }
0xb4: {  	[tilespmem:s23+$0x5180] =	vst v7  }
0xb5: {  	v7 =	vld [tilespmem:s22+$0x27C0];
	_ =	sdelay $0x4  }
0xb6: {  	[tilespmem:s23+$0x7900] =	vst v7  }
0xb7: {  	v7 =	vld [tilespmem:s22+$0x50]  }
0xb8: {  	(v2sf) =	vpush v6, $0x6;
	_ =	sdelay $0x2  }
0xb9: {  	s23 =	spop (v2sf)  }
0xba: {  	[tilespmem:s23+$0x5180] =	vst v7  }
0xbb: {  	v7 =	vld [tilespmem:s22+$0x27D0];
	_ =	sdelay $0x4  }
0xbc: {  	[tilespmem:s23+$0x7900] =	vst v7  }
0xbd: {  	v7 =	vld [tilespmem:s22+$0x60]  }
0xbe: {  	(v2sf) =	vpush v6, $0x7;
	_ =	sdelay $0x2  }
0xbf: {  	s23 =	spop (v2sf)  }
0xc0: {  	[tilespmem:s23+$0x5180] =	vst v7  }
0xc1: {  	v7 =	vld [tilespmem:s22+$0x27E0];
	_ =	sdelay $0x4  }
0xc2: {  	[tilespmem:s23+$0x7900] =	vst v7  }
0xc3: {  	v7 =	vld [tilespmem:s22+$0x70]  }
0xc4: {  	(v2sf) =	vpush v6, $0x8;
	_ =	sdelay $0x2  }
0xc5: {  	s23 =	spop (v2sf)  }
0xc6: {  	[tilespmem:s23+$0x5180] =	vst v7  }
0xc7: {  	v7 =	vld [tilespmem:s22+$0x27F0];
	_ =	sdelay $0x4  }
0xc8: {  	[tilespmem:s23+$0x7900] =	vst v7  }
0xc9: {  	v7 =	vld [tilespmem:s22+$0x80]  }
0xca: {  	(v2sf) =	vpush v6, $0x9;
	_ =	sdelay $0x2  }
0xcb: {  	s23 =	spop (v2sf)  }
0xcc: {  	[tilespmem:s23+$0x5180] =	vst v7  }
0xcd: {  	v7 =	vld [tilespmem:s22+$0x2800];
	_ =	sdelay $0x4  }
0xce: {  	[tilespmem:s23+$0x7900] =	vst v7  }
0xcf: {  	v7 =	vld [tilespmem:s22+$0x90]  }
0xd0: {  	(v2sf) =	vpush v6, $0xA;
	_ =	sdelay $0x2  }
0xd1: {  	s23 =	spop (v2sf)  }
0xd2: {  	[tilespmem:s23+$0x5180] =	vst v7  }
0xd3: {  	v7 =	vld [tilespmem:s22+$0x2810];
	_ =	sdelay $0x4  }
0xd4: {  	[tilespmem:s23+$0x7900] =	vst v7  }
0xd5: {  	v7 =	vld [tilespmem:s22+$0xA0]  }
0xd6: {  	(v2sf) =	vpush v6, $0xB;
	_ =	sdelay $0x2  }
0xd7: {  	s23 =	spop (v2sf)  }
0xd8: {  	[tilespmem:s23+$0x5180] =	vst v7  }
0xd9: {  	v7 =	vld [tilespmem:s22+$0x2820];
	_ =	sdelay $0x4  }
0xda: {  	[tilespmem:s23+$0x7900] =	vst v7  }
0xdb: {  	v7 =	vld [tilespmem:s22+$0xB0]  }
0xdc: {  	(v2sf) =	vpush v6, $0xC;
	_ =	sdelay $0x2  }
0xdd: {  	s23 =	spop (v2sf)  }
0xde: {  	[tilespmem:s23+$0x5180] =	vst v7  }
0xdf: {  	v7 =	vld [tilespmem:s22+$0x2830];
	_ =	sdelay $0x4  }
0xe0: {  	[tilespmem:s23+$0x7900] =	vst v7  }
0xe1: {  	v7 =	vld [tilespmem:s22+$0xC0]  }
0xe2: {  	(v2sf) =	vpush v6, $0xD;
	_ =	sdelay $0x2  }
0xe3: {  	s23 =	spop (v2sf)  }
0xe4: {  	[tilespmem:s23+$0x5180] =	vst v7  }
0xe5: {  	v7 =	vld [tilespmem:s22+$0x2840];
	_ =	sdelay $0x4  }
0xe6: {  	[tilespmem:s23+$0x7900] =	vst v7  }
0xe7: {  	v7 =	vld [tilespmem:s22+$0xD0]  }
0xe8: {  	(v2sf) =	vpush v6, $0xE;
	_ =	sdelay $0x2  }
0xe9: {  	s23 =	spop (v2sf)  }
0xea: {  	[tilespmem:s23+$0x5180] =	vst v7  }
0xeb: {  	v7 =	vld [tilespmem:s22+$0x2850];
	_ =	sdelay $0x4  }
0xec: {  	[tilespmem:s23+$0x7900] =	vst v7  }
0xed: {  	v7 =	vld [tilespmem:s22+$0xE0]  }
0xee: {  	(v2sf) =	vpush v6, $0xF;
	_ =	sdelay $0x2  }
0xef: {  	s23 =	spop (v2sf)  }
0xf0: {  	[tilespmem:s23+$0x5180] =	vst v7  }
0xf1: {  	v6 =	vld [tilespmem:s22+$0x2860];
	_ =	sdelay $0x4  }
0xf2: {  	[tilespmem:s23+$0x7900] =	vst v6  }
0xf3: {  	v6 =	vld [tilespmem:s22+$0xF0];
	_ =	sdelay $0x1  }
.Ltmp1:
0xf4: {  	(pc) =	sbr.rel @p0 .LBB2_4-.Ltmp1, $4  }
0xf5: {  	_ = 	snop  }
0xf6: {  	s23 =	spop (v2sf)  }
0xf7: {  	[tilespmem:s23+$0x5180] =	vst v6  }
0xf8: {  	v6 =	vld [tilespmem:s22+$0x2870]  }
0xf9: {  	_ =	sdelay $0x3  }
0xfa: {  	[tilespmem:s23+$0x7900] =	vst v6  }
0xfb: {  	v6 =	vld [tilespmem:$0x5170];
	_ =	sdelay $0x4  }
0xfc: {  	(v2sf) =	vpush v6, $0x0;
	_ =	sdelay $0x6  }
0xfd: {  	(v2sf) =	vpush v6, $0x1;
	_ =	sdelay $0x3  }
0xfe: {  	v6 =	vld [tilespmem:$0x2700];
	_ =	sdelay $0x3  }
0xff: {  	s20 =	spop (v2sf)  }
0x100: {  	[tilespmem:s20+$0x5180] =	vst v6  }
0x101: {  	v6 =	vld [tilespmem:$0x4E80];
	_ =	sdelay $0x4  }
0x102: {  	[tilespmem:s20+$0x7900] =	vst v6;
	s20 =	spop (v2sf)  }
0x103: {  	[tilespmem:s20+$0x5180] =	vst v1  }
0x104: {  	[tilespmem:s20+$0x7900] =	vst v2  }
0x105: {  	[tilespmem:s20+$0x5190] =	vst v1  }
0x106: {  	[tilespmem:s20+$0x7910] =	vst v3  }
0x107: {  	[tilespmem:s20+$0x51A0] =	vst v1  }
0x108: {  	[tilespmem:s20+$0x7920] =	vst v4;
	p0 =	slt.s32 s20, $0x1  }
0x109: {  	[tilespmem:s20+$0x51B0] =	vst v1;
	s21 =	simm.s32 @!p0 $0x50  }
0x10a: {  	[tilespmem:s20+$0x7930] =	vst v5;
	s22 =	simm.s32 @!p0 $0x5180;
	s23 =	simm.s32 @!p0 $0xA180;
	p1 =	slt.u32 @!p0 s20, $0x51  }
0x10b: {  	[tilespmem:s23], [sflag:$0x2] =	stream.indirect.gather @!p0 [hbm4b:s4+s21], $0x80, s22, s21, $0xb8;
	[tilespmem:$0x11180] =	vst v63  }
0x10c: {  	p0 =	por p1, p0  }
0x10d: {  	s21 =	simm.s32 @!p0 $0x50;
	s22 =	simm.s32 @!p0 $0x51D0;
	s23 =	simm.s32 @!p0 $0xC980  }
0x10e: {  	[tilespmem:s23], [sflag:$0x3] =	stream.indirect.gather @!p0 [hbm4b:s4+s21], $0x80, s22, s21, $0xb8;
	[tilespmem:$0x11180] =	vst v63  }
0x10f: {  	s21 =	simm.s32 $0x7950;
	p0 =	sle.s32 s20, $0x0;
	[bflag:$0x0] =	sbarrier.arrive $0xFFFF  }
0x110: {  	v6 =	vld @!p0 [tilespmem:s21+$0xFFFFFFB0];
	_ =	sdelay $0x4  }
0x111: {  	[tilespmem:$0xA080] =	vst @!p0 v6  }
0x112: {  	v6 =	vld @!p0 [tilespmem:s21+$0xFFFFFFC0];
	_ =	sdelay $0x4  }
0x113: {  	[tilespmem:$0xA090] =	vst @!p0 v6  }
0x114: {  	v6 =	vld @!p0 [tilespmem:s21+$0xFFFFFFD0];
	_ =	sdelay $0x4  }
0x115: {  	[tilespmem:$0xA0A0] =	vst @!p0 v6  }
0x116: {  	v6 =	vld @!p0 [tilespmem:s21+$0xFFFFFFE0];
	_ =	sdelay $0x4  }
0x117: {  	[tilespmem:$0xA0B0] =	vst @!p0 v6  }
0x118: {  	v6 =	vld @!p0 [tilespmem:s21+$0xFFFFFFF0];
	_ =	sdelay $0x4  }
0x119: {  	s22 =	simm.s32 @!p0 $0x2;
	[tilespmem:$0xA0C0] =	vst @!p0 v6  }
0x11a: {  	p1 =	sle.u32 @!p0 s20, $0xA0;
	_ =	swait.ge @!p0 [sflag:s22], $0x2800  }
0x11b: {  	s23 =	simm.s32 @!p0 $0xA180;
	s24 =	simm.s32 @!p0 $0x4;
	[sflag:s22] =	ssyncset.done @!p0 $0x0  }
0x11c: {  	s25 =	simm.s32 @!p0 $0xA080;
	[sflag:s22] =	ssyncadd.s32 @!p0 $0xFFFFD800;
	s22 =	simm.s32 @!p0 $0x50  }
0x11d: {  	[spmem:s2] =	stream.indirect.scatter.add.f32 @!p0 [tilespmem:s23], [sflag:$0x4], $0x80, s25, s22, $0xb8;
	[tilespmem:$0x11180] =	vst v63  }
0x11e: {  	p2 =	por p1, p0;
	_ =	swait.ge @!p0 [sflag:s24], $0x2800  }
0x11f: {  	p1 =	sle.s32 s20, $0x50;
	s22 =	simm.s32 @!p2 $0x50;
	[sflag:s24] =	ssyncset.done @!p0 $0x0  }
0x120: {  	s23 =	simm.s32 @!p2 $0xA180;
	[sflag:s24] =	ssyncadd.s32 @!p0 $0xFFFFD800;
	s24 =	simm.s32 @!p2 $0x5220  }
0x121: {  	[tilespmem:s23], [sflag:$0x2] =	stream.indirect.gather @!p2 [hbm4b:s4+s22], $0x80, s24, s22, $0xb8;
	[tilespmem:$0x11180] =	vst v63  }
0x122: {  	v6 =	vld @!p1 [tilespmem:s21+$0x0];
	_ =	sdelay $0x4  }
0x123: {  	[tilespmem:$0xA100] =	vst @!p1 v6  }
0x124: {  	v6 =	vld @!p1 [tilespmem:s21+$0x10];
	_ =	sdelay $0x4  }
0x125: {  	[tilespmem:$0xA110] =	vst @!p1 v6  }
0x126: {  	v6 =	vld @!p1 [tilespmem:s21+$0x20];
	_ =	sdelay $0x3  }
0x127: {  	s22 =	simm.s32 $0x0  }
0x128: {  	s22 =	sand.u32 @!p1 $0x3FE0, s22;
	[tilespmem:$0xA120] =	vst @!p1 v6  }
0x129: {  	v6 =	vld @!p1 [tilespmem:s22+$0x7980];
	_ =	sdelay $0x4  }
0x12a: {  	[tilespmem:$0xA130] =	vst @!p1 v6  }
0x12b: {  	v6 =	vld @!p1 [tilespmem:s21+$0x40];
	_ =	sdelay $0x3  }
0x12c: {  	s28 =	simm.s32 @!p1 $0x4;
	s26 =	simm.s32 @!p1 $0xC980  }
0x12d: {  	s29 =	simm.s32 @!p1 $0xA100;
	s25 =	simm.s32 $0x230;
	s22 =	simm.s32 @!p1 $0x3;
	[tilespmem:$0xA140] =	vst @!p1 v6  }
0x12e: {  	p0 =	sle.u32 @!p1 s20, $0xF0;
	s24 =	simm.s32 $0x5270;
	_ =	swait.ge @!p1 [sflag:s22], $0x2800  }
0x12f: {  	p2 =	por p0, p1;
	s23 =	simm.s32 $0x79F0;
	[sflag:s22] =	ssyncset.done @!p1 $0x0  }
0x130: {  	s30 =	simm.s32 @!p2 $0x50;
	[sflag:s22] =	ssyncadd.s32 @!p1 $0xFFFFD800;
	s22 =	simm.s32 @!p1 $0x50  }
0x131: {  	[spmem:s2] =	stream.indirect.scatter.add.f32 @!p1 [tilespmem:s26], [sflag:$0x4], $0x80, s29, s22, $0xb8;
	[tilespmem:$0x11180] =	vst v63  }
0x132: {  	s21 =	simm.s32 $0x190;
	s29 =	simm.s32 @!p2 $0xC980;
	_ =	swait.ge @!p1 [sflag:s28], $0x2800  }
0x133: {  	s22 =	simm.s32 $0x5310;
	s26 =	simm.s32 $0xA0;
	[sflag:s28] =	ssyncset.done @!p1 $0x0  }
.LBB2_6:
0x134: {  	p3 =	sge.s32 s26, s20  }
0x135: {  	[sflag:s28] =	ssyncadd.s32 @!p1 $0xFFFFD800;
	s28 =	smov.u32 s25;
	s25 =	sadd.s32 $0xA0, s25  }
0x136: {  	[tilespmem:s29], [sflag:$0x3] =	stream.indirect.gather @!p2 [hbm4b:s4+s30], $0x80, s24, s30, $0xb8;
	[tilespmem:$0x11180] =	vst v63  }
0x137: {  	p0 =	sne.s32 s25, $0x27B0;
	s29 =	sadd.s32 @!p3 $0xFFFFFFB0, s21;
	s24 =	smov.u32 s22;
	v6 =	vld @!p3 [tilespmem:s23+$0xFFFFFFB0]  }
0x138: {  	p1 =	sge.u32 @!p3 s29, s20  }
0x139: {  	p2 =	por p1, p3;
	_ =	sdelay $0x2  }
0x13a: {  	[tilespmem:$0xA080] =	vst @!p3 v6  }
0x13b: {  	v6 =	vld @!p3 [tilespmem:s23+$0xFFFFFFC0];
	_ =	sdelay $0x4  }
0x13c: {  	[tilespmem:$0xA090] =	vst @!p3 v6  }
0x13d: {  	v6 =	vld @!p3 [tilespmem:s23+$0xFFFFFFD0];
	_ =	sdelay $0x4  }
0x13e: {  	[tilespmem:$0xA0A0] =	vst @!p3 v6  }
0x13f: {  	v6 =	vld @!p3 [tilespmem:s23+$0xFFFFFFE0];
	_ =	sdelay $0x4  }
0x140: {  	[tilespmem:$0xA0B0] =	vst @!p3 v6  }
0x141: {  	v6 =	vld @!p3 [tilespmem:s23+$0xFFFFFFF0];
	_ =	sdelay $0x4  }
0x142: {  	s29 =	simm.s32 @!p3 $0x2;
	[tilespmem:$0xA0C0] =	vst @!p3 v6  }
0x143: {  	_ =	swait.ge @!p3 [sflag:s29], $0x2800  }
0x144: {  	s30 =	simm.s32 @!p3 $0xA180;
	s31 =	simm.s32 @!p3 $0x4;
	[sflag:s29] =	ssyncset.done @!p3 $0x0  }
0x145: {  	s1 =	simm.s32 @!p3 $0xA080;
	[sflag:s29] =	ssyncadd.s32 @!p3 $0xFFFFD800;
	s29 =	simm.s32 @!p3 $0x50  }
0x146: {  	[spmem:s2] =	stream.indirect.scatter.add.f32 @!p3 [tilespmem:s30], [sflag:$0x4], $0x80, s1, s29, $0xb8;
	[tilespmem:$0x11180] =	vst v63  }
0x147: {  	s1 =	simm.s32 @!p2 $0x50;
	_ =	swait.ge @!p3 [sflag:s31], $0x2800  }
0x148: {  	s29 =	simm.s32 @!p2 $0xA180;
	s30 =	sadd.s32 $0xFFFFFF60, s21;
	[sflag:s31] =	ssyncset.done @!p3 $0x0  }
0x149: {  	p1 =	sge.s32 s30, s20;
	[sflag:s31] =	ssyncadd.s32 @!p3 $0xFFFFD800;
	s31 =	sadd.s32 @!p2 $0xFFFFFFB0, s22  }
0x14a: {  	[tilespmem:s29], [sflag:$0x2] =	stream.indirect.gather @!p2 [hbm4b:s4+s1], $0x80, s31, s1, $0xb8;
	[tilespmem:$0x11180] =	vst v63  }
0x14b: {  	p2 =	sge.u32 @!p1 s21, s20;
	s21 =	smov.u32 s28;
	v6 =	vld @!p1 [tilespmem:s23+$0x0]  }
0x14c: {  	p2 =	por p2, p1;
	_ =	sdelay $0x3  }
0x14d: {  	[tilespmem:$0xA100] =	vst @!p1 v6  }
0x14e: {  	v6 =	vld @!p1 [tilespmem:s23+$0x10];
	_ =	sdelay $0x4  }
0x14f: {  	[tilespmem:$0xA110] =	vst @!p1 v6  }
0x150: {  	v6 =	vld @!p1 [tilespmem:s23+$0x20];
	_ =	sdelay $0x4  }
0x151: {  	s1 =	sand.u32 @!p1 $0x3FE0, s26;
	[tilespmem:$0xA120] =	vst @!p1 v6  }
0x152: {  	v6 =	vld @!p1 [tilespmem:s1+$0x7980];
	_ =	sdelay $0x4  }
0x153: {  	[tilespmem:$0xA130] =	vst @!p1 v6  }
0x154: {  	v6 =	vld @!p1 [tilespmem:s23+$0x40];
	_ =	sdelay $0x4  }
0x155: {  	s1 =	simm.s32 @!p1 $0x3;
	[tilespmem:$0xA140] =	vst @!p1 v6  }
0x156: {  	s28 =	simm.s32 @!p1 $0x4;
	s23 =	sadd.s32 $0xA0, s23;
	_ =	swait.ge @!p1 [sflag:s1], $0x2800  }
.Ltmp2:
0x157: {  	s26 =	simm.s32 @!p1 $0xC980;
	[sflag:s1] =	ssyncset.done @!p1 $0x0;
	(pc) =	sbr.rel @p0 .LBB2_6-.Ltmp2, $4  }
0x158: {  	s29 =	simm.s32 @!p1 $0xA100;
	[sflag:s1] =	ssyncadd.s32 @!p1 $0xFFFFD800;
	s1 =	simm.s32 @!p1 $0x50  }
0x159: {  	[spmem:s2] =	stream.indirect.scatter.add.f32 @!p1 [tilespmem:s26], [sflag:$0x4], $0x80, s29, s1, $0xb8;
	[tilespmem:$0x11180] =	vst v63  }
0x15a: {  	s22 =	sadd.s32 $0xA0, s22;
	s29 =	simm.s32 @!p2 $0xC980;
	_ =	swait.ge @!p1 [sflag:s28], $0x2800  }
0x15b: {  	s30 =	simm.s32 @!p2 $0x50;
	s26 =	sadd.s32 $0xFFFFFF10, s21;
	[sflag:s28] =	ssyncset.done @!p1 $0x0  }
0x15c: {  	p0 =	sge.s32 s26, s20;
	[sflag:s28] =	ssyncadd.s32 @!p1 $0xFFFFD800  }
0x15d: {  	[tilespmem:s29], [sflag:$0x3] =	stream.indirect.gather @!p2 [hbm4b:s4+s30], $0x80, s24, s30, $0xb8;
	[tilespmem:$0x11180] =	vst v63  }
0x15e: {  	v6 =	vld @!p0 [tilespmem:s23+$0xFFFFFFB0];
	_ =	sdelay $0x4  }
0x15f: {  	[tilespmem:$0xA080] =	vst @!p0 v6  }
0x160: {  	v6 =	vld @!p0 [tilespmem:s23+$0xFFFFFFC0];
	_ =	sdelay $0x4  }
0x161: {  	[tilespmem:$0xA090] =	vst @!p0 v6  }
0x162: {  	v6 =	vld @!p0 [tilespmem:s23+$0xFFFFFFD0];
	_ =	sdelay $0x4  }
0x163: {  	[tilespmem:$0xA0A0] =	vst @!p0 v6  }
0x164: {  	v6 =	vld @!p0 [tilespmem:s23+$0xFFFFFFE0];
	_ =	sdelay $0x4  }
0x165: {  	[tilespmem:$0xA0B0] =	vst @!p0 v6  }
0x166: {  	v6 =	vld @!p0 [tilespmem:s23+$0xFFFFFFF0];
	_ =	sdelay $0x3  }
0x167: {  	s1 =	sadd.s32 @!p0 $0xFFFFFFB0, s21  }
0x168: {  	p1 =	sge.u32 @!p0 s1, s20;
	s1 =	simm.s32 @!p0 $0x2;
	[tilespmem:$0xA0C0] =	vst @!p0 v6  }
0x169: {  	_ =	swait.ge @!p0 [sflag:s1], $0x2800  }
0x16a: {  	s24 =	simm.s32 @!p0 $0xA180;
	s25 =	simm.s32 @!p0 $0x4;
	[sflag:s1] =	ssyncset.done @!p0 $0x0  }
0x16b: {  	s28 =	simm.s32 @!p0 $0xA080;
	[sflag:s1] =	ssyncadd.s32 @!p0 $0xFFFFD800;
	s1 =	simm.s32 @!p0 $0x50  }
0x16c: {  	[spmem:s2] =	stream.indirect.scatter.add.f32 @!p0 [tilespmem:s24], [sflag:$0x4], $0x80, s28, s1, $0xb8;
	[tilespmem:$0x11180] =	vst v63  }
0x16d: {  	s31 =	sadd.s32 $0xFFFFFF60, s21;
	p1 =	por p1, p0;
	_ =	swait.ge @!p0 [sflag:s25], $0x2800  }
0x16e: {  	s1 =	simm.s32 @!p1 $0x50;
	s24 =	simm.s32 @!p1 $0xA180;
	[sflag:s25] =	ssyncset.done @!p0 $0x0  }
0x16f: {  	[sflag:s25] =	ssyncadd.s32 @!p0 $0xFFFFD800;
	s25 =	sadd.s32 @!p1 $0xFFFFFFB0, s22;
	p0 =	sge.s32 s31, s20  }
0x170: {  	[tilespmem:s24], [sflag:$0x2] =	stream.indirect.gather @!p1 [hbm4b:s4+s1], $0x80, s25, s1, $0xb8;
	[tilespmem:$0x11180] =	vst v63  }
0x171: {  	v6 =	vld @!p0 [tilespmem:s23+$0x0];
	_ =	sdelay $0x4  }
0x172: {  	[tilespmem:$0xA100] =	vst @!p0 v6  }
0x173: {  	v6 =	vld @!p0 [tilespmem:s23+$0x10];
	_ =	sdelay $0x4  }
0x174: {  	[tilespmem:$0xA110] =	vst @!p0 v6  }
0x175: {  	v6 =	vld @!p0 [tilespmem:s23+$0x20];
	_ =	sdelay $0x4  }
0x176: {  	s1 =	sand.u32 @!p0 $0x3FE0, s26;
	[tilespmem:$0xA120] =	vst @!p0 v6  }
0x177: {  	v6 =	vld @!p0 [tilespmem:s1+$0x7980];
	_ =	sdelay $0x4  }
0x178: {  	[tilespmem:$0xA130] =	vst @!p0 v6  }
0x179: {  	v6 =	vld @!p0 [tilespmem:s23+$0x40];
	_ =	sdelay $0x4  }
0x17a: {  	s1 =	simm.s32 @!p0 $0x3;
	[tilespmem:$0xA140] =	vst @!p0 v6  }
0x17b: {  	s24 =	simm.s32 @!p0 $0xC980;
	_ =	swait.ge @!p0 [sflag:s1], $0x2800  }
0x17c: {  	s25 =	simm.s32 @!p0 $0xA100;
	p1 =	sge.u32 @!p0 s21, s20;
	[sflag:s1] =	ssyncset.done @!p0 $0x0  }
0x17d: {  	s23 =	simm.s32 @!p0 $0x4;
	[sflag:s1] =	ssyncadd.s32 @!p0 $0xFFFFD800;
	s1 =	simm.s32 @!p0 $0x50  }
0x17e: {  	[spmem:s2] =	stream.indirect.scatter.add.f32 @!p0 [tilespmem:s24], [sflag:$0x4], $0x80, s25, s1, $0xb8;
	[tilespmem:$0x11180] =	vst v63  }
0x17f: {  	p1 =	por p1, p0;
	_ =	swait.ge @!p0 [sflag:s23], $0x2800  }
0x180: {  	s21 =	simm.s32 @!p1 $0x50;
	[sflag:s23] =	ssyncset.done @!p0 $0x0  }
0x181: {  	s1 =	simm.s32 @!p1 $0xC980;
	[sflag:s23] =	ssyncadd.s32 @!p0 $0xFFFFD800;
	p0 =	slt.s32 s20, $0x26C1  }
0x182: {  	[tilespmem:s1], [sflag:$0x3] =	stream.indirect.gather @!p1 [hbm4b:s4+s21], $0x80, s22, s21, $0xb8;
	[tilespmem:$0x11180] =	vst v63  }
0x183: {  	v6 =	vld @!p0 [tilespmem:$0x9FC0]  }
0x184: {  	v7 =	vld @!p0 [tilespmem:$0x9FD0]  }
0x185: {  	v8 =	vld @!p0 [tilespmem:$0x9FE0]  }
0x186: {  	v9 =	vld @!p0 [tilespmem:$0x9FF0]  }
0x187: {  	v10 =	vld @!p0 [tilespmem:$0xA000]  }
0x188: {  	[tilespmem:$0xA080] =	vst @!p0 v6  }
0x189: {  	[tilespmem:$0xA090] =	vst @!p0 v7  }
0x18a: {  	[tilespmem:$0xA0A0] =	vst @!p0 v8  }
0x18b: {  	[tilespmem:$0xA0B0] =	vst @!p0 v9  }
0x18c: {  	s1 =	simm.s32 @!p0 $0x2;
	[tilespmem:$0xA0C0] =	vst @!p0 v10  }
0x18d: {  	_ =	swait.ge @!p0 [sflag:s1], $0x2800  }
0x18e: {  	s20 =	simm.s32 @!p0 $0xA080;
	[sflag:s1] =	ssyncset.done @!p0 $0x0  }
0x18f: {  	s21 =	simm.s32 @!p0 $0xA180;
	[sflag:s1] =	ssyncadd.s32 @!p0 $0xFFFFD800;
	s1 =	simm.s32 @!p0 $0x50  }
0x190: {  	[spmem:s2] =	stream.indirect.scatter.add.f32 @!p0 [tilespmem:s21], [sflag:$0x4], $0x80, s20, s1, $0xb8;
	[tilespmem:$0x11180] =	vst v63  }
0x191: {  	s1 =	simm.s32 @!p0 $0x4  }
0x192: {  	_ =	swait.ge @!p0 [sflag:s1], $0x2800  }
0x193: {  	[sflag:s1] =	ssyncset.done @!p0 $0x0  }
0x194: {  	[sflag:s1] =	ssyncadd.s32 @!p0 $0xFFFFD800  }
0x195: {  	[bflag:$0x0] =	sbarrier.arrive $0xFFFF  }
0x196: {  	[tilespmem:s16], [sflag:$0x4] =	stream.linear.gather [spmem:s9], $0x800, $0x38;
	[tilespmem:$0x11180] =	vst v63  }
0x197: {  	s19 =	sadd.s32 $0x1, s19;
	_ =	swait.ge [sflag:s17], $0x800  }
0x198: {  	p0 =	sne.s32 s19, s11;
	[sflag:s17] =	ssyncset.done $0x0  }
.Ltmp3:
0x199: {  	[sflag:s17] =	ssyncadd.s32 $0xFFFFF800;
	(pc) =	sbr.rel @p0 .LBB2_1-.Ltmp3, $4  }
0x19a: {  	[hbm4b:s10+s3] =	stream.linear.scatter [tilespmem:s16], [sflag:$0x4], $0x800, $0x38;
	[tilespmem:$0x11180] =	vst v63  }
0x19b: {  	_ =	swait.ge [sflag:s17], $0x800  }
0x19c: {  	[sflag:s17] =	ssyncset.done $0x0  }
0x19d: {  	[sflag:s17] =	ssyncadd.s32 $0xFFFFF800  }
0x19e: {  	_ =	sfence.sel $0x180000  }
0x19f: {  	[bflag:$0x0] =	sbarrier.arrive $0xFFFF  }
0x1a0: {  	_ =	strace $0x9000004A  }
0x1a1: {  	[bflag:$0x2] =	sbarrier.arrive $0xFFFF  }
0x1a2: {  	p0 =	sne.s32 s0, $0x0;
	s0 =	rddreg [dreg:$0x2]  }
0x1a3: {  	s0 =	sadd.s32 @!p0 $0x100000, s0  }
0x1a4: {  	[sflag:s0] =	ssyncadd.tile.s32 @!p0 $0x1;
	_ =	shalt  }
.Lfunc_end2:
_tile_overlayer_lowered:
.L_overlay_start_2:
0x1a5: {  	(tag) =	ssettag $0x2  }
0x1a6: {  	s0 =	rddreg [dreg:$0x0];
	s2 =	stileid.u32  }
0x1a7: {  	s1 =	rddreg [dreg:$0x1];
	p0 =	sne.s32 s2, $0x0  }
0x1a8: {  	s3 =	rddreg [dreg:$0x2];
	[bflag:$0x3] =	sbarrier.arrive $0xFFFF;
	s2 =	simm.s32 @!p0 $0x1C04  }
0x1a9: {  	[timem:s3], [sflag:s2] =	dma.local @!p0 [hbm:s0], s1  }
0x1aa: {  	s0 =	simm.s32 @!p0 $0x4  }
0x1ab: {  	_ =	swait.ge @!p0 [sflag:s0], s1  }
0x1ac: {  	s1 =	ssub.s32 @!p0 $0x0, s1;
	[sflag:s0] =	ssyncset.done @!p0 $0x0  }
0x1ad: {  	[sflag:s0] =	ssyncadd.s32 @!p0 s1  }
0x1ae: {  	[bflag:$0x3] =	sbarrier.arrive $0xFFFF  }
0x1af: {  	_ =	shalt  }

// kernel: kernel.8.cloned.1.call-start
scs
__scs_entry_jumppad:
0x0: {  	(pc) =	sbr.rel $0x88, $3  }
0x1: {  	(tag) =	ssettag $0x0;
	lr =	simm.s32 $0x1  }
0x2: {  	[smem:$0x3F8E] =	sst lr;
	_ =	strace $0xD0000000  }
0x3: {  	_ = 	snop  }
0x4: {  	_ = 	snop  }
0x5: {  	_ = 	snop  }
0x6: {  	_ = 	snop  }
0x7: {  	_ = 	snop  }
__scs_overlays_trampoline_lowered:
0x8: {  	[smem:$0x3F9D] =	sst s0  }
0x9: {  	[smem:$0x3F9E] =	sst s1  }
0xa: {  	[smem:$0x3F9F] =	sst s2  }
0xb: {  	[smem:$0x3FA0] =	sst s3  }
0xc: {  	[smem:$0x3FA1] =	sst s4  }
0xd: {  	[smem:$0x3FA2] =	sst s5  }
0xe: {  	[smem:$0x3FA3] =	sst s6  }
0xf: {  	[smem:$0x3FA4] =	sst s7  }
0x10: {  	[smem:$0x3FA5] =	sst s8  }
0x11: {  	[smem:$0x3FA6] =	sst s9;
	s0 =	simm.s32 @!p0 $0x0  }
0x12: {  	s1 =	sld [smem:$0x3F8C];
	s0 =	simm.s32 @p0 $0x1  }
0x13: {  	[smem:$0x3FA7] =	sst s0;
	s0 =	simm.s32 @!p1 $0x0  }
0x14: {  	s2 =	sld [smem:$0x3F8B];
	s0 =	simm.s32 @p1 $0x1  }
0x15: {  	[smem:$0x3FA8] =	sst s0;
	s0 =	simm.s32 @!p2 $0x0  }
0x16: {  	s3 =	sld [smem:$0x3FDB];
	s0 =	simm.s32 @p2 $0x1  }
0x17: {  	s4 =	simm.s32 $0x1BF5;
	[smem:$0x3FAA] =	sst s0  }
0x18: {  	s0 =	sld [smem:$0x3F8D];
	_ =	swait.ge [sflag:s4], $0x0  }
0x19: {  	s7 =	sld [smem:$0x3F8E]  }
0x1a: {  	s8 =	sadd.s32 $0xFFFFE003, lr  }
0x1b: {  	s9 =	sadd.s32 $0xFFFFFEF7, lr;
	s5 =	simm.s32 $0xFFFFFFFF;
	p2 =	slt.u32 s8, $0xFFFFF086  }
0x1c: {  	p1 =	slt.u32 s9, $0xF7A;
	s5 =	simm.s32 @!p2 $0x0  }
0x1d: {  	s5 =	simm.s32 @p1 $0x1;
	p0 =	seq.s32 s7, s2  }
0x1e: {  	s7 =	smul.u32 @!p0 $0xF7A, s2;
	p2 =	seq.s32 @!p0 s5, $0x0  }
0x1f: {  	s9 =	smul.u32 $0xF7A, s1;
	s8 =	simm.s32 @!p0 $0x1BF5;
	p2 =	por !p2, p0  }
0x20: {  	[sflag:s8] =	ssyncset.s32 @!p0 $0xFFFFF086;
	s6 =	sadd.s32 @!p0 s3, s7;
	s7 =	simm.s32 @!p0 $0x108  }
0x21: {  	s3 =	sadd.s32 s3, s9;
	s6 =	sadd.s32 @!p0 $0x88, s6;
	s7 =	simm.s32 @p2 $0x1082  }
0x22: {  	[simem:s7], [sflag:s8] =	dma.local @!p0 [hbm:s6], $0xF7A  }
0x23: {  	s9 =	sor.u32 $0xD0000000, s2;
	s6 =	simm.s32 $0x108;
	_ =	swait.ge @!p0 [sflag:s8], $0x0  }
0x24: {  	s3 =	sadd.s32 $0x88, s3;
	s6 =	simm.s32 @!p1 $0x1082;
	[sflag:s4] =	ssyncset.s32 $0xFFFFF086  }
0x25: {  	[simem:s6], [sflag:s4] =	dma.local [hbm:s3], $0xF7A  }
0x26: {  	[smem:$0x3F8E] =	sst s1;
	(tag) =	ssettag s2;
	_ =	strace s9  }
0x27: {  	s1 =	sld [smem:$0x3F9E]  }
0x28: {  	s2 =	sld [smem:$0x3F9F]  }
0x29: {  	s4 =	sld [smem:$0x3FA1]  }
0x2a: {  	p0 =	seq.s32 s5, $0x0;
	s5 =	sld [smem:$0x3FA2]  }
0x2b: {  	s6 =	sld [smem:$0x3FA3]  }
0x2c: {  	s7 =	sld [smem:$0x3FA4]  }
0x2d: {  	s3 =	simm.s32 $0x108;
	s8 =	sld [smem:$0x3FA5]  }
0x2e: {  	s3 =	simm.s32 @!p0 $0x1082;
	s9 =	sld [smem:$0x3FA6]  }
0x2f: {  	lr =	sadd.s32 s0, s3;
	s0 =	sld [smem:$0x3F9D]  }
0x30: {  	s3 =	sld [smem:$0x3FA0]  }
0x31: {  	[smem:$0x3FA9] =	sst s10  }
0x32: {  	s10 =	sld [smem:$0x3FA7];
	_ =	sdelay $0x3  }
0x33: {  	p0 =	seq.s32 s10, $0x1;
	s10 =	sld [smem:$0x3FA9];
	_ =	sdelay $0x3  }
0x34: {  	[smem:$0x3FA9] =	sst s10  }
0x35: {  	s10 =	sld [smem:$0x3FA8];
	_ =	sdelay $0x3  }
0x36: {  	p1 =	seq.s32 s10, $0x1;
	s10 =	sld [smem:$0x3FA9];
	_ =	sdelay $0x3  }
0x37: {  	[smem:$0x3FA9] =	sst s10  }
0x38: {  	s10 =	sld [smem:$0x3FAA]  }
0x39: {  	_ = 	snop;
	(pc) =	sbr.ind lr, $3  }
0x3a: {  	_ = 	snop  }
0x3b: {  	_ = 	snop  }
0x3c: {  	p2 =	seq.s32 s10, $0x1;
	s10 =	sld [smem:$0x3FA9]  }
0x3d: {  	_ =	shalt  }
0x3e: {  	_ =	shalt  }
0x3f: {  	_ =	shalt  }
0x40: {  	_ =	shalt  }
0x41: {  	_ =	shalt  }
0x42: {  	_ =	shalt  }
0x43: {  	_ =	shalt  }
0x44: {  	_ =	shalt  }
0x45: {  	_ =	shalt  }
0x46: {  	_ =	shalt  }
0x47: {  	_ =	shalt  }
0x48: {  	_ =	shalt  }
0x49: {  	_ =	shalt  }
0x4a: {  	_ =	shalt  }
0x4b: {  	_ =	shalt  }
0x4c: {  	_ =	shalt  }
0x4d: {  	_ =	shalt  }
0x4e: {  	_ =	shalt  }
0x4f: {  	_ =	shalt  }
0x50: {  	_ =	shalt  }
0x51: {  	_ =	shalt  }
0x52: {  	_ =	shalt  }
0x53: {  	_ =	shalt  }
0x54: {  	_ =	shalt  }
0x55: {  	_ =	shalt  }
0x56: {  	_ =	shalt  }
0x57: {  	_ =	shalt  }
0x58: {  	_ =	shalt  }
0x59: {  	_ =	shalt  }
0x5a: {  	_ =	shalt  }
0x5b: {  	_ =	shalt  }
0x5c: {  	_ =	shalt  }
0x5d: {  	_ =	shalt  }
0x5e: {  	_ =	shalt  }
0x5f: {  	_ =	shalt  }
0x60: {  	_ =	shalt  }
0x61: {  	_ =	shalt  }
0x62: {  	_ =	shalt  }
0x63: {  	_ =	shalt  }
0x64: {  	_ =	shalt  }
0x65: {  	_ =	shalt  }
0x66: {  	_ =	shalt  }
0x67: {  	_ =	shalt  }
0x68: {  	_ =	shalt  }
0x69: {  	_ =	shalt  }
0x6a: {  	_ =	shalt  }
0x6b: {  	_ =	shalt  }
0x6c: {  	_ =	shalt  }
0x6d: {  	_ =	shalt  }
0x6e: {  	_ =	shalt  }
0x6f: {  	_ =	shalt  }
0x70: {  	_ =	shalt  }
0x71: {  	_ =	shalt  }
0x72: {  	_ =	shalt  }
0x73: {  	_ =	shalt  }
0x74: {  	_ =	shalt  }
0x75: {  	_ =	shalt  }
0x76: {  	_ =	shalt  }
0x77: {  	_ =	shalt  }
0x78: {  	_ =	shalt  }
0x79: {  	_ =	shalt  }
0x7a: {  	_ =	shalt  }
0x7b: {  	_ =	shalt  }
0x7c: {  	_ =	shalt  }
0x7d: {  	_ =	shalt  }
0x7e: {  	_ =	shalt  }
0x7f: {  	_ =	shalt  }
0x80: {  	_ =	shalt  }
0x81: {  	_ =	shalt  }
0x82: {  	_ =	shalt  }
0x83: {  	_ =	shalt  }
0x84: {  	_ =	shalt  }
0x85: {  	_ =	shalt  }
0x86: {  	_ =	shalt  }
0x87: {  	_ =	shalt  }
.Lfunc_end0:
.L_simem_size_0:
called_computation_lowered:
.L_overlay_start_0:
0x88: {  	s2 =	sld [smem:$0x3FD9]  }
0x89: {  	s3 =	sld [smem:$0x3FFE];
	_ =	sdelay $0x1  }
0x8a: {  	s1 =	srdreg.scid  }
0x8b: {  	s0 =	sand.u32 $0x1, s1  }
0x8c: {  	s17 =	sshll.u32 s0, $0xA;
	s2 =	sadd.s32 s3, s2  }
0x8d: {  	s2 =	sadd.s32 s2, s17  }
0x8e: {  	[smem:$0x3FB5] =	sst s2  }
0x8f: {  	_ = 	snop  }
0x90: {  	s2 =	sld [smem:$0x3FD0];
	(tm) =	ssettm $0x1  }
0x91: {  	s18 =	sld [smem:$0x3FFB];
	_ =	sdelay $0x3  }
0x92: {  	_ =	strace s18  }
0x93: {  	s3 =	sld [smem:$0x3FFC];
	_ =	sdelay $0x3  }
0x94: {  	_ =	strace s3  }
0x95: {  	s3 =	sld [smem:$0x3FFD];
	_ =	sdelay $0x3  }
0x96: {  	_ =	strace s3  }
0x97: {  	_ =	strace $0x8FFFFFFF  }
0x98: {  	s19 =	sld [smem:$0x3FDB];
	_ =	sdelay $0x1  }
0x99: {  	s4 =	simm.s32 $_scs_section_size  }
0x9a: {  	s5 =	simm.s32 $_size__tile_overlayer_lowered;
	s6 =	simm.s32 $_tile_overlayer_lowered  }
0x9b: {  	s22 =	simm.s32 $0x1BFF;
	s21 =	sshll.u32 s6, $0x1;
	s3 =	sadd.s32 s4, s19  }
0x9c: {  	s7 =	simm.s32 $0x0;
	s20 =	sshll.u32 s5, $0x1;
	s5 =	sadd.s32 s21, s3  }
0x9d: {  	[timem:s7], [sflag:s22] =	dma.local [hbm:s5], s20  }
0x9e: {  	_ =	swait.ge [sflag:s22], s20  }
0x9f: {  	s4 =	ssub.s32 $0x0, s20;
	[sflag:s22] =	ssyncset.done $0x0  }
0xa0: {  	[sflag:s22] =	ssyncadd.s32 s4;
	_ =	sdelay $0x1  }
0xa1: {  	s23 =	simm.s32 $0x1B8B  }
0xa2: {  	_ =	swait.ge [sflag:s23], $0x1  }
0xa3: {  	[sflag:s23] =	ssyncset.done $0x0  }
0xa4: {  	s25 =	simm.s32 $0x1B8E;
	s24 =	sld [smem:$0x3FFE];
	[sflag:s23] =	ssyncadd.s32 $0xFFFFFFFF  }
0xa5: {  	s26 =	simm.s32 $execute0_lowered;
	[smem:$0x3FD2] =	sst s25  }
0xa6: {  	s5 =	sshll.u32 s26, $0x1;
	_ =	strace $0x80000046;
	[dreg:$0x1] =	wrdreg $0xFFFFFFFF  }
0xa7: {  	s28 =	simm.s32 $_size_execute0_lowered;
	s3 =	sadd.s32 s3, s5;
	[dreg:$0x0] =	wrdreg $0x0  }
0xa8: {  	s5 =	sshll.u32 s28, $0x1;
	[dreg:$0x2] =	wrdreg s3  }
0xa9: {  	[dreg:$0x3] =	wrdreg s5  }
0xaa: {  	[dreg:$0x4] =	wrdreg $0xC0  }
0xab: {  	_ =	task [dreg:s7], $0x5FFFF  }
0xac: {  	[dreg:$0x1] =	wrdreg $0xFFFFFFFF  }
0xad: {  	[dreg:$0x0] =	wrdreg $0x60  }
0xae: {  	[dreg:$0x2] =	wrdreg s24  }
0xaf: {  	[dreg:$0x3] =	wrdreg s2  }
0xb0: {  	[dreg:$0x4] =	wrdreg $0x7B000  }
0xb1: {  	[dreg:$0x5] =	wrdreg $0x9  }
0xb2: {  	_ =	task.clear_ibuf [dreg:s7], $0x6FFFF;
	_ =	strace $0x90000046  }
0xb3: {  	s29 =	simm.s32 $0x9;
	_ =	strace $0x80000048  }
0xb4: {  	_ =	swait.ge [sflag:s29], $0x1  }
0xb5: {  	[sflag:s29] =	ssyncadd.s32 $0xFFFFFFFF  }
0xb6: {  	_ =	strace $0x90000048  }
0xb7: {  	_ =	sfence  }
0xb8: {  	s30 =	sld [smem:$0x0];
	_ =	sdelay $0x2  }
0xb9: {  	s31 =	sshll.u32 s1, $0xD;
	s1 =	sshrl.u32 s1, $0x2  }
0xba: {  	s3 =	sand.u32 $0x4000, s31;
	s1 =	sadd.s32 s1, s30  }
0xbb: {  	s0 =	sor.u32 s3, s0;
	s1 =	sshll.u32 s1, $0x11  }
0xbc: {  	s0 =	sor.u32 s1, s0  }
0xbd: {  	s0 =	sadd.s32 $0x8F2B, s0  }
0xbe: {  	[sflag:s0] =	ssyncadd.remote.s32 $0x1  }
0xbf: {  	_ =	sfence.sel $0xFFFF  }
0xc0: {  	[dreg:$0x0] =	wrdreg $0xFFFFFFFF;
	(pc) =	sbr.abs _section_cstart, $3  }
0xc1: {  	[dreg:$0x1] =	wrdreg $0xFFFFFFFF  }
0xc2: {  	_ =	task.clear_ibuf [dreg:s7], $0x2FFFF;
	_ =	strace $0x9FFFFFFF  }
0xc3: {  	(tm) =	ssettm $0x7FFFFFFF  }
tec
execute0_lowered:
.L_overlay_start_1:
0x0: {  	(tag) =	ssettag $0x1  }
0x1: {  	s0 =	rddreg [dreg:$0x0]  }
0x2: {  	s2 =	rddreg [dreg:$0x1]  }
0x3: {  	s1 =	rddreg [dreg:$0x2]  }
0x4: {  	s4 =	srdreg.scid;
	s3 =	simm.s32 $0x0;
	s13 =	stileid.u32  }
0x5: {  	s31 =	simm.s32 $0x80;
	s28 =	simm.s32 $0x5300;
	s22 =	smul.u32 $0x50000, s13  }
0x6: {  	s7 =	sand.u32 $0x1, s4;
	[smem:$0x7FF] =	sst s3;
	s10 =	smul.u32 $0x280, s13  }
0x7: {  	s6 =	sadd.s32 $0x3E00, s0;
	s4 =	sshll.u32 s7, $0x4;
	s23 =	smul.u32 $0x27100, s7  }
0x8: {  	s8 =	ssub.s32 $0x2, s7;
	s7 =	smul.u32 $0x2800, s7;
	s5 =	sor.u32 s13, s4  }
0x9: {  	s4 =	sadd.s32 $0x17A00, s0;
	s20 =	sshrl.u32 s8, $0x1;
	s9 =	smul.u32 $0x2710, s5  }
0xa: {  	s5 =	sadd.s32 $0xDC00, s0;
	s0 =	ssub.s32 s8, s20;
	s7 =	sadd.s32 s10, s7  }
0xb: {  	_ =	strace $0x80000047;
	s7 =	sshll.u32 s7, $0x4;
	s0 =	smax.u32 s0, $0x1  }
0xc: {  	s21 =	sshrl.u32 s9, $0x3;
	s7 =	sadd.s32 s2, s7;
	[dreg:$0x19] =	wrdreg s0  }
0xd: {  	s29 =	simm.s32 $0x280;
	s14 =	sadd.s32 s5, s21;
	[dreg:$0x15] =	wrdreg s7  }
0xe: {  	s9 =	sshrl.u32 s22, $0x2;
	s8 =	sadd.s32 s6, s21;
	[dreg:$0x8] =	wrdreg s14  }
0xf: {  	s11 =	sadd.s32 $0xA, s21;
	s24 =	sadd.s32 s9, s1;
	[dreg:$0xc] =	wrdreg s8  }
0x10: {  	s30 =	simm.s32 $0x8;
	s12 =	sadd.s32 s5, s11;
	[dreg:$0xb] =	wrdreg s24  }
0x11: {  	s26 =	smul.u32 $0x2710, s13;
	s14 =	sadd.s32 $0x14, s14;
	[dreg:$0x9] =	wrdreg s12  }
0x12: {  	s0 =	simm.s32 $0x100;
	s11 =	sadd.s32 s6, s11;
	[dreg:$0xa] =	wrdreg s14  }
0x13: {  	s2 =	simm.s32 $0x180;
	s13 =	sadd.s32 $0xA000, s24;
	[dreg:$0xd] =	wrdreg s11  }
0x14: {  	s19 =	sadd.s32 $0x5000, s24;
	s16 =	sadd.s32 $0xC800, s24;
	[dreg:$0x11] =	wrdreg s13  }
0x15: {  	s25 =	sadd.s32 $0x7800, s24;
	s17 =	sadd.s32 $0xF000, s24;
	[dreg:$0x12] =	wrdreg s16  }
0x16: {  	s8 =	sadd.s32 s26, s23;
	s18 =	sadd.s32 $0x11800, s24;
	[dreg:$0x13] =	wrdreg s17  }
0x17: {  	s26 =	sadd.s32 $0x500, s7;
	s11 =	sadd.s32 $0x2800, s24;
	[dreg:$0x14] =	wrdreg s18  }
0x18: {  	s15 =	sadd.s32 $0x140, s8;
	s21 =	sadd.s32 $0xA0, s8;
	[dreg:$0x16] =	wrdreg s26  }
0x19: {  	s23 =	sadd.s32 $0x190, s8;
	s12 =	sadd.s32 $0xF00, s7;
	[dreg:$0xf] =	wrdreg s19  }
0x1a: {  	s13 =	sadd.s32 $0xF0, s8;
	s14 =	sadd.s32 $0x1400, s7;
	[dreg:$0x10] =	wrdreg s25  }
0x1b: {  	s16 =	sadd.s32 $0x1E00, s7;
	s17 =	sadd.s32 $0x2300, s7;
	[dreg:$0x18] =	wrdreg s12  }
0x1c: {  	s8 =	simm.s32 $0x200;
	s26 =	simm.s32 $0x3;
	[dreg:$0x1a] =	wrdreg s13  }
0x1d: {  	s18 =	simm.s32 $0x0;
	s9 =	sshrl.u32 s15, $0x3;
	[dreg:$0x1b] =	wrdreg s14  }
0x1e: {  	s22 =	sshrl.u32 s21, $0x3;
	s10 =	sshrl.u32 s23, $0x3;
	[dreg:$0x1d] =	wrdreg s16  }
0x1f: {  	s15 =	sadd.s32 $0x1900, s7;
	[dreg:$0x1e] =	wrdreg s17;
	s12 =	simm.s32 $0x1  }
0x20: {  	s21 =	simm.s32 $0x2;
	s23 =	simm.s32 $0x7;
	[dreg:$0x1f] =	wrdreg s18  }
0x21: {  	s13 =	simm.s32 $0xA;
	s14 =	simm.s32 $0x9;
	[dreg:$0xe] =	wrdreg s11  }
0x22: {  	s16 =	simm.s32 $0xB;
	s20 =	sadd.s32 s9, s6;
	[dreg:$0x1c] =	wrdreg s15  }
0x23: {  	s9 =	sadd.s32 s9, s5;
	s24 =	sadd.s32 s10, s5;
	[dreg:$0x4] =	wrdreg s20  }
0x24: {  	s10 =	sadd.s32 $0xA00, s7;
	s7 =	simm.s32 $0x50;
	[dreg:$0x5] =	wrdreg s9  }
0x25: {  	s15 =	simm.s32 $0x6;
	s9 =	sadd.s32 s22, s6;
	[dreg:$0x17] =	wrdreg s10  }
0x26: {  	[dreg:$0x7] =	wrdreg s24;
	s22 =	simm.s32 $0x2B00;
	s24 =	simm.s32 $0x4  }
0x27: {  	v0 =	vimm.f32 $0.0e+00;
	s20 =	simm.s32 $0x5;
	[dreg:$0x6] =	wrdreg s9;
	s9 =	simm.s32 $0x300  }
.LBB2_1:
0x28: {  	s10 =	rddreg [dreg:$0x8]  }
0x29: {  	[tilespmem:s3], [sflag:$0x1] =	stream.linear.gather [hbm4b:s10+s3], $0x50, $0x38;
	[tilespmem:$0x1BB00] =	vst v63  }
0x2a: {  	s17 =	rddreg [dreg:$0x9]  }
0x2b: {  	[tilespmem:s31], [sflag:$0x2] =	stream.linear.gather [hbm4b:s17+s3], $0x50, $0x38;
	[tilespmem:$0x1BB00] =	vst v63  }
0x2c: {  	s18 =	rddreg [dreg:$0xa]  }
0x2d: {  	[tilespmem:s0], [sflag:$0x3] =	stream.linear.gather [hbm4b:s18+s3], $0x50, $0x38;
	[tilespmem:$0x1BB00] =	vst v63  }
0x2e: {  	s17 =	rddreg [dreg:$0xc]  }
0x2f: {  	[tilespmem:s2], [sflag:$0x4] =	stream.linear.gather [hbm4b:s17+s3], $0x50, $0x38;
	[tilespmem:$0x1BB00] =	vst v63  }
0x30: {  	s18 =	rddreg [dreg:$0xd]  }
0x31: {  	[tilespmem:s8], [sflag:$0x5] =	stream.linear.gather [hbm4b:s18+s3], $0x50, $0x38;
	[tilespmem:$0x1BB00] =	vst v63  }
0x32: {  	s10 =	simm.s32 $0x70;
	s18 =	simm.s32 $0x3C0  }
.LBB2_2:
0x33: {  	p0 =	sne.s32 s18, $0x9FC0;
	[tilespmem:s10+$0x300] =	vst v0  }
0x34: {  	[tilespmem:s10+$0x290] =	vst v0  }
0x35: {  	[tilespmem:s10+$0x2A0] =	vst v0  }
.Ltmp0:
0x36: {  	[tilespmem:s10+$0x2B0] =	vst v0;
	(pc) =	sbr.rel @p0 .LBB2_2-.Ltmp0, $4  }
0x37: {  	[tilespmem:s10+$0x2C0] =	vst v0  }
0x38: {  	[tilespmem:s10+$0x2D0] =	vst v0  }
0x39: {  	[tilespmem:s10+$0x2E0] =	vst v0  }
0x3a: {  	[tilespmem:s10+$0x2F0] =	vst v0;
	s10 =	sshra.s32 s18, $0x2;
	s18 =	sadd.s32 $0x200, s18  }
0x3b: {  	[tilespmem:s10+$0x300] =	vst v0  }
0x3c: {  	[tilespmem:s10+$0x290] =	vst v0  }
0x3d: {  	[tilespmem:s10+$0x2A0] =	vst v0  }
0x3e: {  	[tilespmem:s10+$0x2B0] =	vst v0  }
0x3f: {  	[tilespmem:s10+$0x2C0] =	vst v0  }
0x40: {  	[tilespmem:s10+$0x2D0] =	vst v0  }
0x41: {  	[tilespmem:s10+$0x2E0] =	vst v0  }
0x42: {  	[tilespmem:s10+$0x2F0] =	vst v0;
	s18 =	rddreg [dreg:$0xb];
	s17 =	simm.s32 $0xD  }
0x43: {  	[spmem:s18] =	stream.linear.scatter [tilespmem:s9], [sflag:$0xD], $0x2800, $0x38;
	[tilespmem:$0x1BB00] =	vst v63  }
0x44: {  	_ =	swait.ge [sflag:s17], $0x2800  }
0x45: {  	[sflag:s17] =	ssyncset.done $0x0  }
0x46: {  	[sflag:s17] =	ssyncadd.s32 $0xFFFFD800  }
0x47: {  	[spmem:s11] =	stream.linear.scatter [tilespmem:s9], [sflag:$0xD], $0x2800, $0x38;
	[tilespmem:$0x1BB00] =	vst v63  }
0x48: {  	_ =	swait.ge [sflag:s17], $0x2800  }
0x49: {  	[sflag:s17] =	ssyncset.done $0x0  }
0x4a: {  	[sflag:s17] =	ssyncadd.s32 $0xFFFFD800  }
0x4b: {  	[spmem:s19] =	stream.linear.scatter [tilespmem:s9], [sflag:$0xD], $0x2800, $0x38;
	[tilespmem:$0x1BB00] =	vst v63  }
0x4c: {  	_ =	swait.ge [sflag:s17], $0x2800  }
0x4d: {  	[sflag:s17] =	ssyncset.done $0x0  }
0x4e: {  	[sflag:s17] =	ssyncadd.s32 $0xFFFFD800  }
0x4f: {  	[spmem:s25] =	stream.linear.scatter [tilespmem:s9], [sflag:$0xD], $0x2800, $0x38;
	[tilespmem:$0x1BB00] =	vst v63  }
0x50: {  	_ =	swait.ge [sflag:s17], $0x2800  }
0x51: {  	[sflag:s17] =	ssyncset.done $0x0  }
0x52: {  	s25 =	rddreg [dreg:$0x11];
	[sflag:s17] =	ssyncadd.s32 $0xFFFFD800  }
0x53: {  	[spmem:s25] =	stream.linear.scatter [tilespmem:s9], [sflag:$0xD], $0x2800, $0x38;
	[tilespmem:$0x1BB00] =	vst v63  }
0x54: {  	_ =	swait.ge [sflag:s17], $0x2800  }
0x55: {  	[sflag:s17] =	ssyncset.done $0x0  }
0x56: {  	s11 =	rddreg [dreg:$0x12];
	[sflag:s17] =	ssyncadd.s32 $0xFFFFD800  }
0x57: {  	[spmem:s11] =	stream.linear.scatter [tilespmem:s9], [sflag:$0xD], $0x2800, $0x38;
	[tilespmem:$0x1BB00] =	vst v63  }
0x58: {  	_ =	swait.ge [sflag:s17], $0x2800  }
0x59: {  	[sflag:s17] =	ssyncset.done $0x0  }
0x5a: {  	s18 =	rddreg [dreg:$0x13];
	[sflag:s17] =	ssyncadd.s32 $0xFFFFD800  }
0x5b: {  	[spmem:s18] =	stream.linear.scatter [tilespmem:s9], [sflag:$0xD], $0x2800, $0x38;
	[tilespmem:$0x1BB00] =	vst v63  }
0x5c: {  	_ =	swait.ge [sflag:s17], $0x2800  }
0x5d: {  	[sflag:s17] =	ssyncset.done $0x0  }
0x5e: {  	s19 =	rddreg [dreg:$0x14];
	[sflag:s17] =	ssyncadd.s32 $0xFFFFD800  }
0x5f: {  	[spmem:s19] =	stream.linear.scatter [tilespmem:s9], [sflag:$0xD], $0x2800, $0x38;
	[tilespmem:$0x1BB00] =	vst v63  }
0x60: {  	_ =	swait.ge [sflag:s17], $0x2800  }
0x61: {  	[sflag:s17] =	ssyncset.done $0x0  }
0x62: {  	[sflag:s17] =	ssyncadd.s32 $0xFFFFD800  }
0x63: {  	_ =	swait.ge [sflag:s12], $0x50  }
0x64: {  	[sflag:s12] =	ssyncset.done $0x0  }
0x65: {  	s18 =	simm.s32 $0x0;
	[sflag:s12] =	ssyncadd.s32 $0xFFFFFFB0  }
0x66: {  	[tilespmem:s9], [sflag:$0x7] =	stream.indirect.gather [hbm4b:s4+s7], $0x80, s18, s7, $0xb8;
	[tilespmem:$0x1BB00] =	vst v63  }
0x67: {  	_ =	swait.ge [sflag:s21], $0x50  }
0x68: {  	[sflag:s21] =	ssyncset.done $0x0  }
0x69: {  	[sflag:s21] =	ssyncadd.s32 $0xFFFFFFB0  }
0x6a: {  	[tilespmem:s22], [sflag:$0x8] =	stream.indirect.gather [hbm4b:s4+s7], $0x80, s31, s7, $0xb8;
	[tilespmem:$0x1BB00] =	vst v63  }
0x6b: {  	[bflag:$0x0] =	sbarrier.arrive $0xFFFF  }
0x6c: {  	_ =	swait.ge [sflag:s23], $0x2800  }
0x6d: {  	s11 =	rddreg [dreg:$0x1a]  }
0x6e: {  	[sflag:s23] =	ssyncset.done $0x0;
	s10 =	sshrl.u32 s11, $0x3  }
0x6f: {  	[sflag:s23] =	ssyncadd.s32 $0xFFFFD800;
	s25 =	sadd.s32 s5, s10  }
0x70: {  	[tilespmem:s3], [sflag:$0x1] =	stream.linear.gather [hbm4b:s25+s3], $0x50, $0x38;
	[tilespmem:$0x1BB00] =	vst v63  }
0x71: {  	_ =	swait.ge [sflag:s24], $0x50  }
0x72: {  	p0 =	por $0x1, $0x1;
	[sflag:s24] =	ssyncset.done $0x0  }
0x73: {  	s19 =	simm.s32 @!p0 $0xC;
	[sflag:s24] =	ssyncadd.s32 $0xFFFFFFB0  }
0x74: {  	[spmem:s1] =	stream.indirect.scatter.add.f32 [tilespmem:s9], [sflag:$0xA], $0x80, s2, s7, $0xb8;
	[tilespmem:$0x1BB00] =	vst v63  }
0x75: {  	_ =	swait.ge @!p0 [sflag:s19], $0x2800  }
0x76: {  	[sflag:s19] =	ssyncset.done @!p0 $0x0  }
0x77: {  	[sflag:s19] =	ssyncadd.s32 @!p0 $0xFFFFD800  }
0x78: {  	_ =	swait.ge [sflag:s26], $0x50  }
0x79: {  	[sflag:s26] =	ssyncset.done $0x0  }
0x7a: {  	s17 =	rddreg [dreg:$0x6];
	[sflag:s26] =	ssyncadd.s32 $0xFFFFFFB0  }
0x7b: {  	[tilespmem:s28], [sflag:$0x9] =	stream.indirect.gather [hbm4b:s4+s7], $0x80, s0, s7, $0xb8;
	[tilespmem:$0x1BB00] =	vst v63  }
0x7c: {  	s19 =	sadd.s32 $0x0, s17  }
0x7d: {  	[tilespmem:s29], [sflag:$0x6] =	stream.linear.gather [hbm4b:s19+s3], $0x50, $0x38;
	[tilespmem:$0x1BB00] =	vst v63  }
0x7e: {  	_ =	swait.ge [sflag:s30], $0x2800  }
0x7f: {  	s25 =	rddreg [dreg:$0x5];
	[sflag:s30] =	ssyncset.done $0x0  }
0x80: {  	[sflag:s30] =	ssyncadd.s32 $0xFFFFD800;
	s19 =	sadd.s32 $0x0, s25  }
0x81: {  	[tilespmem:s31], [sflag:$0x2] =	stream.linear.gather [hbm4b:s19+s3], $0x50, $0x38;
	[tilespmem:$0x1BB00] =	vst v63  }
0x82: {  	_ =	swait.ge [sflag:s20], $0x50  }
0x83: {  	[sflag:s20] =	ssyncset.done $0x0  }
0x84: {  	[sflag:s20] =	ssyncadd.s32 $0xFFFFFFB0  }
0x85: {  	[spmem:s1] =	stream.indirect.scatter.add.f32 [tilespmem:s22], [sflag:$0xB], $0x80, s8, s7, $0xb8;
	[tilespmem:$0x1BB00] =	vst v63  }
0x86: {  	_ =	swait.ge [sflag:s13], $0x2800  }
0x87: {  	[sflag:s13] =	ssyncset.done $0x0  }
0x88: {  	[sflag:s13] =	ssyncadd.s32 $0xFFFFD800  }
0x89: {  	_ =	swait.ge [sflag:s12], $0x50  }
0x8a: {  	[sflag:s12] =	ssyncset.done $0x0  }
0x8b: {  	[sflag:s12] =	ssyncadd.s32 $0xFFFFFFB0  }
0x8c: {  	[tilespmem:s9], [sflag:$0x7] =	stream.indirect.gather [hbm4b:s4+s7], $0x80, s3, s7, $0xb8;
	[tilespmem:$0x1BB00] =	vst v63  }
0x8d: {  	s10 =	sadd.s32 s6, s10  }
0x8e: {  	[tilespmem:s2], [sflag:$0x4] =	stream.linear.gather [hbm4b:s10+s3], $0x50, $0x38;
	[tilespmem:$0x1BB00] =	vst v63  }
0x8f: {  	p0 =	por $0x0, $0x0;
	_ =	swait.ge [sflag:s14], $0x2800  }
0x90: {  	s25 =	simm.s32 @!p0 $0x100;
	s10 =	rddreg [dreg:$0x7];
	[sflag:s14] =	ssyncset.done $0x0  }
0x91: {  	s19 =	simm.s32 @!p0 $0x0;
	[sflag:s14] =	ssyncadd.s32 $0xFFFFD800;
	s10 =	sadd.s32 @!p0 $0x0, s10  }
0x92: {  	[tilespmem:s25], [sflag:$0x3] =	stream.linear.gather @!p0 [hbm4b:s10+s19], $0x50, $0x38;
	[tilespmem:$0x1BB00] =	vst v63  }
0x93: {  	_ =	swait.ge [sflag:s15], $0x50  }
0x94: {  	[sflag:s15] =	ssyncset.done $0x0  }
0x95: {  	[sflag:s15] =	ssyncadd.s32 $0xFFFFFFB0  }
0x96: {  	[spmem:s1] =	stream.indirect.scatter.add.f32 [tilespmem:s28], [sflag:$0xC], $0x80, s29, s7, $0xb8;
	[tilespmem:$0x1BB00] =	vst v63  }
0x97: {  	_ =	swait.ge [sflag:s16], $0x2800  }
0x98: {  	[sflag:s16] =	ssyncset.done $0x0  }
0x99: {  	[sflag:s16] =	ssyncadd.s32 $0xFFFFD800  }
0x9a: {  	_ =	swait.ge [sflag:s21], $0x50  }
0x9b: {  	s19 =	simm.s32 $0x1E;
	[sflag:s21] =	ssyncset.done $0x0  }
0x9c: {  	s25 =	smov.u32 s11;
	s10 =	rddreg [dreg:$0x4];
	[sflag:s21] =	ssyncadd.s32 $0xFFFFFFB0  }
0x9d: {  	[tilespmem:s22], [sflag:$0x8] =	stream.indirect.gather [hbm4b:s4+s7], $0x80, s31, s7, $0xb8;
	[tilespmem:$0x1BB00] =	vst v63  }
.LBB2_4:
0x9e: {  	s10 =	sadd.s32 s18, s10  }
0x9f: {  	[tilespmem:s8], [sflag:$0x5] =	stream.linear.gather [hbm4b:s10+s3], $0x50, $0x38;
	[tilespmem:$0x1BB00] =	vst v63  }
0xa0: {  	s25 =	sadd.s32 $0xF0, s25;
	_ =	swait.ge [sflag:s23], $0x2800  }
0xa1: {  	s10 =	sshrl.u32 s25, $0x3;
	[sflag:s23] =	ssyncset.done $0x0  }
0xa2: {  	s17 =	sadd.s32 s5, s10;
	[sflag:s23] =	ssyncadd.s32 $0xFFFFD800  }
0xa3: {  	[tilespmem:s3], [sflag:$0x1] =	stream.linear.gather [hbm4b:s17+s3], $0x50, $0x38;
	[tilespmem:$0x1BB00] =	vst v63  }
0xa4: {  	s18 =	smov.u32 s19;
	_ =	swait.ge [sflag:s24], $0x50  }
0xa5: {  	p1 =	seq.s32 s18, $0x0;
	[sflag:s24] =	ssyncset.done $0x0  }
0xa6: {  	s17 =	simm.s32 @!p1 $0xC;
	[sflag:s24] =	ssyncadd.s32 $0xFFFFFFB0  }
0xa7: {  	[spmem:s1] =	stream.indirect.scatter.add.f32 [tilespmem:s9], [sflag:$0xA], $0x80, s2, s7, $0xb8;
	[tilespmem:$0x1BB00] =	vst v63  }
0xa8: {  	_ =	swait.ge @!p1 [sflag:s17], $0x2800  }
0xa9: {  	[sflag:s17] =	ssyncset.done @!p1 $0x0  }
0xaa: {  	[sflag:s17] =	ssyncadd.s32 @!p1 $0xFFFFD800  }
0xab: {  	_ =	swait.ge [sflag:s26], $0x50  }
0xac: {  	[sflag:s26] =	ssyncset.done $0x0  }
0xad: {  	s11 =	rddreg [dreg:$0x6];
	[sflag:s26] =	ssyncadd.s32 $0xFFFFFFB0  }
0xae: {  	[tilespmem:s28], [sflag:$0x9] =	stream.indirect.gather [hbm4b:s4+s7], $0x80, s0, s7, $0xb8;
	[tilespmem:$0x1BB00] =	vst v63  }
0xaf: {  	s17 =	sadd.s32 s18, s11  }
0xb0: {  	[tilespmem:s29], [sflag:$0x6] =	stream.linear.gather [hbm4b:s17+s3], $0x50, $0x38;
	[tilespmem:$0x1BB00] =	vst v63  }
0xb1: {  	_ =	swait.ge [sflag:s30], $0x2800  }
0xb2: {  	s11 =	rddreg [dreg:$0x5];
	[sflag:s30] =	ssyncset.done $0x0  }
0xb3: {  	[sflag:s30] =	ssyncadd.s32 $0xFFFFD800;
	s17 =	sadd.s32 s18, s11  }
0xb4: {  	[tilespmem:s31], [sflag:$0x2] =	stream.linear.gather [hbm4b:s17+s3], $0x50, $0x38;
	[tilespmem:$0x1BB00] =	vst v63  }
0xb5: {  	_ =	swait.ge [sflag:s20], $0x50  }
0xb6: {  	[sflag:s20] =	ssyncset.done $0x0  }
0xb7: {  	[sflag:s20] =	ssyncadd.s32 $0xFFFFFFB0  }
0xb8: {  	[spmem:s1] =	stream.indirect.scatter.add.f32 [tilespmem:s22], [sflag:$0xB], $0x80, s8, s7, $0xb8;
	[tilespmem:$0x1BB00] =	vst v63  }
0xb9: {  	_ =	swait.ge [sflag:s13], $0x2800  }
0xba: {  	[sflag:s13] =	ssyncset.done $0x0  }
0xbb: {  	[sflag:s13] =	ssyncadd.s32 $0xFFFFD800  }
0xbc: {  	_ =	swait.ge [sflag:s12], $0x50  }
0xbd: {  	[sflag:s12] =	ssyncset.done $0x0  }
0xbe: {  	[sflag:s12] =	ssyncadd.s32 $0xFFFFFFB0  }
0xbf: {  	[tilespmem:s9], [sflag:$0x7] =	stream.indirect.gather [hbm4b:s4+s7], $0x80, s3, s7, $0xb8;
	[tilespmem:$0x1BB00] =	vst v63  }
0xc0: {  	s10 =	sadd.s32 s6, s10  }
0xc1: {  	[tilespmem:s2], [sflag:$0x4] =	stream.linear.gather [hbm4b:s10+s3], $0x50, $0x38;
	[tilespmem:$0x1BB00] =	vst v63  }
0xc2: {  	p1 =	seq.s32 s18, $0x4B0;
	_ =	swait.ge [sflag:s14], $0x2800  }
0xc3: {  	s11 =	simm.s32 @!p1 $0x100;
	s10 =	rddreg [dreg:$0x7];
	[sflag:s14] =	ssyncset.done $0x0  }
0xc4: {  	s17 =	simm.s32 @!p1 $0x0;
	[sflag:s14] =	ssyncadd.s32 $0xFFFFD800;
	s10 =	sadd.s32 @!p1 s18, s10  }
0xc5: {  	[tilespmem:s11], [sflag:$0x3] =	stream.linear.gather @!p1 [hbm4b:s10+s17], $0x50, $0x38;
	[tilespmem:$0x1BB00] =	vst v63  }
0xc6: {  	_ =	swait.ge [sflag:s15], $0x50  }
0xc7: {  	[sflag:s15] =	ssyncset.done $0x0  }
0xc8: {  	[sflag:s15] =	ssyncadd.s32 $0xFFFFFFB0  }
0xc9: {  	[spmem:s1] =	stream.indirect.scatter.add.f32 [tilespmem:s28], [sflag:$0xC], $0x80, s29, s7, $0xb8;
	[tilespmem:$0x1BB00] =	vst v63  }
0xca: {  	s19 =	sadd.s32 $0x1E, s19;
	_ =	swait.ge [sflag:s16], $0x2800  }
0xcb: {  	p0 =	sne.s32 s19, $0x4CE;
	[sflag:s16] =	ssyncset.done $0x0  }
.Ltmp1:
0xcc: {  	[sflag:s16] =	ssyncadd.s32 $0xFFFFD800;
	(pc) =	sbr.rel @p0 .LBB2_4-.Ltmp1, $4  }
0xcd: {  	_ =	swait.ge [sflag:s21], $0x50  }
0xce: {  	[sflag:s21] =	ssyncset.done $0x0  }
0xcf: {  	s10 =	rddreg [dreg:$0x4];
	[sflag:s21] =	ssyncadd.s32 $0xFFFFFFB0  }
0xd0: {  	[tilespmem:s22], [sflag:$0x8] =	stream.indirect.gather [hbm4b:s4+s7], $0x80, s31, s7, $0xb8;
	[tilespmem:$0x1BB00] =	vst v63  }
0xd1: {  	s10 =	sadd.s32 s18, s10  }
0xd2: {  	[tilespmem:s8], [sflag:$0x5] =	stream.linear.gather [hbm4b:s10+s3], $0x50, $0x38;
	[tilespmem:$0x1BB00] =	vst v63  }
0xd3: {  	_ =	swait.ge [sflag:s23], $0x2800  }
0xd4: {  	[sflag:s23] =	ssyncset.done $0x0  }
0xd5: {  	[sflag:s23] =	ssyncadd.s32 $0xFFFFD800  }
0xd6: {  	_ =	swait.ge [sflag:s24], $0x50  }
0xd7: {  	[sflag:s24] =	ssyncset.done $0x0  }
0xd8: {  	[sflag:s24] =	ssyncadd.s32 $0xFFFFFFB0  }
0xd9: {  	[spmem:s1] =	stream.indirect.scatter.add.f32 [tilespmem:s9], [sflag:$0xA], $0x80, s2, s7, $0xb8;
	[tilespmem:$0x1BB00] =	vst v63  }
0xda: {  	_ =	swait.ge [sflag:s30], $0x2800  }
0xdb: {  	[sflag:s30] =	ssyncset.done $0x0  }
0xdc: {  	[sflag:s30] =	ssyncadd.s32 $0xFFFFD800  }
0xdd: {  	_ =	swait.ge [sflag:s20], $0x50  }
0xde: {  	[sflag:s20] =	ssyncset.done $0x0  }
0xdf: {  	s25 =	simm.s32 $0xC;
	[sflag:s20] =	ssyncadd.s32 $0xFFFFFFB0  }
0xe0: {  	[spmem:s1] =	stream.indirect.scatter.add.f32 [tilespmem:s22], [sflag:$0xB], $0x80, s8, s7, $0xb8;
	[tilespmem:$0x1BB00] =	vst v63  }
0xe1: {  	_ =	swait.ge [sflag:s25], $0x2800  }
0xe2: {  	[sflag:s25] =	ssyncset.done $0x0  }
0xe3: {  	[sflag:s25] =	ssyncadd.s32 $0xFFFFD800  }
0xe4: {  	_ =	swait.ge [sflag:s13], $0x2800  }
0xe5: {  	[sflag:s13] =	ssyncset.done $0x0  }
0xe6: {  	[sflag:s13] =	ssyncadd.s32 $0xFFFFD800  }
0xe7: {  	_ =	swait.ge [sflag:s16], $0x2800  }
0xe8: {  	[sflag:s16] =	ssyncset.done $0x0  }
0xe9: {  	[sflag:s16] =	ssyncadd.s32 $0xFFFFD800  }
0xea: {  	[bflag:$0x0] =	sbarrier.arrive $0xFFFF  }
0xeb: {  	s18 =	simm.s32 $0xD;
	s11 =	rddreg [dreg:$0xb]  }
0xec: {  	[tilespmem:s9], [sflag:$0xD] =	stream.linear.gather [spmem:s11], $0x2800, $0x38;
	[tilespmem:$0x1BB00] =	vst v63  }
0xed: {  	_ =	swait.ge [sflag:s18], $0x2800  }
0xee: {  	[sflag:s18] =	ssyncset.done $0x0  }
0xef: {  	s17 =	rddreg [dreg:$0x15];
	[sflag:s18] =	ssyncadd.s32 $0xFFFFD800  }
0xf0: {  	[hbm4b:s17+s3] =	stream.linear.scatter [tilespmem:s9], [sflag:$0xD], $0x2800, $0x38;
	[tilespmem:$0x1BB00] =	vst v63  }
0xf1: {  	_ =	swait.ge [sflag:s18], $0x2800  }
0xf2: {  	[sflag:s18] =	ssyncset.done $0x0  }
0xf3: {  	s11 =	rddreg [dreg:$0xe];
	[sflag:s18] =	ssyncadd.s32 $0xFFFFD800  }
0xf4: {  	[tilespmem:s9], [sflag:$0xD] =	stream.linear.gather [spmem:s11], $0x2800, $0x38;
	[tilespmem:$0x1BB00] =	vst v63  }
0xf5: {  	_ =	swait.ge [sflag:s18], $0x2800  }
0xf6: {  	[sflag:s18] =	ssyncset.done $0x0  }
0xf7: {  	s19 =	rddreg [dreg:$0x16];
	[sflag:s18] =	ssyncadd.s32 $0xFFFFD800  }
0xf8: {  	[hbm4b:s19+s3] =	stream.linear.scatter [tilespmem:s9], [sflag:$0xD], $0x2800, $0x38;
	[tilespmem:$0x1BB00] =	vst v63  }
0xf9: {  	_ =	swait.ge [sflag:s18], $0x2800  }
0xfa: {  	[sflag:s18] =	ssyncset.done $0x0  }
0xfb: {  	s19 =	rddreg [dreg:$0xf];
	[sflag:s18] =	ssyncadd.s32 $0xFFFFD800  }
0xfc: {  	[tilespmem:s9], [sflag:$0xD] =	stream.linear.gather [spmem:s19], $0x2800, $0x38;
	[tilespmem:$0x1BB00] =	vst v63  }
0xfd: {  	_ =	swait.ge [sflag:s18], $0x2800  }
0xfe: {  	[sflag:s18] =	ssyncset.done $0x0  }
0xff: {  	s25 =	rddreg [dreg:$0x17];
	[sflag:s18] =	ssyncadd.s32 $0xFFFFD800  }
0x100: {  	[hbm4b:s25+s3] =	stream.linear.scatter [tilespmem:s9], [sflag:$0xD], $0x2800, $0x38;
	[tilespmem:$0x1BB00] =	vst v63  }
0x101: {  	_ =	swait.ge [sflag:s18], $0x2800  }
0x102: {  	[sflag:s18] =	ssyncset.done $0x0  }
0x103: {  	s25 =	rddreg [dreg:$0x10];
	[sflag:s18] =	ssyncadd.s32 $0xFFFFD800  }
0x104: {  	[tilespmem:s9], [sflag:$0xD] =	stream.linear.gather [spmem:s25], $0x2800, $0x38;
	[tilespmem:$0x1BB00] =	vst v63  }
0x105: {  	_ =	swait.ge [sflag:s18], $0x2800  }
0x106: {  	[sflag:s18] =	ssyncset.done $0x0  }
0x107: {  	s17 =	rddreg [dreg:$0x18];
	[sflag:s18] =	ssyncadd.s32 $0xFFFFD800  }
0x108: {  	[hbm4b:s17+s3] =	stream.linear.scatter [tilespmem:s9], [sflag:$0xD], $0x2800, $0x38;
	[tilespmem:$0x1BB00] =	vst v63  }
0x109: {  	_ =	swait.ge [sflag:s18], $0x2800  }
0x10a: {  	[sflag:s18] =	ssyncset.done $0x0  }
0x10b: {  	s17 =	rddreg [dreg:$0x11];
	[sflag:s18] =	ssyncadd.s32 $0xFFFFD800  }
0x10c: {  	[tilespmem:s9], [sflag:$0xD] =	stream.linear.gather [spmem:s17], $0x2800, $0x38;
	[tilespmem:$0x1BB00] =	vst v63  }
0x10d: {  	_ =	swait.ge [sflag:s18], $0x2800  }
0x10e: {  	[sflag:s18] =	ssyncset.done $0x0  }
0x10f: {  	s17 =	rddreg [dreg:$0x1b];
	[sflag:s18] =	ssyncadd.s32 $0xFFFFD800  }
0x110: {  	[hbm4b:s17+s3] =	stream.linear.scatter [tilespmem:s9], [sflag:$0xD], $0x2800, $0x38;
	[tilespmem:$0x1BB00] =	vst v63  }
0x111: {  	_ =	swait.ge [sflag:s18], $0x2800  }
0x112: {  	[sflag:s18] =	ssyncset.done $0x0  }
0x113: {  	s17 =	rddreg [dreg:$0x12];
	[sflag:s18] =	ssyncadd.s32 $0xFFFFD800  }
0x114: {  	[tilespmem:s9], [sflag:$0xD] =	stream.linear.gather [spmem:s17], $0x2800, $0x38;
	[tilespmem:$0x1BB00] =	vst v63  }
0x115: {  	_ =	swait.ge [sflag:s18], $0x2800  }
0x116: {  	[sflag:s18] =	ssyncset.done $0x0  }
0x117: {  	s17 =	rddreg [dreg:$0x1c];
	[sflag:s18] =	ssyncadd.s32 $0xFFFFD800  }
0x118: {  	[hbm4b:s17+s3] =	stream.linear.scatter [tilespmem:s9], [sflag:$0xD], $0x2800, $0x38;
	[tilespmem:$0x1BB00] =	vst v63  }
0x119: {  	_ =	swait.ge [sflag:s18], $0x2800  }
0x11a: {  	[sflag:s18] =	ssyncset.done $0x0  }
0x11b: {  	s17 =	rddreg [dreg:$0x13];
	[sflag:s18] =	ssyncadd.s32 $0xFFFFD800  }
0x11c: {  	[tilespmem:s9], [sflag:$0xD] =	stream.linear.gather [spmem:s17], $0x2800, $0x38;
	[tilespmem:$0x1BB00] =	vst v63  }
0x11d: {  	_ =	swait.ge [sflag:s18], $0x2800  }
0x11e: {  	[sflag:s18] =	ssyncset.done $0x0  }
0x11f: {  	s17 =	rddreg [dreg:$0x1d];
	[sflag:s18] =	ssyncadd.s32 $0xFFFFD800  }
0x120: {  	[hbm4b:s17+s3] =	stream.linear.scatter [tilespmem:s9], [sflag:$0xD], $0x2800, $0x38;
	[tilespmem:$0x1BB00] =	vst v63  }
0x121: {  	_ =	swait.ge [sflag:s18], $0x2800  }
0x122: {  	[sflag:s18] =	ssyncset.done $0x0  }
0x123: {  	s17 =	rddreg [dreg:$0x14];
	[sflag:s18] =	ssyncadd.s32 $0xFFFFD800  }
0x124: {  	[tilespmem:s9], [sflag:$0xD] =	stream.linear.gather [spmem:s17], $0x2800, $0x38;
	[tilespmem:$0x1BB00] =	vst v63  }
0x125: {  	_ =	swait.ge [sflag:s18], $0x2800  }
0x126: {  	[sflag:s18] =	ssyncset.done $0x0  }
0x127: {  	s17 =	rddreg [dreg:$0x1e];
	[sflag:s18] =	ssyncadd.s32 $0xFFFFD800  }
0x128: {  	[hbm4b:s17+s3] =	stream.linear.scatter [tilespmem:s9], [sflag:$0xD], $0x2800, $0x38;
	[tilespmem:$0x1BB00] =	vst v63  }
0x129: {  	_ =	swait.ge [sflag:s18], $0x2800  }
0x12a: {  	s17 =	rddreg [dreg:$0x1f]  }
0x12b: {  	s10 =	rddreg [dreg:$0x19];
	s17 =	sadd.s32 $0x1, s17  }
0x12c: {  	p0 =	sne.s32 s17, s10  }
.Ltmp2:
0x12d: {  	_ = 	snop;
	(pc) =	sbr.rel @p0 .LBB2_1-.Ltmp2, $3  }
0x12e: {  	_ =	sdelay $0x1  }
0x12f: {  	[sflag:s18] =	ssyncset.done $0x0  }
0x130: {  	[sflag:s18] =	ssyncadd.s32 $0xFFFFD800;
	[dreg:$0x1f] =	wrdreg s17  }
0x131: {  	_ =	sfence.sel $0x180000  }
0x132: {  	[bflag:$0x0] =	sbarrier.arrive $0xFFFF  }
0x133: {  	_ =	strace $0x90000047  }
0x134: {  	s0 =	stileid.u32;
	[bflag:$0x2] =	sbarrier.arrive $0xFFFF  }
0x135: {  	p0 =	sne.s32 s0, $0x0;
	s0 =	rddreg [dreg:$0x3]  }
0x136: {  	s0 =	sadd.s32 @!p0 $0x100000, s0  }
0x137: {  	[sflag:s0] =	ssyncadd.tile.s32 @!p0 $0x1;
	_ =	shalt  }
.Lfunc_end2:
_tile_overlayer_lowered:
.L_overlay_start_2:
0x138: {  	(tag) =	ssettag $0x2  }
0x139: {  	s0 =	rddreg [dreg:$0x0];
	s2 =	stileid.u32  }
0x13a: {  	s1 =	rddreg [dreg:$0x1];
	p0 =	sne.s32 s2, $0x0  }
0x13b: {  	s3 =	rddreg [dreg:$0x2];
	[bflag:$0x3] =	sbarrier.arrive $0xFFFF;
	s2 =	simm.s32 @!p0 $0x1C0D  }
0x13c: {  	[timem:s3], [sflag:s2] =	dma.local @!p0 [hbm:s0], s1  }
0x13d: {  	s0 =	simm.s32 @!p0 $0xD  }
0x13e: {  	_ =	swait.ge @!p0 [sflag:s0], s1  }
0x13f: {  	s1 =	ssub.s32 @!p0 $0x0, s1;
	[sflag:s0] =	ssyncset.done @!p0 $0x0  }
0x140: {  	[sflag:s0] =	ssyncadd.s32 @!p0 s1  }
0x141: {  	[bflag:$0x3] =	sbarrier.arrive $0xFFFF  }
0x142: {  	_ =	shalt  }

</sc_bundles>
